<compile_context>
chip_gen: v7x
topology: tpu7x:2x2x1
jax: 0.10.2.dev20260603
libtpu: 0.0.44.dev20260713+nightly
codegen_flags: <defaults>
</compile_context>

<pallas_src>
import functools

import jax
import jax.numpy as jnp
from jax.experimental import pallas as pl
from jax.experimental.pallas import tpu as pltpu
from jax.experimental.pallas import tpu_sc as plsc

_K = 32
_TAIL = 128
_CAP = 1024


def _score_kernel(q_ref, k_ref, s_ref):
    q = q_ref[0]
    k = k_ref[0]
    s = jax.lax.dot_general(q, k, (((1,), (1,)), ((), ())),
                            preferred_element_type=jnp.float32)
    sq, n_kv = s.shape
    m = jnp.max(s.reshape(sq, _K, n_kv // _K), axis=2)
    tau = jnp.min(m, axis=1, keepdims=True)
    s_ref[0] = jnp.concatenate(
        [s, jnp.broadcast_to(tau, (sq, _TAIL))], axis=1)


def _scores_tau(Qf, Kf):
    G, Sq, D = Qf.shape
    Skv = Kf.shape[1]
    return pl.pallas_call(
        _score_kernel,
        grid=(G,),
        in_specs=[pl.BlockSpec((1, Sq, D), lambda g: (g, 0, 0)),
                  pl.BlockSpec((1, Skv, D), lambda g: (g, 0, 0))],
        out_specs=pl.BlockSpec((1, Sq, Skv + _TAIL), lambda g: (g, 0, 0)),
        out_shape=jax.ShapeDtypeStruct((G, Sq, Skv + _TAIL), jnp.float32),
    )(Qf, Kf)


def _sc_topk_attention(G, Skv):
    hp = G // 32
    hd = _K * _K
    rw = Skv + _TAIL
    vstride = Skv * _K
    neg = jnp.float32(-jnp.inf)
    big = jnp.int32(1 << 30)

    mesh = plsc.VectorSubcoreMesh(core_axis_name="c", subcore_axis_name="s")

    @functools.partial(
        pl.kernel, mesh=mesh,
        compiler_params=pltpu.CompilerParams(needs_layout_passes=False),
        out_type=jax.ShapeDtypeStruct((G * hd,), jnp.float32),
        scratch_types=[
            pltpu.VMEM((8 * rw,), jnp.float32),
            pltpu.VMEM((_CAP,), jnp.float32),
            pltpu.VMEM((_CAP,), jnp.int32),
            pltpu.VMEM((hd,), jnp.int32),
            pltpu.VMEM((8, 128), jnp.int32),
            pltpu.VMEM((8, 128), jnp.float32),
            pltpu.VMEM((hd,), jnp.float32),
            pltpu.VMEM((hd,), jnp.float32),
            pltpu.SemaphoreType.DMA,
        ],
    )
    def sc_kernel(s_hbm, v_hbm, out_hbm,
                  rbuf, cv, ci, idx_v, fidx_v, tv_v, p_v, out_v, sem):
        wid = jax.lax.axis_index("s") * 2 + jax.lax.axis_index("c")
        iota = jax.lax.iota(jnp.int32, 16)
        zeros16 = jnp.zeros((16, 1), jnp.int32)
        dnums = jax.lax.GatherDimensionNumbers(
            offset_dims=(), collapsed_slice_dims=(0,), start_index_map=(0,))

        def bcast0(vec):
            return jax.lax.gather(
                vec, zeros16, dnums, (1,),
                mode=jax.lax.GatherScatterMode.PROMISE_IN_BOUNDS)

        fifteen16 = jnp.full((16, 1), 15, jnp.int32)

        def bcast15(vec):
            return jax.lax.gather(
                vec, fifteen16, dnums, (1,),
                mode=jax.lax.GatherScatterMode.PROMISE_IN_BOUNDS)

        def head_body(h, carry):
            head = wid * hp + h
            base = head * hd

            def block_body(b, carry):
                pltpu.sync_copy(
                    s_hbm.at[pl.ds((head * _K + b * 8) * rw, 8 * rw)], rbuf)

                def row_body(r, carry):
                    rb = r * rw
                    j = b * 8 + r
                    tau16 = rbuf[pl.ds(rb + Skv, 16)]

                    def grp_body(g, offv):
                        gb = rb + g * 128
                        svs = [rbuf[pl.ds(gb + v * 16, 16)]
                               for v in range(8)]
                        ms = [sv >= tau16 for sv in svs]
                        mo = ms[0]
                        for v in range(1, 8):
                            mo = jnp.logical_or(mo, ms[v])

                        def collect(offv):
                            cums = [plsc.cumsum(m.astype(jnp.int32))
                                    for m in ms]
                            for v in range(8):
                                pos = jnp.minimum(offv + cums[v] - 1,
                                                  _CAP - 1)
                                ixv = iota + (g * 128 + v * 16)
                                plsc.store_scatter(cv, [pos], svs[v],
                                                   mask=ms[v])
                                plsc.store_scatter(ci, [pos], ixv,
                                                   mask=ms[v])
                                offv = offv + bcast15(cums[v])
                            return offv

                        return jax.lax.cond(jnp.any(mo), collect,
                                            lambda o: o, offv)

                    offv = jax.lax.fori_loop(0, Skv // 128, grp_body,
                                             jnp.zeros((16,), jnp.int32))
                    plsc.store_scatter(
                        cv, [jnp.minimum(offv + iota, _CAP - 1)],
                        jnp.full((16,), neg))
                    off = jnp.max(offv)
                    nv = jnp.minimum((off + 15) // 16, _CAP // 16)

                    def ext_body(t, carry):
                        lo_v, hi_v, lo_i, hi_i = carry

                        def p1(u, bc):
                            bv, bi = bc
                            v = cv[pl.ds(u * 16, 16)]
                            ix = ci[pl.ds(u * 16, 16)]
                            bet = (v > bv) | ((v == bv) & (ix < bi))
                            return (jnp.where(bet, v, bv),
                                    jnp.where(bet, ix, bi))

                        bv, bi = jax.lax.fori_loop(
                            0, nv, p1,
                            (jnp.full((16,), neg), jnp.full((16,), big)))
                        mu = jnp.max(bv)
                        imin = jnp.min(jnp.where(bv == mu, bi, big))

                        def p2(u, c):
                            v = cv[pl.ds(u * 16, 16)]
                            ix = ci[pl.ds(u * 16, 16)]
                            kill = (v == mu) & (ix == imin)
                            cv[pl.ds(u * 16, 16)] = jnp.where(kill, neg, v)
                            return c
                        jax.lax.fori_loop(0, nv, p2, 0)

                        tl = iota == t
                        th = iota == (t - 16)
                        return (jnp.where(tl, mu, lo_v),
                                jnp.where(th, mu, hi_v),
                                jnp.where(tl, imin, lo_i),
                                jnp.where(th, imin, hi_i))

                    z16f = jnp.zeros((16,), jnp.float32)
                    z16i = jnp.zeros((16,), jnp.int32)
                    lo_v, hi_v, lo_i, hi_i = jax.lax.fori_loop(
                        0, _K, ext_body, (z16f, z16f, z16i, z16i))

                    mx = bcast0(lo_v)
                    el = jnp.exp(lo_v - mx)
                    eh = jnp.exp(hi_v - mx)
                    den = jnp.zeros((16,), jnp.float32) + (jnp.sum(el) +
                                                           jnp.sum(eh))
                    p_v[pl.ds(j * _K, 16)] = el / den
                    p_v[pl.ds(j * _K + 16, 16)] = eh / den
                    idx_v[pl.ds(j * _K, 16)] = lo_i
                    idx_v[pl.ds(j * _K + 16, 16)] = hi_i
                    return carry

                jax.lax.fori_loop(0, 8, row_body, 0)
                return carry

            jax.lax.fori_loop(0, 4, block_body, 0)

            voff = head * vstride
            for v in range(64):
                r, c0 = v // 8, (v % 8) * 16
                n0 = (v % 2) * 16
                sl = idx_v[pl.ds(v * 16, 16)]
                fidx_v[r, pl.ds(c0, 16)] = sl * _K + (iota + (n0 + voff))
            cps = [pltpu.async_copy(v_hbm.at[fidx_v.at[r]], tv_v.at[r], sem)
                   for r in range(8)]
            for cp in cps:
                cp.wait()

            def row_mm(i, carry):
                acc0 = jnp.zeros((16,), jnp.float32)
                acc1 = jnp.zeros((16,), jnp.float32)
                for gq in range(2):
                    pvec = p_v[pl.ds(i * _K + gq * 16, 16)]
                    for jj in range(16):
                        jr = gq * 16 + jj
                        pj = jax.lax.gather(
                            pvec, jnp.full((16, 1), jj, jnp.int32), dnums,
                            (1,),
                            mode=jax.lax.GatherScatterMode.PROMISE_IN_BOUNDS)
                        t0 = tv_v[jr // 4, pl.ds((jr % 4) * 32, 16)]
                        t1 = tv_v[jr // 4, pl.ds((jr % 4) * 32 + 16, 16)]
                        acc0 = acc0 + pj * t0
                        acc1 = acc1 + pj * t1
                out_v[pl.ds(i * _K, 16)] = acc0
                out_v[pl.ds(i * _K + 16, 16)] = acc1
                return carry
            jax.lax.fori_loop(0, _K, row_mm, 0)
            pltpu.sync_copy(out_v, out_hbm.at[pl.ds(base, hd)])
            return carry

        jax.lax.fori_loop(0, hp, head_body, 0)

    return sc_kernel


def kernel(Q, K, V):
    B, H, Sq, D = Q.shape
    Skv = K.shape[2]
    G = B * H
    Qf = Q.reshape(G, Sq, D)
    Kf = K.reshape(G, Skv, D)
    st = _scores_tau(Qf, Kf)
    sc = _sc_topk_attention(G, Skv)
    out = sc(st.reshape(G * Sq * (Skv + _TAIL)),
             V[..., :_K].reshape(G * Skv * _K))
    return out.reshape(B, H, Sq, _K)

# --- scband reference (transcript-rebuilt; emitter-appended) ---
"""Pipeline reference for scband-top-kattention-28140625723861 (READ-ONLY COPY).

The authoritative reference and input builder live on the scoring server;
editing this copy changes nothing except your own understanding.
"""

import jax, jax.numpy as jnp
import numpy as np

K_TOP = 32

def setup_inputs(seed: int = 0) -> dict:
    key = jax.random.key(seed)
    kq, kk, kv = jax.random.split(key, 3)
    Q = jax.random.normal(kq, (32, 16, 32, 64), dtype=jnp.float32)
    K = jax.random.normal(kk, (32, 16, 8192, 64), dtype=jnp.float32)
    V = jax.random.normal(kv, (32, 16, 8192, 64), dtype=jnp.float32)
    return {"Q": Q, "K": K, "V": V}

def reference(Q, K, V):
    # attention_scores = Q @ K^T  -> [B, H, Sq, Skv]
    attention_scores = jnp.matmul(Q, jnp.swapaxes(K, -2, -1))
    # top-k over the kv axis (last dim)
    top_k_scores, top_k_indices = jax.lax.top_k(attention_scores, K_TOP)
    top_k_scores = jax.nn.softmax(top_k_scores, axis=-1)
    # torch.gather(V, -2, idx): out[b,h,m,n] = V[b,h, idx[b,h,m,n], n], n < K_TOP
    # only the first K_TOP columns of V are ever read, so slice then take_along_axis
    V_k = V[..., :K_TOP]
    top_k_values = jnp.take_along_axis(V_k, top_k_indices, axis=-2)
    # [B,H,Sq,k] @ [B,H,Sq,k] requires Sq == k (true here: 32 == 32)
    output = jnp.matmul(top_k_scores, top_k_values)
    return output

if __name__ == "__main__":
    import jax
    _d = setup_inputs()
    print(jax.jit(kernel)(*tuple(_d.values())))

</pallas_src>

<mosaic_0001>
#map = affine_map<(d0, d1) -> (0)>
module attributes {stable_mosaic.version = 14 : i64} {
  func.func @_rewritten_body(%arg0: i32, %arg1: i32, %arg2: memref<136314880xf32, #tpu.memory_space<hbm>>, %arg3: memref<134217728xf32, #tpu.memory_space<hbm>>, %arg4: memref<1xf32, #tpu.memory_space<hbm>>, %arg5: memref<1xi32, #tpu.memory_space<hbm>>, %arg6: memref<524288xf32, #tpu.memory_space<hbm>>, %arg7: memref<66560xf32, #tpu.memory_space<vmem>>, %arg8: memref<1024xf32, #tpu.memory_space<vmem>>, %arg9: memref<1024xi32, #tpu.memory_space<vmem>>, %arg10: memref<1024xi32, #tpu.memory_space<vmem>>, %arg11: memref<8x128xi32, #tpu.memory_space<vmem>>, %arg12: memref<8x128xf32, #tpu.memory_space<vmem>>, %arg13: memref<1024xf32, #tpu.memory_space<vmem>>, %arg14: memref<1024xf32, #tpu.memory_space<vmem>>, %arg15: memref<!tpu.dma_semaphore, #tpu.memory_space<semaphore_mem>>) attributes {dimension_semantics = [#tpu.dimension_semantics<core_parallel>, #tpu.dimension_semantics<subcore_parallel>], iteration_bounds = array<i64: 2, 16>, scalar_prefetch = 0 : i64, scratch_operands = 9 : i64, tpu.core_type = #tpu.core_type<sc_vector_subcore>, window_params = [{transform_indices = #map}, {transform_indices = #map}, {transform_indices = #map}, {transform_indices = #map}, {transform_indices = #map}]} {
    %empty_ref3A = memref.alloca() : memref<16xf32, #tpu.memory_space<vmem>>
    %empty_ref3A_0 = memref.alloca() : memref<16xi32, #tpu.memory_space<vmem>>
    "tpu.region"() ({
      %run_scoped3A = tpu.sem_alloc : memref<!tpu.dma_semaphore, #tpu.memory_space<semaphore_mem>>
      %dma_start3A = arith.constant 0 : i32
      %dma_start3A_15 = tpu.memref_slice %empty_ref3A[%dma_start3A] : memref<16xf32, #tpu.memory_space<vmem>> -> memref<1xf32, #tpu.memory_space<vmem>>
      %dma_start3A_16 = arith.constant 0 : i32
      %dma_start3A_17 = tpu.memref_slice %empty_ref3A[%dma_start3A_16] : memref<16xf32, #tpu.memory_space<vmem>> -> memref<1xf32, #tpu.memory_space<vmem>>
      tpu.enqueue_dma source(%arg4 : memref<1xf32, #tpu.memory_space<hbm>>) target(%dma_start3A_17 : memref<1xf32, #tpu.memory_space<vmem>>) target_semaphore(%run_scoped3A : memref<!tpu.dma_semaphore, #tpu.memory_space<semaphore_mem>>)
      %dma_start3A_18 = arith.constant 0 : i32
      %dma_start3A_19 = tpu.memref_slice %empty_ref3A_0[%dma_start3A_18] : memref<16xi32, #tpu.memory_space<vmem>> -> memref<1xi32, #tpu.memory_space<vmem>>
      %dma_start3A_20 = arith.constant 0 : i32
      %dma_start3A_21 = tpu.memref_slice %empty_ref3A_0[%dma_start3A_20] : memref<16xi32, #tpu.memory_space<vmem>> -> memref<1xi32, #tpu.memory_space<vmem>>
      tpu.enqueue_dma source(%arg5 : memref<1xi32, #tpu.memory_space<hbm>>) target(%dma_start3A_21 : memref<1xi32, #tpu.memory_space<vmem>>) target_semaphore(%run_scoped3A : memref<!tpu.dma_semaphore, #tpu.memory_space<semaphore_mem>>)
      %dma_wait3A = arith.constant 0 : i32
      %dma_wait3A_22 = tpu.memref_slice %empty_ref3A[%dma_wait3A] : memref<16xf32, #tpu.memory_space<vmem>> -> memref<1xf32, #tpu.memory_space<vmem>>
      %dma_wait3A_23 = arith.constant 0 : i32
      %dma_wait3A_24 = tpu.memref_slice %empty_ref3A[%dma_wait3A_23] : memref<16xf32, #tpu.memory_space<vmem>> -> memref<1xf32, #tpu.memory_space<vmem>>
      tpu.wait_dma2 semaphore(%run_scoped3A : memref<!tpu.dma_semaphore, #tpu.memory_space<semaphore_mem>>) src(%arg4 : memref<1xf32, #tpu.memory_space<hbm>>) dst(%dma_wait3A_24 : memref<1xf32, #tpu.memory_space<vmem>>)
      %dma_wait3A_25 = arith.constant 0 : i32
      %dma_wait3A_26 = tpu.memref_slice %empty_ref3A_0[%dma_wait3A_25] : memref<16xi32, #tpu.memory_space<vmem>> -> memref<1xi32, #tpu.memory_space<vmem>>
      %dma_wait3A_27 = arith.constant 0 : i32
      %dma_wait3A_28 = tpu.memref_slice %empty_ref3A_0[%dma_wait3A_27] : memref<16xi32, #tpu.memory_space<vmem>> -> memref<1xi32, #tpu.memory_space<vmem>>
      tpu.wait_dma2 semaphore(%run_scoped3A : memref<!tpu.dma_semaphore, #tpu.memory_space<semaphore_mem>>) src(%arg5 : memref<1xi32, #tpu.memory_space<hbm>>) dst(%dma_wait3A_28 : memref<1xi32, #tpu.memory_space<vmem>>)
      tpu.yield
    }) : () -> ()
    %get3A = arith.constant 0 : index
    %get3A_1 = tpu.vector_load %empty_ref3A[%get3A] {strides = array<i32>} : memref<16xf32, #tpu.memory_space<vmem>>, vector<16xf32>,
    %slice3A = vector.extract_strided_slice %get3A_1 {offsets = [0], sizes = [1], strides = [1]} : vector<16xf32> to vector<1xf32>
    %squeeze3A = vector.extract %slice3A[0] : f32 from vector<1xf32>
    %get3A_2 = arith.constant 0 : index
    %get3A_3 = tpu.vector_load %empty_ref3A_0[%get3A_2] {strides = array<i32>} : memref<16xi32, #tpu.memory_space<vmem>>, vector<16xi32>,
    %slice3A_4 = vector.extract_strided_slice %get3A_3 {offsets = [0], sizes = [1], strides = [1]} : vector<16xi32> to vector<1xi32>
    %squeeze3A_5 = vector.extract %slice3A_4[0] : i32 from vector<1xi32>
    %mul3A = arith.constant 2 : i32
    %mul3A_6 = arith.muli %arg1, %mul3A : i32
    %add3A = arith.addi %mul3A_6, %arg0 : i32
    %iota3A = tpu.iota {dimensions = array<i32: 0>} : vector<16xi32>
    %broadcast_in_dim3A = arith.constant 0 : i32
    %broadcast_in_dim3A_7 = vector.broadcast %broadcast_in_dim3A : i32 to vector<16x1xi32>
    %broadcast_in_dim3A_8 = arith.constant 15 : i32
    %broadcast_in_dim3A_9 = vector.broadcast %broadcast_in_dim3A_8 : i32 to vector<16x1xi32>
    %scan3A = arith.constant 0 : i32
    %scan3A_10 = arith.constant 0 : i32
    %scan3A_11 = arith.constant 16 : i32
    %scan3A_12 = arith.addi %scan3A_10, %scan3A_11 : i32
    %scan3A_13 = arith.constant 1 : i32
    scf.for %scan3A_15 = %scan3A_10 to %scan3A_12 step %scan3A_13  : i32 {
      %mul3A_16 = arith.constant 16 : i32
      %mul3A_17 = arith.muli %add3A, %mul3A_16 : i32
      %add3A_18 = arith.addi %mul3A_17, %scan3A_15 : i32
      %mul3A_19 = arith.constant 1024 : i32
      %mul3A_20 = arith.muli %add3A_18, %mul3A_19 : i32
      %scan3A_21 = arith.constant 0 : i32
      %scan3A_22 = arith.constant 0 : i32
      %scan3A_23 = arith.constant 4 : i32
      %scan3A_24 = arith.addi %scan3A_22, %scan3A_23 : i32
      %scan3A_25 = arith.constant 1 : i32
      scf.for %scan3A_1088 = %scan3A_22 to %scan3A_24 step %scan3A_25  : i32 {
        %mul3A_1089 = arith.constant 32 : i32
        %mul3A_1090 = arith.muli %add3A_18, %mul3A_1089 : i32
        %mul3A_1091 = arith.constant 8 : i32
        %mul3A_1092 = arith.muli %scan3A_1088, %mul3A_1091 : i32
        %add3A_1093 = arith.addi %mul3A_1090, %mul3A_1092 : i32
        %mul3A_1094 = arith.constant 8320 : i32
        %mul3A_1095 = arith.muli %add3A_1093, %mul3A_1094 : i32
        "tpu.region"() ({
          %run_scoped3A = tpu.sem_alloc : memref<!tpu.dma_semaphore, #tpu.memory_space<semaphore_mem>>
          %dma_start3A_1102 = tpu.memref_slice %arg2[%mul3A_1095] : memref<136314880xf32, #tpu.memory_space<hbm>> -> memref<66560xf32, #tpu.memory_space<hbm>>
          %dma_start3A_1103 = tpu.memref_slice %arg2[%mul3A_1095] : memref<136314880xf32, #tpu.memory_space<hbm>> -> memref<66560xf32, #tpu.memory_space<hbm>>
          tpu.enqueue_dma source(%dma_start3A_1103 : memref<66560xf32, #tpu.memory_space<hbm>>) target(%arg7 : memref<66560xf32, #tpu.memory_space<vmem>>) target_semaphore(%run_scoped3A : memref<!tpu.dma_semaphore, #tpu.memory_space<semaphore_mem>>)
          %dma_wait3A_1104 = tpu.memref_slice %arg2[%mul3A_1095] : memref<136314880xf32, #tpu.memory_space<hbm>> -> memref<66560xf32, #tpu.memory_space<hbm>>
          %dma_wait3A_1105 = tpu.memref_slice %arg2[%mul3A_1095] : memref<136314880xf32, #tpu.memory_space<hbm>> -> memref<66560xf32, #tpu.memory_space<hbm>>
          tpu.wait_dma2 semaphore(%run_scoped3A : memref<!tpu.dma_semaphore, #tpu.memory_space<semaphore_mem>>) src(%dma_wait3A_1105 : memref<66560xf32, #tpu.memory_space<hbm>>) dst(%arg7 : memref<66560xf32, #tpu.memory_space<vmem>>)
          tpu.yield
        }) : () -> ()
        %scan3A_1096 = arith.constant 0 : i32
        %scan3A_1097 = arith.constant 0 : i32
        %scan3A_1098 = arith.constant 8 : i32
        %scan3A_1099 = arith.addi %scan3A_1097, %scan3A_1098 : i32
        %scan3A_1100 = arith.constant 1 : i32
        scf.for %scan3A_1102 = %scan3A_1097 to %scan3A_1099 step %scan3A_1100  : i32 {
          %mul3A_1103 = arith.constant 8320 : i32
          %mul3A_1104 = arith.muli %scan3A_1102, %mul3A_1103 : i32
          %mul3A_1105 = arith.constant 8 : i32
          %mul3A_1106 = arith.muli %scan3A_1088, %mul3A_1105 : i32
          %add3A_1107 = arith.addi %mul3A_1106, %scan3A_1102 : i32
          %add3A_1108 = arith.constant 8192 : i32
          %add3A_1109 = arith.addi %mul3A_1104, %add3A_1108 : i32
          %get3A_1110 = arith.index_cast %add3A_1109 : i32 to index
          %get3A_1111 = tpu.vector_load %arg7[%get3A_1110] {strides = array<i32>} : memref<66560xf32, #tpu.memory_space<vmem>>, vector<16xf32>,
          %broadcast_in_dim3A_1112 = arith.constant 0 : i32
          %broadcast_in_dim3A_1113 = vector.broadcast %broadcast_in_dim3A_1112 : i32 to vector<16xi32>
          %scan3A_1114 = arith.constant 0 : i32
          %scan3A_1115 = arith.constant 64 : i32
          %scan3A_1116 = arith.addi %scan3A_1114, %scan3A_1115 : i32
          %scan3A_1117 = arith.constant 1 : i32
          %scan3A_1118 = scf.for %scan3A_1199 = %scan3A_1114 to %scan3A_1116 step %scan3A_1117 iter_args(%scan3A_1200 = %broadcast_in_dim3A_1113) -> (vector<16xi32>)  : i32 {
            %mul3A_1201 = arith.constant 128 : i32
            %mul3A_1202 = arith.muli %scan3A_1199, %mul3A_1201 : i32
            %add3A_1203 = arith.addi %mul3A_1104, %mul3A_1202 : i32
            %add3A_1204 = arith.constant 0 : i32
            %add3A_1205 = arith.addi %add3A_1203, %add3A_1204 : i32
            %get3A_1206 = arith.index_cast %add3A_1205 : i32 to index
            %get3A_1207 = tpu.vector_load %arg7[%get3A_1206] {strides = array<i32>} : memref<66560xf32, #tpu.memory_space<vmem>>, vector<16xf32>,
            %add3A_1208 = arith.constant 16 : i32
            %add3A_1209 = arith.addi %add3A_1203, %add3A_1208 : i32
            %get3A_1210 = arith.index_cast %add3A_1209 : i32 to index
            %get3A_1211 = tpu.vector_load %arg7[%get3A_1210] {strides = array<i32>} : memref<66560xf32, #tpu.memory_space<vmem>>, vector<16xf32>,
            %add3A_1212 = arith.constant 32 : i32
            %add3A_1213 = arith.addi %add3A_1203, %add3A_1212 : i32
            %get3A_1214 = arith.index_cast %add3A_1213 : i32 to index
            %get3A_1215 = tpu.vector_load %arg7[%get3A_1214] {strides = array<i32>} : memref<66560xf32, #tpu.memory_space<vmem>>, vector<16xf32>,
            %add3A_1216 = arith.constant 48 : i32
            %add3A_1217 = arith.addi %add3A_1203, %add3A_1216 : i32
            %get3A_1218 = arith.index_cast %add3A_1217 : i32 to index
            %get3A_1219 = tpu.vector_load %arg7[%get3A_1218] {strides = array<i32>} : memref<66560xf32, #tpu.memory_space<vmem>>, vector<16xf32>,
            %add3A_1220 = arith.constant 64 : i32
            %add3A_1221 = arith.addi %add3A_1203, %add3A_1220 : i32
            %get3A_1222 = arith.index_cast %add3A_1221 : i32 to index
            %get3A_1223 = tpu.vector_load %arg7[%get3A_1222] {strides = array<i32>} : memref<66560xf32, #tpu.memory_space<vmem>>, vector<16xf32>,
            %add3A_1224 = arith.constant 80 : i32
            %add3A_1225 = arith.addi %add3A_1203, %add3A_1224 : i32
            %get3A_1226 = arith.index_cast %add3A_1225 : i32 to index
            %get3A_1227 = tpu.vector_load %arg7[%get3A_1226] {strides = array<i32>} : memref<66560xf32, #tpu.memory_space<vmem>>, vector<16xf32>,
            %add3A_1228 = arith.constant 96 : i32
            %add3A_1229 = arith.addi %add3A_1203, %add3A_1228 : i32
            %get3A_1230 = arith.index_cast %add3A_1229 : i32 to index
            %get3A_1231 = tpu.vector_load %arg7[%get3A_1230] {strides = array<i32>} : memref<66560xf32, #tpu.memory_space<vmem>>, vector<16xf32>,
            %add3A_1232 = arith.constant 112 : i32
            %add3A_1233 = arith.addi %add3A_1203, %add3A_1232 : i32
            %get3A_1234 = arith.index_cast %add3A_1233 : i32 to index
            %get3A_1235 = tpu.vector_load %arg7[%get3A_1234] {strides = array<i32>} : memref<66560xf32, #tpu.memory_space<vmem>>, vector<16xf32>,
            %ge3A = arith.cmpf oge, %get3A_1207, %get3A_1111 : vector<16xf32>
            %ge3A_1236 = arith.cmpf oge, %get3A_1211, %get3A_1111 : vector<16xf32>
            %ge3A_1237 = arith.cmpf oge, %get3A_1215, %get3A_1111 : vector<16xf32>
            %ge3A_1238 = arith.cmpf oge, %get3A_1219, %get3A_1111 : vector<16xf32>
            %ge3A_1239 = arith.cmpf oge, %get3A_1223, %get3A_1111 : vector<16xf32>
            %ge3A_1240 = arith.cmpf oge, %get3A_1227, %get3A_1111 : vector<16xf32>
            %ge3A_1241 = arith.cmpf oge, %get3A_1231, %get3A_1111 : vector<16xf32>
            %ge3A_1242 = arith.cmpf oge, %get3A_1235, %get3A_1111 : vector<16xf32>
            %or3A = arith.ori %ge3A, %ge3A_1236 : vector<16xi1>
            %or3A_1243 = arith.ori %or3A, %ge3A_1237 : vector<16xi1>
            %or3A_1244 = arith.ori %or3A_1243, %ge3A_1238 : vector<16xi1>
            %or3A_1245 = arith.ori %or3A_1244, %ge3A_1239 : vector<16xi1>
            %or3A_1246 = arith.ori %or3A_1245, %ge3A_1240 : vector<16xi1>
            %or3A_1247 = arith.ori %or3A_1246, %ge3A_1241 : vector<16xi1>
            %or3A_1248 = arith.ori %or3A_1247, %ge3A_1242 : vector<16xi1>
            %reduce_or3A = arith.constant 1.000000e+00 : f32
            %reduce_or3A_1249 = arith.constant 0.000000e+00 : f32
            %reduce_or3A_1250 = vector.broadcast %reduce_or3A : f32 to vector<16xf32>
            %reduce_or3A_1251 = vector.broadcast %reduce_or3A_1249 : f32 to vector<16xf32>
            %reduce_or3A_1252 = arith.select %or3A_1248, %reduce_or3A_1250, %reduce_or3A_1251 : vector<16xi1>, vector<16xf32>
            %reduce_or3A_1253 = arith.constant true
            %reduce_or3A_1254 = vector.broadcast %reduce_or3A_1253 : i1 to vector<16xi1>
            %reduce_or3A_1255 = tpu.scan <max>, %reduce_or3A_1252 masked %reduce_or3A_1254 : vector<16xf32>, vector<16xi1> -> vector<16xf32>
            %reduce_or3A_1256 = vector.extract %reduce_or3A_1255[15] : f32 from vector<16xf32>
            %reduce_or3A_1257 = arith.constant 0.000000e+00 : f32
            %reduce_or3A_1258 = arith.cmpf ogt, %reduce_or3A_1256, %reduce_or3A_1257 : f32
            %convert_element_type3A = arith.extui %reduce_or3A_1258 : i1 to i32
            %cond3A = arith.constant 0 : i32
            %cond3A_1259 = arith.cmpi ne, %convert_element_type3A, %cond3A : i32
            %cond3A_1260 = scf.if %cond3A_1259 -> (vector<16xi32>) {
              %convert_element_type3A_1261 = arith.extui %ge3A : vector<16xi1> to vector<16xi32>
              %broadcast_in_dim3A_1262 = arith.constant true
              %broadcast_in_dim3A_1263 = vector.broadcast %broadcast_in_dim3A_1262 : i1 to vector<16xi1>
              %masked_cumsum3A = tpu.scan <sum>, %convert_element_type3A_1261 masked %broadcast_in_dim3A_1263 : vector<16xi32>, vector<16xi1> -> vector<16xi32>
              %convert_element_type3A_1264 = arith.extui %ge3A_1236 : vector<16xi1> to vector<16xi32>
              %broadcast_in_dim3A_1265 = arith.constant true
              %broadcast_in_dim3A_1266 = vector.broadcast %broadcast_in_dim3A_1265 : i1 to vector<16xi1>
              %masked_cumsum3A_1267 = tpu.scan <sum>, %convert_element_type3A_1264 masked %broadcast_in_dim3A_1266 : vector<16xi32>, vector<16xi1> -> vector<16xi32>
              %convert_element_type3A_1268 = arith.extui %ge3A_1237 : vector<16xi1> to vector<16xi32>
              %broadcast_in_dim3A_1269 = arith.constant true
              %broadcast_in_dim3A_1270 = vector.broadcast %broadcast_in_dim3A_1269 : i1 to vector<16xi1>
              %masked_cumsum3A_1271 = tpu.scan <sum>, %convert_element_type3A_1268 masked %broadcast_in_dim3A_1270 : vector<16xi32>, vector<16xi1> -> vector<16xi32>
              %convert_element_type3A_1272 = arith.extui %ge3A_1238 : vector<16xi1> to vector<16xi32>
              %broadcast_in_dim3A_1273 = arith.constant true
              %broadcast_in_dim3A_1274 = vector.broadcast %broadcast_in_dim3A_1273 : i1 to vector<16xi1>
              %masked_cumsum3A_1275 = tpu.scan <sum>, %convert_element_type3A_1272 masked %broadcast_in_dim3A_1274 : vector<16xi32>, vector<16xi1> -> vector<16xi32>
              %convert_element_type3A_1276 = arith.extui %ge3A_1239 : vector<16xi1> to vector<16xi32>
              %broadcast_in_dim3A_1277 = arith.constant true
              %broadcast_in_dim3A_1278 = vector.broadcast %broadcast_in_dim3A_1277 : i1 to vector<16xi1>
              %masked_cumsum3A_1279 = tpu.scan <sum>, %convert_element_type3A_1276 masked %broadcast_in_dim3A_1278 : vector<16xi32>, vector<16xi1> -> vector<16xi32>
              %convert_element_type3A_1280 = arith.extui %ge3A_1240 : vector<16xi1> to vector<16xi32>
              %broadcast_in_dim3A_1281 = arith.constant true
              %broadcast_in_dim3A_1282 = vector.broadcast %broadcast_in_dim3A_1281 : i1 to vector<16xi1>
              %masked_cumsum3A_1283 = tpu.scan <sum>, %convert_element_type3A_1280 masked %broadcast_in_dim3A_1282 : vector<16xi32>, vector<16xi1> -> vector<16xi32>
              %convert_element_type3A_1284 = arith.extui %ge3A_1241 : vector<16xi1> to vector<16xi32>
              %broadcast_in_dim3A_1285 = arith.constant true
              %broadcast_in_dim3A_1286 = vector.broadcast %broadcast_in_dim3A_1285 : i1 to vector<16xi1>
              %masked_cumsum3A_1287 = tpu.scan <sum>, %convert_element_type3A_1284 masked %broadcast_in_dim3A_1286 : vector<16xi32>, vector<16xi1> -> vector<16xi32>
              %convert_element_type3A_1288 = arith.extui %ge3A_1242 : vector<16xi1> to vector<16xi32>
              %broadcast_in_dim3A_1289 = arith.constant true
              %broadcast_in_dim3A_1290 = vector.broadcast %broadcast_in_dim3A_1289 : i1 to vector<16xi1>
              %masked_cumsum3A_1291 = tpu.scan <sum>, %convert_element_type3A_1288 masked %broadcast_in_dim3A_1290 : vector<16xi32>, vector<16xi1> -> vector<16xi32>
              %add3A_1292 = arith.addi %scan3A_1200, %masked_cumsum3A : vector<16xi32>
              %sub3A_1293 = arith.constant 1 : i32
              %sub3A_1294 = vector.broadcast %sub3A_1293 : i32 to vector<16xi32>
              %sub3A_1295 = arith.subi %add3A_1292, %sub3A_1294 : vector<16xi32>
              %min3A_1296 = arith.constant 1023 : i32
              %min3A_1297 = vector.broadcast %min3A_1296 : i32 to vector<16xi32>
              %min3A_1298 = arith.minsi %sub3A_1295, %min3A_1297 : vector<16xi32>
              %mul3A_1299 = arith.constant 128 : i32
              %mul3A_1300 = arith.muli %scan3A_1199, %mul3A_1299 : i32
              %add3A_1301 = arith.constant 0 : i32
              %add3A_1302 = arith.addi %mul3A_1300, %add3A_1301 : i32
              %add3A_1303 = vector.broadcast %add3A_1302 : i32 to vector<16xi32>
              %add3A_1304 = arith.addi %iota3A, %add3A_1303 : vector<16xi32>
              tpu.vector_store_idx %arg8[%min3A_1298], %get3A_1207 masked %ge3A : memref<1024xf32, #tpu.memory_space<vmem>>[vector<16xi32>], vector<16xf32>, vector<16xi1>
              tpu.vector_store_idx %arg9[%min3A_1298], %add3A_1304 masked %ge3A : memref<1024xi32, #tpu.memory_space<vmem>>[vector<16xi32>], vector<16xi32>, vector<16xi1>
              %gather3A_1305 = vector.shape_cast %broadcast_in_dim3A_9 : vector<16x1xi32> to vector<16xi32>
              %gather3A_1306 = tpu.dynamic_gather %masked_cumsum3A[%gather3A_1305] in [0] : vector<16xi32>, vector<16xi32> -> vector<16xi32>
              %add3A_1307 = arith.addi %scan3A_1200, %gather3A_1306 : vector<16xi32>
              %add3A_1308 = arith.addi %add3A_1307, %masked_cumsum3A_1267 : vector<16xi32>
              %sub3A_1309 = arith.constant 1 : i32
              %sub3A_1310 = vector.broadcast %sub3A_1309 : i32 to vector<16xi32>
              %sub3A_1311 = arith.subi %add3A_1308, %sub3A_1310 : vector<16xi32>
              %min3A_1312 = arith.constant 1023 : i32
              %min3A_1313 = vector.broadcast %min3A_1312 : i32 to vector<16xi32>
              %min3A_1314 = arith.minsi %sub3A_1311, %min3A_1313 : vector<16xi32>
              %mul3A_1315 = arith.constant 128 : i32
              %mul3A_1316 = arith.muli %scan3A_1199, %mul3A_1315 : i32
              %add3A_1317 = arith.constant 16 : i32
              %add3A_1318 = arith.addi %mul3A_1316, %add3A_1317 : i32
              %add3A_1319 = vector.broadcast %add3A_1318 : i32 to vector<16xi32>
              %add3A_1320 = arith.addi %iota3A, %add3A_1319 : vector<16xi32>
              tpu.vector_store_idx %arg8[%min3A_1314], %get3A_1211 masked %ge3A_1236 : memref<1024xf32, #tpu.memory_space<vmem>>[vector<16xi32>], vector<16xf32>, vector<16xi1>
              tpu.vector_store_idx %arg9[%min3A_1314], %add3A_1320 masked %ge3A_1236 : memref<1024xi32, #tpu.memory_space<vmem>>[vector<16xi32>], vector<16xi32>, vector<16xi1>
              %gather3A_1321 = vector.shape_cast %broadcast_in_dim3A_9 : vector<16x1xi32> to vector<16xi32>
              %gather3A_1322 = tpu.dynamic_gather %masked_cumsum3A_1267[%gather3A_1321] in [0] : vector<16xi32>, vector<16xi32> -> vector<16xi32>
              %add3A_1323 = arith.addi %add3A_1307, %gather3A_1322 : vector<16xi32>
              %add3A_1324 = arith.addi %add3A_1323, %masked_cumsum3A_1271 : vector<16xi32>
              %sub3A_1325 = arith.constant 1 : i32
              %sub3A_1326 = vector.broadcast %sub3A_1325 : i32 to vector<16xi32>
              %sub3A_1327 = arith.subi %add3A_1324, %sub3A_1326 : vector<16xi32>
              %min3A_1328 = arith.constant 1023 : i32
              %min3A_1329 = vector.broadcast %min3A_1328 : i32 to vector<16xi32>
              %min3A_1330 = arith.minsi %sub3A_1327, %min3A_1329 : vector<16xi32>
              %mul3A_1331 = arith.constant 128 : i32
              %mul3A_1332 = arith.muli %scan3A_1199, %mul3A_1331 : i32
              %add3A_1333 = arith.constant 32 : i32
              %add3A_1334 = arith.addi %mul3A_1332, %add3A_1333 : i32
              %add3A_1335 = vector.broadcast %add3A_1334 : i32 to vector<16xi32>
              %add3A_1336 = arith.addi %iota3A, %add3A_1335 : vector<16xi32>
              tpu.vector_store_idx %arg8[%min3A_1330], %get3A_1215 masked %ge3A_1237 : memref<1024xf32, #tpu.memory_space<vmem>>[vector<16xi32>], vector<16xf32>, vector<16xi1>
              tpu.vector_store_idx %arg9[%min3A_1330], %add3A_1336 masked %ge3A_1237 : memref<1024xi32, #tpu.memory_space<vmem>>[vector<16xi32>], vector<16xi32>, vector<16xi1>
              %gather3A_1337 = vector.shape_cast %broadcast_in_dim3A_9 : vector<16x1xi32> to vector<16xi32>
              %gather3A_1338 = tpu.dynamic_gather %masked_cumsum3A_1271[%gather3A_1337] in [0] : vector<16xi32>, vector<16xi32> -> vector<16xi32>
              %add3A_1339 = arith.addi %add3A_1323, %gather3A_1338 : vector<16xi32>
              %add3A_1340 = arith.addi %add3A_1339, %masked_cumsum3A_1275 : vector<16xi32>
              %sub3A_1341 = arith.constant 1 : i32
              %sub3A_1342 = vector.broadcast %sub3A_1341 : i32 to vector<16xi32>
              %sub3A_1343 = arith.subi %add3A_1340, %sub3A_1342 : vector<16xi32>
              %min3A_1344 = arith.constant 1023 : i32
              %min3A_1345 = vector.broadcast %min3A_1344 : i32 to vector<16xi32>
              %min3A_1346 = arith.minsi %sub3A_1343, %min3A_1345 : vector<16xi32>
              %mul3A_1347 = arith.constant 128 : i32
              %mul3A_1348 = arith.muli %scan3A_1199, %mul3A_1347 : i32
              %add3A_1349 = arith.constant 48 : i32
              %add3A_1350 = arith.addi %mul3A_1348, %add3A_1349 : i32
              %add3A_1351 = vector.broadcast %add3A_1350 : i32 to vector<16xi32>
              %add3A_1352 = arith.addi %iota3A, %add3A_1351 : vector<16xi32>
              tpu.vector_store_idx %arg8[%min3A_1346], %get3A_1219 masked %ge3A_1238 : memref<1024xf32, #tpu.memory_space<vmem>>[vector<16xi32>], vector<16xf32>, vector<16xi1>
              tpu.vector_store_idx %arg9[%min3A_1346], %add3A_1352 masked %ge3A_1238 : memref<1024xi32, #tpu.memory_space<vmem>>[vector<16xi32>], vector<16xi32>, vector<16xi1>
              %gather3A_1353 = vector.shape_cast %broadcast_in_dim3A_9 : vector<16x1xi32> to vector<16xi32>
              %gather3A_1354 = tpu.dynamic_gather %masked_cumsum3A_1275[%gather3A_1353] in [0] : vector<16xi32>, vector<16xi32> -> vector<16xi32>
              %add3A_1355 = arith.addi %add3A_1339, %gather3A_1354 : vector<16xi32>
              %add3A_1356 = arith.addi %add3A_1355, %masked_cumsum3A_1279 : vector<16xi32>
              %sub3A_1357 = arith.constant 1 : i32
              %sub3A_1358 = vector.broadcast %sub3A_1357 : i32 to vector<16xi32>
              %sub3A_1359 = arith.subi %add3A_1356, %sub3A_1358 : vector<16xi32>
              %min3A_1360 = arith.constant 1023 : i32
              %min3A_1361 = vector.broadcast %min3A_1360 : i32 to vector<16xi32>
              %min3A_1362 = arith.minsi %sub3A_1359, %min3A_1361 : vector<16xi32>
              %mul3A_1363 = arith.constant 128 : i32
              %mul3A_1364 = arith.muli %scan3A_1199, %mul3A_1363 : i32
              %add3A_1365 = arith.constant 64 : i32
              %add3A_1366 = arith.addi %mul3A_1364, %add3A_1365 : i32
              %add3A_1367 = vector.broadcast %add3A_1366 : i32 to vector<16xi32>
              %add3A_1368 = arith.addi %iota3A, %add3A_1367 : vector<16xi32>
              tpu.vector_store_idx %arg8[%min3A_1362], %get3A_1223 masked %ge3A_1239 : memref<1024xf32, #tpu.memory_space<vmem>>[vector<16xi32>], vector<16xf32>, vector<16xi1>
              tpu.vector_store_idx %arg9[%min3A_1362], %add3A_1368 masked %ge3A_1239 : memref<1024xi32, #tpu.memory_space<vmem>>[vector<16xi32>], vector<16xi32>, vector<16xi1>
              %gather3A_1369 = vector.shape_cast %broadcast_in_dim3A_9 : vector<16x1xi32> to vector<16xi32>
              %gather3A_1370 = tpu.dynamic_gather %masked_cumsum3A_1279[%gather3A_1369] in [0] : vector<16xi32>, vector<16xi32> -> vector<16xi32>
              %add3A_1371 = arith.addi %add3A_1355, %gather3A_1370 : vector<16xi32>
              %add3A_1372 = arith.addi %add3A_1371, %masked_cumsum3A_1283 : vector<16xi32>
              %sub3A_1373 = arith.constant 1 : i32
              %sub3A_1374 = vector.broadcast %sub3A_1373 : i32 to vector<16xi32>
              %sub3A_1375 = arith.subi %add3A_1372, %sub3A_1374 : vector<16xi32>
              %min3A_1376 = arith.constant 1023 : i32
              %min3A_1377 = vector.broadcast %min3A_1376 : i32 to vector<16xi32>
              %min3A_1378 = arith.minsi %sub3A_1375, %min3A_1377 : vector<16xi32>
              %mul3A_1379 = arith.constant 128 : i32
              %mul3A_1380 = arith.muli %scan3A_1199, %mul3A_1379 : i32
              %add3A_1381 = arith.constant 80 : i32
              %add3A_1382 = arith.addi %mul3A_1380, %add3A_1381 : i32
              %add3A_1383 = vector.broadcast %add3A_1382 : i32 to vector<16xi32>
              %add3A_1384 = arith.addi %iota3A, %add3A_1383 : vector<16xi32>
              tpu.vector_store_idx %arg8[%min3A_1378], %get3A_1227 masked %ge3A_1240 : memref<1024xf32, #tpu.memory_space<vmem>>[vector<16xi32>], vector<16xf32>, vector<16xi1>
              tpu.vector_store_idx %arg9[%min3A_1378], %add3A_1384 masked %ge3A_1240 : memref<1024xi32, #tpu.memory_space<vmem>>[vector<16xi32>], vector<16xi32>, vector<16xi1>
              %gather3A_1385 = vector.shape_cast %broadcast_in_dim3A_9 : vector<16x1xi32> to vector<16xi32>
              %gather3A_1386 = tpu.dynamic_gather %masked_cumsum3A_1283[%gather3A_1385] in [0] : vector<16xi32>, vector<16xi32> -> vector<16xi32>
              %add3A_1387 = arith.addi %add3A_1371, %gather3A_1386 : vector<16xi32>
              %add3A_1388 = arith.addi %add3A_1387, %masked_cumsum3A_1287 : vector<16xi32>
              %sub3A_1389 = arith.constant 1 : i32
              %sub3A_1390 = vector.broadcast %sub3A_1389 : i32 to vector<16xi32>
              %sub3A_1391 = arith.subi %add3A_1388, %sub3A_1390 : vector<16xi32>
              %min3A_1392 = arith.constant 1023 : i32
              %min3A_1393 = vector.broadcast %min3A_1392 : i32 to vector<16xi32>
              %min3A_1394 = arith.minsi %sub3A_1391, %min3A_1393 : vector<16xi32>
              %mul3A_1395 = arith.constant 128 : i32
              %mul3A_1396 = arith.muli %scan3A_1199, %mul3A_1395 : i32
              %add3A_1397 = arith.constant 96 : i32
              %add3A_1398 = arith.addi %mul3A_1396, %add3A_1397 : i32
              %add3A_1399 = vector.broadcast %add3A_1398 : i32 to vector<16xi32>
              %add3A_1400 = arith.addi %iota3A, %add3A_1399 : vector<16xi32>
              tpu.vector_store_idx %arg8[%min3A_1394], %get3A_1231 masked %ge3A_1241 : memref<1024xf32, #tpu.memory_space<vmem>>[vector<16xi32>], vector<16xf32>, vector<16xi1>
              tpu.vector_store_idx %arg9[%min3A_1394], %add3A_1400 masked %ge3A_1241 : memref<1024xi32, #tpu.memory_space<vmem>>[vector<16xi32>], vector<16xi32>, vector<16xi1>
              %gather3A_1401 = vector.shape_cast %broadcast_in_dim3A_9 : vector<16x1xi32> to vector<16xi32>
              %gather3A_1402 = tpu.dynamic_gather %masked_cumsum3A_1287[%gather3A_1401] in [0] : vector<16xi32>, vector<16xi32> -> vector<16xi32>
              %add3A_1403 = arith.addi %add3A_1387, %gather3A_1402 : vector<16xi32>
              %add3A_1404 = arith.addi %add3A_1403, %masked_cumsum3A_1291 : vector<16xi32>
              %sub3A_1405 = arith.constant 1 : i32
              %sub3A_1406 = vector.broadcast %sub3A_1405 : i32 to vector<16xi32>
              %sub3A_1407 = arith.subi %add3A_1404, %sub3A_1406 : vector<16xi32>
              %min3A_1408 = arith.constant 1023 : i32
              %min3A_1409 = vector.broadcast %min3A_1408 : i32 to vector<16xi32>
              %min3A_1410 = arith.minsi %sub3A_1407, %min3A_1409 : vector<16xi32>
              %mul3A_1411 = arith.constant 128 : i32
              %mul3A_1412 = arith.muli %scan3A_1199, %mul3A_1411 : i32
              %add3A_1413 = arith.constant 112 : i32
              %add3A_1414 = arith.addi %mul3A_1412, %add3A_1413 : i32
              %add3A_1415 = vector.broadcast %add3A_1414 : i32 to vector<16xi32>
              %add3A_1416 = arith.addi %iota3A, %add3A_1415 : vector<16xi32>
              tpu.vector_store_idx %arg8[%min3A_1410], %get3A_1235 masked %ge3A_1242 : memref<1024xf32, #tpu.memory_space<vmem>>[vector<16xi32>], vector<16xf32>, vector<16xi1>
              tpu.vector_store_idx %arg9[%min3A_1410], %add3A_1416 masked %ge3A_1242 : memref<1024xi32, #tpu.memory_space<vmem>>[vector<16xi32>], vector<16xi32>, vector<16xi1>
              %gather3A_1417 = vector.shape_cast %broadcast_in_dim3A_9 : vector<16x1xi32> to vector<16xi32>
              %gather3A_1418 = tpu.dynamic_gather %masked_cumsum3A_1291[%gather3A_1417] in [0] : vector<16xi32>, vector<16xi32> -> vector<16xi32>
              %add3A_1419 = arith.addi %add3A_1403, %gather3A_1418 : vector<16xi32>
              scf.yield %add3A_1419 : vector<16xi32>
            } else {
              scf.yield %scan3A_1200 : vector<16xi32>
            }
            scf.yield %cond3A_1260 : vector<16xi32>
          }
          %scan3A_1119 = arith.constant 64 : i32
          %add3A_1120 = arith.addi %scan3A_1118, %iota3A : vector<16xi32>
          %min3A = arith.constant 1023 : i32
          %min3A_1121 = vector.broadcast %min3A : i32 to vector<16xi32>
          %min3A_1122 = arith.minsi %add3A_1120, %min3A_1121 : vector<16xi32>
          %broadcast_in_dim3A_1123 = vector.broadcast %squeeze3A : f32 to vector<16xf32>
          tpu.vector_store_idx %arg8[%min3A_1122], %broadcast_in_dim3A_1123 : memref<1024xf32, #tpu.memory_space<vmem>>[vector<16xi32>], vector<16xf32>,
          %reduce_max3A = arith.constant true
          %reduce_max3A_1124 = vector.broadcast %reduce_max3A : i1 to vector<16xi1>
          %reduce_max3A_1125 = arith.constant -2147483648 : i32
          %reduce_max3A_1126 = vector.broadcast %reduce_max3A_1125 : i32 to vector<16xi32>
          %reduce_max3A_1127 = arith.xori %scan3A_1118, %reduce_max3A_1126 : vector<16xi32>
          %reduce_max3A_1128 = tpu.scan <max>, %reduce_max3A_1127 masked %reduce_max3A_1124 : vector<16xi32>, vector<16xi1> -> vector<16xi32>
          %reduce_max3A_1129 = arith.xori %reduce_max3A_1128, %reduce_max3A_1126 : vector<16xi32>
          %reduce_max3A_1130 = vector.extract %reduce_max3A_1129[15] : i32 from vector<16xi32>
          %add3A_1131 = arith.constant 15 : i32
          %add3A_1132 = arith.addi %reduce_max3A_1130, %add3A_1131 : i32
          %jit3A = arith.constant 16 : i32
          %div3A = arith.divsi %add3A_1132, %jit3A : i32
          %sign3A = arith.constant 0 : i32
          %sign3A_1133 = arith.cmpi sgt, %add3A_1132, %sign3A : i32
          %sign3A_1134 = arith.extui %sign3A_1133 : i1 to i32
          %sign3A_1135 = arith.constant 0 : i32
          %sign3A_1136 = arith.cmpi slt, %add3A_1132, %sign3A_1135 : i32
          %sign3A_1137 = arith.extui %sign3A_1136 : i1 to i32
          %sign3A_1138 = arith.subi %sign3A_1134, %sign3A_1137 : i32
          %sign3A_1139 = arith.constant 0 : i32
          %sign3A_1140 = arith.cmpi sgt, %jit3A, %sign3A_1139 : i32
          %sign3A_1141 = arith.extui %sign3A_1140 : i1 to i32
          %sign3A_1142 = arith.constant 0 : i32
          %sign3A_1143 = arith.cmpi slt, %jit3A, %sign3A_1142 : i32
          %sign3A_1144 = arith.extui %sign3A_1143 : i1 to i32
          %sign3A_1145 = arith.subi %sign3A_1141, %sign3A_1144 : i32
          %ne3A = arith.cmpi ne, %sign3A_1138, %sign3A_1145 : i32
          %rem3A = arith.remsi %add3A_1132, %jit3A : i32
          %ne3A_1146 = arith.constant 0 : i32
          %ne3A_1147 = arith.cmpi ne, %rem3A, %ne3A_1146 : i32
          %and3A = arith.andi %ne3A, %ne3A_1147 : i1
          %sub3A = arith.constant 1 : i32
          %sub3A_1148 = arith.subi %div3A, %sub3A : i32
          %select_n3A = arith.select %and3A, %sub3A_1148, %div3A : i32
          %min3A_1149 = arith.constant 64 : i32
          %min3A_1150 = arith.minsi %select_n3A, %min3A_1149 : i32
          %broadcast_in_dim3A_1151 = arith.constant 0.000000e+00 : f32
          %broadcast_in_dim3A_1152 = vector.broadcast %broadcast_in_dim3A_1151 : f32 to vector<16xf32>
          %broadcast_in_dim3A_1153 = arith.constant 0 : i32
          %broadcast_in_dim3A_1154 = vector.broadcast %broadcast_in_dim3A_1153 : i32 to vector<16xi32>
          %scan3A_1155 = arith.constant 0 : i32
          %scan3A_1156 = arith.constant 32 : i32
          %scan3A_1157 = arith.addi %scan3A_1155, %scan3A_1156 : i32
          %scan3A_1158 = arith.constant 1 : i32
          %scan3A_1159:4 = scf.for %scan3A_1199 = %scan3A_1155 to %scan3A_1157 step %scan3A_1158 iter_args(%scan3A_1200 = %broadcast_in_dim3A_1152, %scan3A_1201 = %broadcast_in_dim3A_1152, %scan3A_1202 = %broadcast_in_dim3A_1154, %scan3A_1203 = %broadcast_in_dim3A_1154) -> (vector<16xf32>, vector<16xf32>, vector<16xi32>, vector<16xi32>)  : i32 {
            %broadcast_in_dim3A_1204 = vector.broadcast %squeeze3A : f32 to vector<16xf32>
            %broadcast_in_dim3A_1205 = vector.broadcast %squeeze3A_5 : i32 to vector<16xi32>
            %while3A = arith.constant 0 : i32
            %while3A_1206 = arith.subi %min3A_1150, %while3A : i32
            %while3A_1207 = arith.addi %while3A, %while3A_1206 : i32
            %while3A_1208 = arith.constant 1 : i32
            %while3A_1209 = arith.divsi %while3A_1206, %while3A_1208 : i32
            %while3A_1210 = arith.muli %while3A_1209, %while3A_1208 : i32
            %while3A_1211 = arith.addi %while3A, %while3A_1210 : i32
            %while3A_1212 = arith.constant 1 : i32
            %while3A_1213:2 = scf.for %while3A_1254 = %while3A to %while3A_1211 step %while3A_1212 iter_args(%while3A_1255 = %broadcast_in_dim3A_1204, %while3A_1256 = %broadcast_in_dim3A_1205) -> (vector<16xf32>, vector<16xi32>)  : i32 {
              %mul3A_1257 = arith.constant 16 : i32
              %mul3A_1258 = arith.muli %while3A_1254, %mul3A_1257 : i32
              %get3A_1259 = arith.index_cast %mul3A_1258 : i32 to index
              %get3A_1260 = tpu.vector_load %arg8[%get3A_1259] {strides = array<i32>} : memref<1024xf32, #tpu.memory_space<vmem>>, vector<16xf32>,
              %mul3A_1261 = arith.constant 16 : i32
              %mul3A_1262 = arith.muli %while3A_1254, %mul3A_1261 : i32
              %get3A_1263 = arith.index_cast %mul3A_1262 : i32 to index
              %get3A_1264 = tpu.vector_load %arg9[%get3A_1263] {strides = array<i32>} : memref<1024xi32, #tpu.memory_space<vmem>>, vector<16xi32>,
              %gt3A = arith.cmpf ogt, %get3A_1260, %while3A_1255 : vector<16xf32>
              %eq3A_1265 = arith.cmpf oeq, %get3A_1260, %while3A_1255 : vector<16xf32>
              %lt3A = arith.cmpi slt, %get3A_1264, %while3A_1256 : vector<16xi32>
              %and3A_1266 = arith.andi %eq3A_1265, %lt3A : vector<16xi1>
              %or3A = arith.ori %gt3A, %and3A_1266 : vector<16xi1>
              %select_n3A_1267 = arith.select %or3A, %get3A_1260, %while3A_1255 : vector<16xi1>, vector<16xf32>
              %select_n3A_1268 = arith.select %or3A, %get3A_1264, %while3A_1256 : vector<16xi1>, vector<16xi32>
              scf.yield %select_n3A_1267, %select_n3A_1268 : vector<16xf32>, vector<16xi32>
            }
            %while3A_1214 = arith.constant 1 : i32
            %while3A_1215:2 = scf.for %while3A_1254 = %while3A_1211 to %while3A_1207 step %while3A_1214 iter_args(%while3A_1255 = %while3A_1213#0, %while3A_1256 = %while3A_1213#1) -> (vector<16xf32>, vector<16xi32>)  : i32 {
              %mul3A_1257 = arith.constant 16 : i32
              %mul3A_1258 = arith.muli %while3A_1254, %mul3A_1257 : i32
              %get3A_1259 = arith.index_cast %mul3A_1258 : i32 to index
              %get3A_1260 = tpu.vector_load %arg8[%get3A_1259] {strides = array<i32>} : memref<1024xf32, #tpu.memory_space<vmem>>, vector<16xf32>,
              %mul3A_1261 = arith.constant 16 : i32
              %mul3A_1262 = arith.muli %while3A_1254, %mul3A_1261 : i32
              %get3A_1263 = arith.index_cast %mul3A_1262 : i32 to index
              %get3A_1264 = tpu.vector_load %arg9[%get3A_1263] {strides = array<i32>} : memref<1024xi32, #tpu.memory_space<vmem>>, vector<16xi32>,
              %gt3A = arith.cmpf ogt, %get3A_1260, %while3A_1255 : vector<16xf32>
              %eq3A_1265 = arith.cmpf oeq, %get3A_1260, %while3A_1255 : vector<16xf32>
              %lt3A = arith.cmpi slt, %get3A_1264, %while3A_1256 : vector<16xi32>
              %and3A_1266 = arith.andi %eq3A_1265, %lt3A : vector<16xi1>
              %or3A = arith.ori %gt3A, %and3A_1266 : vector<16xi1>
              %select_n3A_1267 = arith.select %or3A, %get3A_1260, %while3A_1255 : vector<16xi1>, vector<16xf32>
              %select_n3A_1268 = arith.select %or3A, %get3A_1264, %while3A_1256 : vector<16xi1>, vector<16xi32>
              scf.yield %select_n3A_1267, %select_n3A_1268 : vector<16xf32>, vector<16xi32>
            }
            %reduce_max3A_1216 = arith.constant true
            %reduce_max3A_1217 = vector.broadcast %reduce_max3A_1216 : i1 to vector<16xi1>
            %reduce_max3A_1218 = tpu.scan <max>, %while3A_1215#0 masked %reduce_max3A_1217 : vector<16xf32>, vector<16xi1> -> vector<16xf32>
            %reduce_max3A_1219 = vector.extract %reduce_max3A_1218[15] : f32 from vector<16xf32>
            %eq3A = vector.broadcast %reduce_max3A_1219 : f32 to vector<16xf32>
            %eq3A_1220 = arith.cmpf oeq, %while3A_1215#0, %eq3A : vector<16xf32>
            %broadcast_in_dim3A_1221 = vector.broadcast %squeeze3A_5 : i32 to vector<16xi32>
            %select_n3A_1222 = arith.select %eq3A_1220, %while3A_1215#1, %broadcast_in_dim3A_1221 : vector<16xi1>, vector<16xi32>
            %reduce_min3A = arith.constant true
            %reduce_min3A_1223 = vector.broadcast %reduce_min3A : i1 to vector<16xi1>
            %reduce_min3A_1224 = arith.constant -2147483648 : i32
            %reduce_min3A_1225 = vector.broadcast %reduce_min3A_1224 : i32 to vector<16xi32>
            %reduce_min3A_1226 = arith.xori %select_n3A_1222, %reduce_min3A_1225 : vector<16xi32>
            %reduce_min3A_1227 = tpu.scan <min>, %reduce_min3A_1226 masked %reduce_min3A_1223 : vector<16xi32>, vector<16xi1> -> vector<16xi32>
            %reduce_min3A_1228 = arith.xori %reduce_min3A_1227, %reduce_min3A_1225 : vector<16xi32>
            %reduce_min3A_1229 = vector.extract %reduce_min3A_1228[15] : i32 from vector<16xi32>
            %while3A_1230 = arith.constant 0 : i32
            %while3A_1231 = arith.constant 0 : i32
            %while3A_1232 = arith.subi %min3A_1150, %while3A_1231 : i32
            %while3A_1233 = arith.addi %while3A_1231, %while3A_1232 : i32
            %while3A_1234 = arith.constant 1 : i32
            %while3A_1235 = arith.divsi %while3A_1232, %while3A_1234 : i32
            %while3A_1236 = arith.muli %while3A_1235, %while3A_1234 : i32
            %while3A_1237 = arith.addi %while3A_1231, %while3A_1236 : i32
            %while3A_1238 = arith.constant 1 : i32
            scf.for %while3A_1254 = %while3A_1231 to %while3A_1237 step %while3A_1238  : i32 {
              %mul3A_1255 = arith.constant 16 : i32
              %mul3A_1256 = arith.muli %while3A_1254, %mul3A_1255 : i32
              %get3A_1257 = arith.index_cast %mul3A_1256 : i32 to index
              %get3A_1258 = tpu.vector_load %arg8[%get3A_1257] {strides = array<i32>} : memref<1024xf32, #tpu.memory_space<vmem>>, vector<16xf32>,
              %mul3A_1259 = arith.constant 16 : i32
              %mul3A_1260 = arith.muli %while3A_1254, %mul3A_1259 : i32
              %get3A_1261 = arith.index_cast %mul3A_1260 : i32 to index
              %get3A_1262 = tpu.vector_load %arg9[%get3A_1261] {strides = array<i32>} : memref<1024xi32, #tpu.memory_space<vmem>>, vector<16xi32>,
              %eq3A_1263 = vector.broadcast %reduce_max3A_1219 : f32 to vector<16xf32>
              %eq3A_1264 = arith.cmpf oeq, %get3A_1258, %eq3A_1263 : vector<16xf32>
              %eq3A_1265 = vector.broadcast %reduce_min3A_1229 : i32 to vector<16xi32>
              %eq3A_1266 = arith.cmpi eq, %get3A_1262, %eq3A_1265 : vector<16xi32>
              %and3A_1267 = arith.andi %eq3A_1264, %eq3A_1266 : vector<16xi1>
              %broadcast_in_dim3A_1268 = vector.broadcast %squeeze3A : f32 to vector<16xf32>
              %select_n3A_1269 = arith.select %and3A_1267, %broadcast_in_dim3A_1268, %get3A_1258 : vector<16xi1>, vector<16xf32>
              %mul3A_1270 = arith.constant 16 : i32
              %mul3A_1271 = arith.muli %while3A_1254, %mul3A_1270 : i32
              %swap3A_1272 = arith.index_cast %mul3A_1271 : i32 to index
              %swap3A_1273 = tpu.vector_load %arg8[%swap3A_1272] {strides = array<i32>} : memref<1024xf32, #tpu.memory_space<vmem>>, vector<16xf32>,
              tpu.vector_store %arg8[%swap3A_1272], %select_n3A_1269 {strides = array<i32>} : memref<1024xf32, #tpu.memory_space<vmem>>, vector<16xf32>,
            }
            %while3A_1239 = arith.constant 1 : i32
            scf.for %while3A_1254 = %while3A_1237 to %while3A_1233 step %while3A_1239  : i32 {
              %mul3A_1255 = arith.constant 16 : i32
              %mul3A_1256 = arith.muli %while3A_1254, %mul3A_1255 : i32
              %get3A_1257 = arith.index_cast %mul3A_1256 : i32 to index
              %get3A_1258 = tpu.vector_load %arg8[%get3A_1257] {strides = array<i32>} : memref<1024xf32, #tpu.memory_space<vmem>>, vector<16xf32>,
              %mul3A_1259 = arith.constant 16 : i32
              %mul3A_1260 = arith.muli %while3A_1254, %mul3A_1259 : i32
              %get3A_1261 = arith.index_cast %mul3A_1260 : i32 to index
              %get3A_1262 = tpu.vector_load %arg9[%get3A_1261] {strides = array<i32>} : memref<1024xi32, #tpu.memory_space<vmem>>, vector<16xi32>,
              %eq3A_1263 = vector.broadcast %reduce_max3A_1219 : f32 to vector<16xf32>
              %eq3A_1264 = arith.cmpf oeq, %get3A_1258, %eq3A_1263 : vector<16xf32>
              %eq3A_1265 = vector.broadcast %reduce_min3A_1229 : i32 to vector<16xi32>
              %eq3A_1266 = arith.cmpi eq, %get3A_1262, %eq3A_1265 : vector<16xi32>
              %and3A_1267 = arith.andi %eq3A_1264, %eq3A_1266 : vector<16xi1>
              %broadcast_in_dim3A_1268 = vector.broadcast %squeeze3A : f32 to vector<16xf32>
              %select_n3A_1269 = arith.select %and3A_1267, %broadcast_in_dim3A_1268, %get3A_1258 : vector<16xi1>, vector<16xf32>
              %mul3A_1270 = arith.constant 16 : i32
              %mul3A_1271 = arith.muli %while3A_1254, %mul3A_1270 : i32
              %swap3A_1272 = arith.index_cast %mul3A_1271 : i32 to index
              %swap3A_1273 = tpu.vector_load %arg8[%swap3A_1272] {strides = array<i32>} : memref<1024xf32, #tpu.memory_space<vmem>>, vector<16xf32>,
              tpu.vector_store %arg8[%swap3A_1272], %select_n3A_1269 {strides = array<i32>} : memref<1024xf32, #tpu.memory_space<vmem>>, vector<16xf32>,
            }
            %eq3A_1240 = vector.broadcast %scan3A_1199 : i32 to vector<16xi32>
            %eq3A_1241 = arith.cmpi eq, %iota3A, %eq3A_1240 : vector<16xi32>
            %sub3A_1242 = arith.constant 16 : i32
            %sub3A_1243 = arith.subi %scan3A_1199, %sub3A_1242 : i32
            %eq3A_1244 = vector.broadcast %sub3A_1243 : i32 to vector<16xi32>
            %eq3A_1245 = arith.cmpi eq, %iota3A, %eq3A_1244 : vector<16xi32>
            %broadcast_in_dim3A_1246 = vector.broadcast %reduce_max3A_1219 : f32 to vector<16xf32>
            %select_n3A_1247 = arith.select %eq3A_1241, %broadcast_in_dim3A_1246, %scan3A_1200 : vector<16xi1>, vector<16xf32>
            %broadcast_in_dim3A_1248 = vector.broadcast %reduce_max3A_1219 : f32 to vector<16xf32>
            %select_n3A_1249 = arith.select %eq3A_1245, %broadcast_in_dim3A_1248, %scan3A_1201 : vector<16xi1>, vector<16xf32>
            %broadcast_in_dim3A_1250 = vector.broadcast %reduce_min3A_1229 : i32 to vector<16xi32>
            %select_n3A_1251 = arith.select %eq3A_1241, %broadcast_in_dim3A_1250, %scan3A_1202 : vector<16xi1>, vector<16xi32>
            %broadcast_in_dim3A_1252 = vector.broadcast %reduce_min3A_1229 : i32 to vector<16xi32>
            %select_n3A_1253 = arith.select %eq3A_1245, %broadcast_in_dim3A_1252, %scan3A_1203 : vector<16xi1>, vector<16xi32>
            scf.yield %select_n3A_1247, %select_n3A_1249, %select_n3A_1251, %select_n3A_1253 : vector<16xf32>, vector<16xf32>, vector<16xi32>, vector<16xi32>
          }
          %scan3A_1160 = arith.constant 32 : i32
          %gather3A = vector.shape_cast %broadcast_in_dim3A_7 : vector<16x1xi32> to vector<16xi32>
          %gather3A_1161 = tpu.dynamic_gather %scan3A_1159#0[%gather3A] in [0] : vector<16xf32>, vector<16xi32> -> vector<16xf32>
          %sub3A_1162 = arith.subf %scan3A_1159#0, %gather3A_1161 : vector<16xf32>
          %exp3A = math.exp %sub3A_1162 : vector<16xf32>
          %sub3A_1163 = arith.subf %scan3A_1159#1, %gather3A_1161 : vector<16xf32>
          %exp3A_1164 = math.exp %sub3A_1163 : vector<16xf32>
          %broadcast_in_dim3A_1165 = arith.constant 0.000000e+00 : f32
          %broadcast_in_dim3A_1166 = vector.broadcast %broadcast_in_dim3A_1165 : f32 to vector<16xf32>
          %reduce_sum3A = arith.constant true
          %reduce_sum3A_1167 = vector.broadcast %reduce_sum3A : i1 to vector<16xi1>
          %reduce_sum3A_1168 = tpu.scan <sum>, %exp3A masked %reduce_sum3A_1167 : vector<16xf32>, vector<16xi1> -> vector<16xf32>
          %reduce_sum3A_1169 = vector.extract %reduce_sum3A_1168[15] : f32 from vector<16xf32>
          %reduce_sum3A_1170 = arith.constant true
          %reduce_sum3A_1171 = vector.broadcast %reduce_sum3A_1170 : i1 to vector<16xi1>
          %reduce_sum3A_1172 = tpu.scan <sum>, %exp3A_1164 masked %reduce_sum3A_1171 : vector<16xf32>, vector<16xi1> -> vector<16xf32>
          %reduce_sum3A_1173 = vector.extract %reduce_sum3A_1172[15] : f32 from vector<16xf32>
          %add3A_1174 = arith.addf %reduce_sum3A_1169, %reduce_sum3A_1173 : f32
          %add3A_1175 = vector.broadcast %add3A_1174 : f32 to vector<16xf32>
          %add3A_1176 = arith.addf %broadcast_in_dim3A_1166, %add3A_1175 : vector<16xf32>
          %div3A_1177 = arith.divf %exp3A, %add3A_1176 : vector<16xf32>
          %mul3A_1178 = arith.constant 32 : i32
          %mul3A_1179 = arith.muli %add3A_1107, %mul3A_1178 : i32
          %swap3A_1180 = arith.index_cast %mul3A_1179 : i32 to index
          %swap3A_1181 = tpu.vector_load %arg13[%swap3A_1180] {strides = array<i32>} : memref<1024xf32, #tpu.memory_space<vmem>>, vector<16xf32>,
          tpu.vector_store %arg13[%swap3A_1180], %div3A_1177 {strides = array<i32>} : memref<1024xf32, #tpu.memory_space<vmem>>, vector<16xf32>,
          %div3A_1182 = arith.divf %exp3A_1164, %add3A_1176 : vector<16xf32>
          %mul3A_1183 = arith.constant 32 : i32
          %mul3A_1184 = arith.muli %add3A_1107, %mul3A_1183 : i32
          %add3A_1185 = arith.constant 16 : i32
          %add3A_1186 = arith.addi %mul3A_1184, %add3A_1185 : i32
          %swap3A_1187 = arith.index_cast %add3A_1186 : i32 to index
          %swap3A_1188 = tpu.vector_load %arg13[%swap3A_1187] {strides = array<i32>} : memref<1024xf32, #tpu.memory_space<vmem>>, vector<16xf32>,
          tpu.vector_store %arg13[%swap3A_1187], %div3A_1182 {strides = array<i32>} : memref<1024xf32, #tpu.memory_space<vmem>>, vector<16xf32>,
          %mul3A_1189 = arith.constant 32 : i32
          %mul3A_1190 = arith.muli %add3A_1107, %mul3A_1189 : i32
          %swap3A_1191 = arith.index_cast %mul3A_1190 : i32 to index
          %swap3A_1192 = tpu.vector_load %arg10[%swap3A_1191] {strides = array<i32>} : memref<1024xi32, #tpu.memory_space<vmem>>, vector<16xi32>,
          tpu.vector_store %arg10[%swap3A_1191], %scan3A_1159#2 {strides = array<i32>} : memref<1024xi32, #tpu.memory_space<vmem>>, vector<16xi32>,
          %mul3A_1193 = arith.constant 32 : i32
          %mul3A_1194 = arith.muli %add3A_1107, %mul3A_1193 : i32
          %add3A_1195 = arith.constant 16 : i32
          %add3A_1196 = arith.addi %mul3A_1194, %add3A_1195 : i32
          %swap3A_1197 = arith.index_cast %add3A_1196 : i32 to index
          %swap3A_1198 = tpu.vector_load %arg10[%swap3A_1197] {strides = array<i32>} : memref<1024xi32, #tpu.memory_space<vmem>>, vector<16xi32>,
          tpu.vector_store %arg10[%swap3A_1197], %scan3A_1159#3 {strides = array<i32>} : memref<1024xi32, #tpu.memory_space<vmem>>, vector<16xi32>,
        }
        %scan3A_1101 = arith.constant 8 : i32
      }
      %scan3A_26 = arith.constant 4 : i32
      %mul3A_27 = arith.constant 262144 : i32
      %mul3A_28 = arith.muli %add3A_18, %mul3A_27 : i32
      %get3A_29 = arith.constant 0 : index
      %get3A_30 = tpu.vector_load %arg10[%get3A_29] {strides = array<i32>} : memref<1024xi32, #tpu.memory_space<vmem>>, vector<16xi32>,
      %mul3A_31 = arith.constant 32 : i32
      %mul3A_32 = vector.broadcast %mul3A_31 : i32 to vector<16xi32>
      %mul3A_33 = arith.muli %get3A_30, %mul3A_32 : vector<16xi32>
      %add3A_34 = arith.constant 0 : i32
      %add3A_35 = arith.addi %add3A_34, %mul3A_28 : i32
      %add3A_36 = vector.broadcast %add3A_35 : i32 to vector<16xi32>
      %add3A_37 = arith.addi %iota3A, %add3A_36 : vector<16xi32>
      %add3A_38 = arith.addi %mul3A_33, %add3A_37 : vector<16xi32>
      %swap3A = arith.constant 0 : i32
      %swap3A_39 = arith.index_cast %swap3A : i32 to index
      %swap3A_40 = arith.constant 0 : index
      %swap3A_41 = tpu.vector_load %arg11[%swap3A_39, %swap3A_40] {strides = array<i32>} : memref<8x128xi32, #tpu.memory_space<vmem>>, vector<16xi32>,
      tpu.vector_store %arg11[%swap3A_39, %swap3A_40], %add3A_38 {strides = array<i32>} : memref<8x128xi32, #tpu.memory_space<vmem>>, vector<16xi32>,
      %get3A_42 = arith.constant 16 : index
      %get3A_43 = tpu.vector_load %arg10[%get3A_42] {strides = array<i32>} : memref<1024xi32, #tpu.memory_space<vmem>>, vector<16xi32>,
      %mul3A_44 = arith.constant 32 : i32
      %mul3A_45 = vector.broadcast %mul3A_44 : i32 to vector<16xi32>
      %mul3A_46 = arith.muli %get3A_43, %mul3A_45 : vector<16xi32>
      %add3A_47 = arith.constant 16 : i32
      %add3A_48 = arith.addi %add3A_47, %mul3A_28 : i32
      %add3A_49 = vector.broadcast %add3A_48 : i32 to vector<16xi32>
      %add3A_50 = arith.addi %iota3A, %add3A_49 : vector<16xi32>
      %add3A_51 = arith.addi %mul3A_46, %add3A_50 : vector<16xi32>
      %swap3A_52 = arith.constant 0 : i32
      %swap3A_53 = arith.index_cast %swap3A_52 : i32 to index
      %swap3A_54 = arith.constant 16 : index
      %swap3A_55 = tpu.vector_load %arg11[%swap3A_53, %swap3A_54] {strides = array<i32>} : memref<8x128xi32, #tpu.memory_space<vmem>>, vector<16xi32>,
      tpu.vector_store %arg11[%swap3A_53, %swap3A_54], %add3A_51 {strides = array<i32>} : memref<8x128xi32, #tpu.memory_space<vmem>>, vector<16xi32>,
      %get3A_56 = arith.constant 32 : index
      %get3A_57 = tpu.vector_load %arg10[%get3A_56] {strides = array<i32>} : memref<1024xi32, #tpu.memory_space<vmem>>, vector<16xi32>,
      %mul3A_58 = arith.constant 32 : i32
      %mul3A_59 = vector.broadcast %mul3A_58 : i32 to vector<16xi32>
      %mul3A_60 = arith.muli %get3A_57, %mul3A_59 : vector<16xi32>
      %add3A_61 = arith.constant 0 : i32
      %add3A_62 = arith.addi %add3A_61, %mul3A_28 : i32
      %add3A_63 = vector.broadcast %add3A_62 : i32 to vector<16xi32>
      %add3A_64 = arith.addi %iota3A, %add3A_63 : vector<16xi32>
      %add3A_65 = arith.addi %mul3A_60, %add3A_64 : vector<16xi32>
      %swap3A_66 = arith.constant 0 : i32
      %swap3A_67 = arith.index_cast %swap3A_66 : i32 to index
      %swap3A_68 = arith.constant 32 : index
      %swap3A_69 = tpu.vector_load %arg11[%swap3A_67, %swap3A_68] {strides = array<i32>} : memref<8x128xi32, #tpu.memory_space<vmem>>, vector<16xi32>,
      tpu.vector_store %arg11[%swap3A_67, %swap3A_68], %add3A_65 {strides = array<i32>} : memref<8x128xi32, #tpu.memory_space<vmem>>, vector<16xi32>,
      %get3A_70 = arith.constant 48 : index
      %get3A_71 = tpu.vector_load %arg10[%get3A_70] {strides = array<i32>} : memref<1024xi32, #tpu.memory_space<vmem>>, vector<16xi32>,
      %mul3A_72 = arith.constant 32 : i32
      %mul3A_73 = vector.broadcast %mul3A_72 : i32 to vector<16xi32>
      %mul3A_74 = arith.muli %get3A_71, %mul3A_73 : vector<16xi32>
      %add3A_75 = arith.constant 16 : i32
      %add3A_76 = arith.addi %add3A_75, %mul3A_28 : i32
      %add3A_77 = vector.broadcast %add3A_76 : i32 to vector<16xi32>
      %add3A_78 = arith.addi %iota3A, %add3A_77 : vector<16xi32>
      %add3A_79 = arith.addi %mul3A_74, %add3A_78 : vector<16xi32>
      %swap3A_80 = arith.constant 0 : i32
      %swap3A_81 = arith.index_cast %swap3A_80 : i32 to index
      %swap3A_82 = arith.constant 48 : index
      %swap3A_83 = tpu.vector_load %arg11[%swap3A_81, %swap3A_82] {strides = array<i32>} : memref<8x128xi32, #tpu.memory_space<vmem>>, vector<16xi32>,
      tpu.vector_store %arg11[%swap3A_81, %swap3A_82], %add3A_79 {strides = array<i32>} : memref<8x128xi32, #tpu.memory_space<vmem>>, vector<16xi32>,
      %get3A_84 = arith.constant 64 : index
      %get3A_85 = tpu.vector_load %arg10[%get3A_84] {strides = array<i32>} : memref<1024xi32, #tpu.memory_space<vmem>>, vector<16xi32>,
      %mul3A_86 = arith.constant 32 : i32
      %mul3A_87 = vector.broadcast %mul3A_86 : i32 to vector<16xi32>
      %mul3A_88 = arith.muli %get3A_85, %mul3A_87 : vector<16xi32>
      %add3A_89 = arith.constant 0 : i32
      %add3A_90 = arith.addi %add3A_89, %mul3A_28 : i32
      %add3A_91 = vector.broadcast %add3A_90 : i32 to vector<16xi32>
      %add3A_92 = arith.addi %iota3A, %add3A_91 : vector<16xi32>
      %add3A_93 = arith.addi %mul3A_88, %add3A_92 : vector<16xi32>
      %swap3A_94 = arith.constant 0 : i32
      %swap3A_95 = arith.index_cast %swap3A_94 : i32 to index
      %swap3A_96 = arith.constant 64 : index
      %swap3A_97 = tpu.vector_load %arg11[%swap3A_95, %swap3A_96] {strides = array<i32>} : memref<8x128xi32, #tpu.memory_space<vmem>>, vector<16xi32>,
      tpu.vector_store %arg11[%swap3A_95, %swap3A_96], %add3A_93 {strides = array<i32>} : memref<8x128xi32, #tpu.memory_space<vmem>>, vector<16xi32>,
      %get3A_98 = arith.constant 80 : index
      %get3A_99 = tpu.vector_load %arg10[%get3A_98] {strides = array<i32>} : memref<1024xi32, #tpu.memory_space<vmem>>, vector<16xi32>,
      %mul3A_100 = arith.constant 32 : i32
      %mul3A_101 = vector.broadcast %mul3A_100 : i32 to vector<16xi32>
      %mul3A_102 = arith.muli %get3A_99, %mul3A_101 : vector<16xi32>
      %add3A_103 = arith.constant 16 : i32
      %add3A_104 = arith.addi %add3A_103, %mul3A_28 : i32
      %add3A_105 = vector.broadcast %add3A_104 : i32 to vector<16xi32>
      %add3A_106 = arith.addi %iota3A, %add3A_105 : vector<16xi32>
      %add3A_107 = arith.addi %mul3A_102, %add3A_106 : vector<16xi32>
      %swap3A_108 = arith.constant 0 : i32
      %swap3A_109 = arith.index_cast %swap3A_108 : i32 to index
      %swap3A_110 = arith.constant 80 : index
      %swap3A_111 = tpu.vector_load %arg11[%swap3A_109, %swap3A_110] {strides = array<i32>} : memref<8x128xi32, #tpu.memory_space<vmem>>, vector<16xi32>,
      tpu.vector_store %arg11[%swap3A_109, %swap3A_110], %add3A_107 {strides = array<i32>} : memref<8x128xi32, #tpu.memory_space<vmem>>, vector<16xi32>,
      %get3A_112 = arith.constant 96 : index
      %get3A_113 = tpu.vector_load %arg10[%get3A_112] {strides = array<i32>} : memref<1024xi32, #tpu.memory_space<vmem>>, vector<16xi32>,
      %mul3A_114 = arith.constant 32 : i32
      %mul3A_115 = vector.broadcast %mul3A_114 : i32 to vector<16xi32>
      %mul3A_116 = arith.muli %get3A_113, %mul3A_115 : vector<16xi32>
      %add3A_117 = arith.constant 0 : i32
      %add3A_118 = arith.addi %add3A_117, %mul3A_28 : i32
      %add3A_119 = vector.broadcast %add3A_118 : i32 to vector<16xi32>
      %add3A_120 = arith.addi %iota3A, %add3A_119 : vector<16xi32>
      %add3A_121 = arith.addi %mul3A_116, %add3A_120 : vector<16xi32>
      %swap3A_122 = arith.constant 0 : i32
      %swap3A_123 = arith.index_cast %swap3A_122 : i32 to index
      %swap3A_124 = arith.constant 96 : index
      %swap3A_125 = tpu.vector_load %arg11[%swap3A_123, %swap3A_124] {strides = array<i32>} : memref<8x128xi32, #tpu.memory_space<vmem>>, vector<16xi32>,
      tpu.vector_store %arg11[%swap3A_123, %swap3A_124], %add3A_121 {strides = array<i32>} : memref<8x128xi32, #tpu.memory_space<vmem>>, vector<16xi32>,
      %get3A_126 = arith.constant 112 : index
      %get3A_127 = tpu.vector_load %arg10[%get3A_126] {strides = array<i32>} : memref<1024xi32, #tpu.memory_space<vmem>>, vector<16xi32>,
      %mul3A_128 = arith.constant 32 : i32
      %mul3A_129 = vector.broadcast %mul3A_128 : i32 to vector<16xi32>
      %mul3A_130 = arith.muli %get3A_127, %mul3A_129 : vector<16xi32>
      %add3A_131 = arith.constant 16 : i32
      %add3A_132 = arith.addi %add3A_131, %mul3A_28 : i32
      %add3A_133 = vector.broadcast %add3A_132 : i32 to vector<16xi32>
      %add3A_134 = arith.addi %iota3A, %add3A_133 : vector<16xi32>
      %add3A_135 = arith.addi %mul3A_130, %add3A_134 : vector<16xi32>
      %swap3A_136 = arith.constant 0 : i32
      %swap3A_137 = arith.index_cast %swap3A_136 : i32 to index
      %swap3A_138 = arith.constant 112 : index
      %swap3A_139 = tpu.vector_load %arg11[%swap3A_137, %swap3A_138] {strides = array<i32>} : memref<8x128xi32, #tpu.memory_space<vmem>>, vector<16xi32>,
      tpu.vector_store %arg11[%swap3A_137, %swap3A_138], %add3A_135 {strides = array<i32>} : memref<8x128xi32, #tpu.memory_space<vmem>>, vector<16xi32>,
      %get3A_140 = arith.constant 128 : index
      %get3A_141 = tpu.vector_load %arg10[%get3A_140] {strides = array<i32>} : memref<1024xi32, #tpu.memory_space<vmem>>, vector<16xi32>,
      %mul3A_142 = arith.constant 32 : i32
      %mul3A_143 = vector.broadcast %mul3A_142 : i32 to vector<16xi32>
      %mul3A_144 = arith.muli %get3A_141, %mul3A_143 : vector<16xi32>
      %add3A_145 = arith.constant 0 : i32
      %add3A_146 = arith.addi %add3A_145, %mul3A_28 : i32
      %add3A_147 = vector.broadcast %add3A_146 : i32 to vector<16xi32>
      %add3A_148 = arith.addi %iota3A, %add3A_147 : vector<16xi32>
      %add3A_149 = arith.addi %mul3A_144, %add3A_148 : vector<16xi32>
      %swap3A_150 = arith.constant 1 : i32
      %swap3A_151 = arith.index_cast %swap3A_150 : i32 to index
      %swap3A_152 = arith.constant 0 : index
      %swap3A_153 = tpu.vector_load %arg11[%swap3A_151, %swap3A_152] {strides = array<i32>} : memref<8x128xi32, #tpu.memory_space<vmem>>, vector<16xi32>,
      tpu.vector_store %arg11[%swap3A_151, %swap3A_152], %add3A_149 {strides = array<i32>} : memref<8x128xi32, #tpu.memory_space<vmem>>, vector<16xi32>,
      %get3A_154 = arith.constant 144 : index
      %get3A_155 = tpu.vector_load %arg10[%get3A_154] {strides = array<i32>} : memref<1024xi32, #tpu.memory_space<vmem>>, vector<16xi32>,
      %mul3A_156 = arith.constant 32 : i32
      %mul3A_157 = vector.broadcast %mul3A_156 : i32 to vector<16xi32>
      %mul3A_158 = arith.muli %get3A_155, %mul3A_157 : vector<16xi32>
      %add3A_159 = arith.constant 16 : i32
      %add3A_160 = arith.addi %add3A_159, %mul3A_28 : i32
      %add3A_161 = vector.broadcast %add3A_160 : i32 to vector<16xi32>
      %add3A_162 = arith.addi %iota3A, %add3A_161 : vector<16xi32>
      %add3A_163 = arith.addi %mul3A_158, %add3A_162 : vector<16xi32>
      %swap3A_164 = arith.constant 1 : i32
      %swap3A_165 = arith.index_cast %swap3A_164 : i32 to index
      %swap3A_166 = arith.constant 16 : index
      %swap3A_167 = tpu.vector_load %arg11[%swap3A_165, %swap3A_166] {strides = array<i32>} : memref<8x128xi32, #tpu.memory_space<vmem>>, vector<16xi32>,
      tpu.vector_store %arg11[%swap3A_165, %swap3A_166], %add3A_163 {strides = array<i32>} : memref<8x128xi32, #tpu.memory_space<vmem>>, vector<16xi32>,
      %get3A_168 = arith.constant 160 : index
      %get3A_169 = tpu.vector_load %arg10[%get3A_168] {strides = array<i32>} : memref<1024xi32, #tpu.memory_space<vmem>>, vector<16xi32>,
      %mul3A_170 = arith.constant 32 : i32
      %mul3A_171 = vector.broadcast %mul3A_170 : i32 to vector<16xi32>
      %mul3A_172 = arith.muli %get3A_169, %mul3A_171 : vector<16xi32>
      %add3A_173 = arith.constant 0 : i32
      %add3A_174 = arith.addi %add3A_173, %mul3A_28 : i32
      %add3A_175 = vector.broadcast %add3A_174 : i32 to vector<16xi32>
      %add3A_176 = arith.addi %iota3A, %add3A_175 : vector<16xi32>
      %add3A_177 = arith.addi %mul3A_172, %add3A_176 : vector<16xi32>
      %swap3A_178 = arith.constant 1 : i32
      %swap3A_179 = arith.index_cast %swap3A_178 : i32 to index
      %swap3A_180 = arith.constant 32 : index
      %swap3A_181 = tpu.vector_load %arg11[%swap3A_179, %swap3A_180] {strides = array<i32>} : memref<8x128xi32, #tpu.memory_space<vmem>>, vector<16xi32>,
      tpu.vector_store %arg11[%swap3A_179, %swap3A_180], %add3A_177 {strides = array<i32>} : memref<8x128xi32, #tpu.memory_space<vmem>>, vector<16xi32>,
      %get3A_182 = arith.constant 176 : index
      %get3A_183 = tpu.vector_load %arg10[%get3A_182] {strides = array<i32>} : memref<1024xi32, #tpu.memory_space<vmem>>, vector<16xi32>,
      %mul3A_184 = arith.constant 32 : i32
      %mul3A_185 = vector.broadcast %mul3A_184 : i32 to vector<16xi32>
      %mul3A_186 = arith.muli %get3A_183, %mul3A_185 : vector<16xi32>
      %add3A_187 = arith.constant 16 : i32
      %add3A_188 = arith.addi %add3A_187, %mul3A_28 : i32
      %add3A_189 = vector.broadcast %add3A_188 : i32 to vector<16xi32>
      %add3A_190 = arith.addi %iota3A, %add3A_189 : vector<16xi32>
      %add3A_191 = arith.addi %mul3A_186, %add3A_190 : vector<16xi32>
      %swap3A_192 = arith.constant 1 : i32
      %swap3A_193 = arith.index_cast %swap3A_192 : i32 to index
      %swap3A_194 = arith.constant 48 : index
      %swap3A_195 = tpu.vector_load %arg11[%swap3A_193, %swap3A_194] {strides = array<i32>} : memref<8x128xi32, #tpu.memory_space<vmem>>, vector<16xi32>,
      tpu.vector_store %arg11[%swap3A_193, %swap3A_194], %add3A_191 {strides = array<i32>} : memref<8x128xi32, #tpu.memory_space<vmem>>, vector<16xi32>,
      %get3A_196 = arith.constant 192 : index
      %get3A_197 = tpu.vector_load %arg10[%get3A_196] {strides = array<i32>} : memref<1024xi32, #tpu.memory_space<vmem>>, vector<16xi32>,
      %mul3A_198 = arith.constant 32 : i32
      %mul3A_199 = vector.broadcast %mul3A_198 : i32 to vector<16xi32>
      %mul3A_200 = arith.muli %get3A_197, %mul3A_199 : vector<16xi32>
      %add3A_201 = arith.constant 0 : i32
      %add3A_202 = arith.addi %add3A_201, %mul3A_28 : i32
      %add3A_203 = vector.broadcast %add3A_202 : i32 to vector<16xi32>
      %add3A_204 = arith.addi %iota3A, %add3A_203 : vector<16xi32>
      %add3A_205 = arith.addi %mul3A_200, %add3A_204 : vector<16xi32>
      %swap3A_206 = arith.constant 1 : i32
      %swap3A_207 = arith.index_cast %swap3A_206 : i32 to index
      %swap3A_208 = arith.constant 64 : index
      %swap3A_209 = tpu.vector_load %arg11[%swap3A_207, %swap3A_208] {strides = array<i32>} : memref<8x128xi32, #tpu.memory_space<vmem>>, vector<16xi32>,
      tpu.vector_store %arg11[%swap3A_207, %swap3A_208], %add3A_205 {strides = array<i32>} : memref<8x128xi32, #tpu.memory_space<vmem>>, vector<16xi32>,
      %get3A_210 = arith.constant 208 : index
      %get3A_211 = tpu.vector_load %arg10[%get3A_210] {strides = array<i32>} : memref<1024xi32, #tpu.memory_space<vmem>>, vector<16xi32>,
      %mul3A_212 = arith.constant 32 : i32
      %mul3A_213 = vector.broadcast %mul3A_212 : i32 to vector<16xi32>
      %mul3A_214 = arith.muli %get3A_211, %mul3A_213 : vector<16xi32>
      %add3A_215 = arith.constant 16 : i32
      %add3A_216 = arith.addi %add3A_215, %mul3A_28 : i32
      %add3A_217 = vector.broadcast %add3A_216 : i32 to vector<16xi32>
      %add3A_218 = arith.addi %iota3A, %add3A_217 : vector<16xi32>
      %add3A_219 = arith.addi %mul3A_214, %add3A_218 : vector<16xi32>
      %swap3A_220 = arith.constant 1 : i32
      %swap3A_221 = arith.index_cast %swap3A_220 : i32 to index
      %swap3A_222 = arith.constant 80 : index
      %swap3A_223 = tpu.vector_load %arg11[%swap3A_221, %swap3A_222] {strides = array<i32>} : memref<8x128xi32, #tpu.memory_space<vmem>>, vector<16xi32>,
      tpu.vector_store %arg11[%swap3A_221, %swap3A_222], %add3A_219 {strides = array<i32>} : memref<8x128xi32, #tpu.memory_space<vmem>>, vector<16xi32>,
      %get3A_224 = arith.constant 224 : index
      %get3A_225 = tpu.vector_load %arg10[%get3A_224] {strides = array<i32>} : memref<1024xi32, #tpu.memory_space<vmem>>, vector<16xi32>,
      %mul3A_226 = arith.constant 32 : i32
      %mul3A_227 = vector.broadcast %mul3A_226 : i32 to vector<16xi32>
      %mul3A_228 = arith.muli %get3A_225, %mul3A_227 : vector<16xi32>
      %add3A_229 = arith.constant 0 : i32
      %add3A_230 = arith.addi %add3A_229, %mul3A_28 : i32
      %add3A_231 = vector.broadcast %add3A_230 : i32 to vector<16xi32>
      %add3A_232 = arith.addi %iota3A, %add3A_231 : vector<16xi32>
      %add3A_233 = arith.addi %mul3A_228, %add3A_232 : vector<16xi32>
      %swap3A_234 = arith.constant 1 : i32
      %swap3A_235 = arith.index_cast %swap3A_234 : i32 to index
      %swap3A_236 = arith.constant 96 : index
      %swap3A_237 = tpu.vector_load %arg11[%swap3A_235, %swap3A_236] {strides = array<i32>} : memref<8x128xi32, #tpu.memory_space<vmem>>, vector<16xi32>,
      tpu.vector_store %arg11[%swap3A_235, %swap3A_236], %add3A_233 {strides = array<i32>} : memref<8x128xi32, #tpu.memory_space<vmem>>, vector<16xi32>,
      %get3A_238 = arith.constant 240 : index
      %get3A_239 = tpu.vector_load %arg10[%get3A_238] {strides = array<i32>} : memref<1024xi32, #tpu.memory_space<vmem>>, vector<16xi32>,
      %mul3A_240 = arith.constant 32 : i32
      %mul3A_241 = vector.broadcast %mul3A_240 : i32 to vector<16xi32>
      %mul3A_242 = arith.muli %get3A_239, %mul3A_241 : vector<16xi32>
      %add3A_243 = arith.constant 16 : i32
      %add3A_244 = arith.addi %add3A_243, %mul3A_28 : i32
      %add3A_245 = vector.broadcast %add3A_244 : i32 to vector<16xi32>
      %add3A_246 = arith.addi %iota3A, %add3A_245 : vector<16xi32>
      %add3A_247 = arith.addi %mul3A_242, %add3A_246 : vector<16xi32>
      %swap3A_248 = arith.constant 1 : i32
      %swap3A_249 = arith.index_cast %swap3A_248 : i32 to index
      %swap3A_250 = arith.constant 112 : index
      %swap3A_251 = tpu.vector_load %arg11[%swap3A_249, %swap3A_250] {strides = array<i32>} : memref<8x128xi32, #tpu.memory_space<vmem>>, vector<16xi32>,
      tpu.vector_store %arg11[%swap3A_249, %swap3A_250], %add3A_247 {strides = array<i32>} : memref<8x128xi32, #tpu.memory_space<vmem>>, vector<16xi32>,
      %get3A_252 = arith.constant 256 : index
      %get3A_253 = tpu.vector_load %arg10[%get3A_252] {strides = array<i32>} : memref<1024xi32, #tpu.memory_space<vmem>>, vector<16xi32>,
      %mul3A_254 = arith.constant 32 : i32
      %mul3A_255 = vector.broadcast %mul3A_254 : i32 to vector<16xi32>
      %mul3A_256 = arith.muli %get3A_253, %mul3A_255 : vector<16xi32>
      %add3A_257 = arith.constant 0 : i32
      %add3A_258 = arith.addi %add3A_257, %mul3A_28 : i32
      %add3A_259 = vector.broadcast %add3A_258 : i32 to vector<16xi32>
      %add3A_260 = arith.addi %iota3A, %add3A_259 : vector<16xi32>
      %add3A_261 = arith.addi %mul3A_256, %add3A_260 : vector<16xi32>
      %swap3A_262 = arith.constant 2 : i32
      %swap3A_263 = arith.index_cast %swap3A_262 : i32 to index
      %swap3A_264 = arith.constant 0 : index
      %swap3A_265 = tpu.vector_load %arg11[%swap3A_263, %swap3A_264] {strides = array<i32>} : memref<8x128xi32, #tpu.memory_space<vmem>>, vector<16xi32>,
      tpu.vector_store %arg11[%swap3A_263, %swap3A_264], %add3A_261 {strides = array<i32>} : memref<8x128xi32, #tpu.memory_space<vmem>>, vector<16xi32>,
      %get3A_266 = arith.constant 272 : index
      %get3A_267 = tpu.vector_load %arg10[%get3A_266] {strides = array<i32>} : memref<1024xi32, #tpu.memory_space<vmem>>, vector<16xi32>,
      %mul3A_268 = arith.constant 32 : i32
      %mul3A_269 = vector.broadcast %mul3A_268 : i32 to vector<16xi32>
      %mul3A_270 = arith.muli %get3A_267, %mul3A_269 : vector<16xi32>
      %add3A_271 = arith.constant 16 : i32
      %add3A_272 = arith.addi %add3A_271, %mul3A_28 : i32
      %add3A_273 = vector.broadcast %add3A_272 : i32 to vector<16xi32>
      %add3A_274 = arith.addi %iota3A, %add3A_273 : vector<16xi32>
      %add3A_275 = arith.addi %mul3A_270, %add3A_274 : vector<16xi32>
      %swap3A_276 = arith.constant 2 : i32
      %swap3A_277 = arith.index_cast %swap3A_276 : i32 to index
      %swap3A_278 = arith.constant 16 : index
      %swap3A_279 = tpu.vector_load %arg11[%swap3A_277, %swap3A_278] {strides = array<i32>} : memref<8x128xi32, #tpu.memory_space<vmem>>, vector<16xi32>,
      tpu.vector_store %arg11[%swap3A_277, %swap3A_278], %add3A_275 {strides = array<i32>} : memref<8x128xi32, #tpu.memory_space<vmem>>, vector<16xi32>,
      %get3A_280 = arith.constant 288 : index
      %get3A_281 = tpu.vector_load %arg10[%get3A_280] {strides = array<i32>} : memref<1024xi32, #tpu.memory_space<vmem>>, vector<16xi32>,
      %mul3A_282 = arith.constant 32 : i32
      %mul3A_283 = vector.broadcast %mul3A_282 : i32 to vector<16xi32>
      %mul3A_284 = arith.muli %get3A_281, %mul3A_283 : vector<16xi32>
      %add3A_285 = arith.constant 0 : i32
      %add3A_286 = arith.addi %add3A_285, %mul3A_28 : i32
      %add3A_287 = vector.broadcast %add3A_286 : i32 to vector<16xi32>
      %add3A_288 = arith.addi %iota3A, %add3A_287 : vector<16xi32>
      %add3A_289 = arith.addi %mul3A_284, %add3A_288 : vector<16xi32>
      %swap3A_290 = arith.constant 2 : i32
      %swap3A_291 = arith.index_cast %swap3A_290 : i32 to index
      %swap3A_292 = arith.constant 32 : index
      %swap3A_293 = tpu.vector_load %arg11[%swap3A_291, %swap3A_292] {strides = array<i32>} : memref<8x128xi32, #tpu.memory_space<vmem>>, vector<16xi32>,
      tpu.vector_store %arg11[%swap3A_291, %swap3A_292], %add3A_289 {strides = array<i32>} : memref<8x128xi32, #tpu.memory_space<vmem>>, vector<16xi32>,
      %get3A_294 = arith.constant 304 : index
      %get3A_295 = tpu.vector_load %arg10[%get3A_294] {strides = array<i32>} : memref<1024xi32, #tpu.memory_space<vmem>>, vector<16xi32>,
      %mul3A_296 = arith.constant 32 : i32
      %mul3A_297 = vector.broadcast %mul3A_296 : i32 to vector<16xi32>
      %mul3A_298 = arith.muli %get3A_295, %mul3A_297 : vector<16xi32>
      %add3A_299 = arith.constant 16 : i32
      %add3A_300 = arith.addi %add3A_299, %mul3A_28 : i32
      %add3A_301 = vector.broadcast %add3A_300 : i32 to vector<16xi32>
      %add3A_302 = arith.addi %iota3A, %add3A_301 : vector<16xi32>
      %add3A_303 = arith.addi %mul3A_298, %add3A_302 : vector<16xi32>
      %swap3A_304 = arith.constant 2 : i32
      %swap3A_305 = arith.index_cast %swap3A_304 : i32 to index
      %swap3A_306 = arith.constant 48 : index
      %swap3A_307 = tpu.vector_load %arg11[%swap3A_305, %swap3A_306] {strides = array<i32>} : memref<8x128xi32, #tpu.memory_space<vmem>>, vector<16xi32>,
      tpu.vector_store %arg11[%swap3A_305, %swap3A_306], %add3A_303 {strides = array<i32>} : memref<8x128xi32, #tpu.memory_space<vmem>>, vector<16xi32>,
      %get3A_308 = arith.constant 320 : index
      %get3A_309 = tpu.vector_load %arg10[%get3A_308] {strides = array<i32>} : memref<1024xi32, #tpu.memory_space<vmem>>, vector<16xi32>,
      %mul3A_310 = arith.constant 32 : i32
      %mul3A_311 = vector.broadcast %mul3A_310 : i32 to vector<16xi32>
      %mul3A_312 = arith.muli %get3A_309, %mul3A_311 : vector<16xi32>
      %add3A_313 = arith.constant 0 : i32
      %add3A_314 = arith.addi %add3A_313, %mul3A_28 : i32
      %add3A_315 = vector.broadcast %add3A_314 : i32 to vector<16xi32>
      %add3A_316 = arith.addi %iota3A, %add3A_315 : vector<16xi32>
      %add3A_317 = arith.addi %mul3A_312, %add3A_316 : vector<16xi32>
      %swap3A_318 = arith.constant 2 : i32
      %swap3A_319 = arith.index_cast %swap3A_318 : i32 to index
      %swap3A_320 = arith.constant 64 : index
      %swap3A_321 = tpu.vector_load %arg11[%swap3A_319, %swap3A_320] {strides = array<i32>} : memref<8x128xi32, #tpu.memory_space<vmem>>, vector<16xi32>,
      tpu.vector_store %arg11[%swap3A_319, %swap3A_320], %add3A_317 {strides = array<i32>} : memref<8x128xi32, #tpu.memory_space<vmem>>, vector<16xi32>,
      %get3A_322 = arith.constant 336 : index
      %get3A_323 = tpu.vector_load %arg10[%get3A_322] {strides = array<i32>} : memref<1024xi32, #tpu.memory_space<vmem>>, vector<16xi32>,
      %mul3A_324 = arith.constant 32 : i32
      %mul3A_325 = vector.broadcast %mul3A_324 : i32 to vector<16xi32>
      %mul3A_326 = arith.muli %get3A_323, %mul3A_325 : vector<16xi32>
      %add3A_327 = arith.constant 16 : i32
      %add3A_328 = arith.addi %add3A_327, %mul3A_28 : i32
      %add3A_329 = vector.broadcast %add3A_328 : i32 to vector<16xi32>
      %add3A_330 = arith.addi %iota3A, %add3A_329 : vector<16xi32>
      %add3A_331 = arith.addi %mul3A_326, %add3A_330 : vector<16xi32>
      %swap3A_332 = arith.constant 2 : i32
      %swap3A_333 = arith.index_cast %swap3A_332 : i32 to index
      %swap3A_334 = arith.constant 80 : index
      %swap3A_335 = tpu.vector_load %arg11[%swap3A_333, %swap3A_334] {strides = array<i32>} : memref<8x128xi32, #tpu.memory_space<vmem>>, vector<16xi32>,
      tpu.vector_store %arg11[%swap3A_333, %swap3A_334], %add3A_331 {strides = array<i32>} : memref<8x128xi32, #tpu.memory_space<vmem>>, vector<16xi32>,
      %get3A_336 = arith.constant 352 : index
      %get3A_337 = tpu.vector_load %arg10[%get3A_336] {strides = array<i32>} : memref<1024xi32, #tpu.memory_space<vmem>>, vector<16xi32>,
      %mul3A_338 = arith.constant 32 : i32
      %mul3A_339 = vector.broadcast %mul3A_338 : i32 to vector<16xi32>
      %mul3A_340 = arith.muli %get3A_337, %mul3A_339 : vector<16xi32>
      %add3A_341 = arith.constant 0 : i32
      %add3A_342 = arith.addi %add3A_341, %mul3A_28 : i32
      %add3A_343 = vector.broadcast %add3A_342 : i32 to vector<16xi32>
      %add3A_344 = arith.addi %iota3A, %add3A_343 : vector<16xi32>
      %add3A_345 = arith.addi %mul3A_340, %add3A_344 : vector<16xi32>
      %swap3A_346 = arith.constant 2 : i32
      %swap3A_347 = arith.index_cast %swap3A_346 : i32 to index
      %swap3A_348 = arith.constant 96 : index
      %swap3A_349 = tpu.vector_load %arg11[%swap3A_347, %swap3A_348] {strides = array<i32>} : memref<8x128xi32, #tpu.memory_space<vmem>>, vector<16xi32>,
      tpu.vector_store %arg11[%swap3A_347, %swap3A_348], %add3A_345 {strides = array<i32>} : memref<8x128xi32, #tpu.memory_space<vmem>>, vector<16xi32>,
      %get3A_350 = arith.constant 368 : index
      %get3A_351 = tpu.vector_load %arg10[%get3A_350] {strides = array<i32>} : memref<1024xi32, #tpu.memory_space<vmem>>, vector<16xi32>,
      %mul3A_352 = arith.constant 32 : i32
      %mul3A_353 = vector.broadcast %mul3A_352 : i32 to vector<16xi32>
      %mul3A_354 = arith.muli %get3A_351, %mul3A_353 : vector<16xi32>
      %add3A_355 = arith.constant 16 : i32
      %add3A_356 = arith.addi %add3A_355, %mul3A_28 : i32
      %add3A_357 = vector.broadcast %add3A_356 : i32 to vector<16xi32>
      %add3A_358 = arith.addi %iota3A, %add3A_357 : vector<16xi32>
      %add3A_359 = arith.addi %mul3A_354, %add3A_358 : vector<16xi32>
      %swap3A_360 = arith.constant 2 : i32
      %swap3A_361 = arith.index_cast %swap3A_360 : i32 to index
      %swap3A_362 = arith.constant 112 : index
      %swap3A_363 = tpu.vector_load %arg11[%swap3A_361, %swap3A_362] {strides = array<i32>} : memref<8x128xi32, #tpu.memory_space<vmem>>, vector<16xi32>,
      tpu.vector_store %arg11[%swap3A_361, %swap3A_362], %add3A_359 {strides = array<i32>} : memref<8x128xi32, #tpu.memory_space<vmem>>, vector<16xi32>,
      %get3A_364 = arith.constant 384 : index
      %get3A_365 = tpu.vector_load %arg10[%get3A_364] {strides = array<i32>} : memref<1024xi32, #tpu.memory_space<vmem>>, vector<16xi32>,
      %mul3A_366 = arith.constant 32 : i32
      %mul3A_367 = vector.broadcast %mul3A_366 : i32 to vector<16xi32>
      %mul3A_368 = arith.muli %get3A_365, %mul3A_367 : vector<16xi32>
      %add3A_369 = arith.constant 0 : i32
      %add3A_370 = arith.addi %add3A_369, %mul3A_28 : i32
      %add3A_371 = vector.broadcast %add3A_370 : i32 to vector<16xi32>
      %add3A_372 = arith.addi %iota3A, %add3A_371 : vector<16xi32>
      %add3A_373 = arith.addi %mul3A_368, %add3A_372 : vector<16xi32>
      %swap3A_374 = arith.constant 3 : i32
      %swap3A_375 = arith.index_cast %swap3A_374 : i32 to index
      %swap3A_376 = arith.constant 0 : index
      %swap3A_377 = tpu.vector_load %arg11[%swap3A_375, %swap3A_376] {strides = array<i32>} : memref<8x128xi32, #tpu.memory_space<vmem>>, vector<16xi32>,
      tpu.vector_store %arg11[%swap3A_375, %swap3A_376], %add3A_373 {strides = array<i32>} : memref<8x128xi32, #tpu.memory_space<vmem>>, vector<16xi32>,
      %get3A_378 = arith.constant 400 : index
      %get3A_379 = tpu.vector_load %arg10[%get3A_378] {strides = array<i32>} : memref<1024xi32, #tpu.memory_space<vmem>>, vector<16xi32>,
      %mul3A_380 = arith.constant 32 : i32
      %mul3A_381 = vector.broadcast %mul3A_380 : i32 to vector<16xi32>
      %mul3A_382 = arith.muli %get3A_379, %mul3A_381 : vector<16xi32>
      %add3A_383 = arith.constant 16 : i32
      %add3A_384 = arith.addi %add3A_383, %mul3A_28 : i32
      %add3A_385 = vector.broadcast %add3A_384 : i32 to vector<16xi32>
      %add3A_386 = arith.addi %iota3A, %add3A_385 : vector<16xi32>
      %add3A_387 = arith.addi %mul3A_382, %add3A_386 : vector<16xi32>
      %swap3A_388 = arith.constant 3 : i32
      %swap3A_389 = arith.index_cast %swap3A_388 : i32 to index
      %swap3A_390 = arith.constant 16 : index
      %swap3A_391 = tpu.vector_load %arg11[%swap3A_389, %swap3A_390] {strides = array<i32>} : memref<8x128xi32, #tpu.memory_space<vmem>>, vector<16xi32>,
      tpu.vector_store %arg11[%swap3A_389, %swap3A_390], %add3A_387 {strides = array<i32>} : memref<8x128xi32, #tpu.memory_space<vmem>>, vector<16xi32>,
      %get3A_392 = arith.constant 416 : index
      %get3A_393 = tpu.vector_load %arg10[%get3A_392] {strides = array<i32>} : memref<1024xi32, #tpu.memory_space<vmem>>, vector<16xi32>,
      %mul3A_394 = arith.constant 32 : i32
      %mul3A_395 = vector.broadcast %mul3A_394 : i32 to vector<16xi32>
      %mul3A_396 = arith.muli %get3A_393, %mul3A_395 : vector<16xi32>
      %add3A_397 = arith.constant 0 : i32
      %add3A_398 = arith.addi %add3A_397, %mul3A_28 : i32
      %add3A_399 = vector.broadcast %add3A_398 : i32 to vector<16xi32>
      %add3A_400 = arith.addi %iota3A, %add3A_399 : vector<16xi32>
      %add3A_401 = arith.addi %mul3A_396, %add3A_400 : vector<16xi32>
      %swap3A_402 = arith.constant 3 : i32
      %swap3A_403 = arith.index_cast %swap3A_402 : i32 to index
      %swap3A_404 = arith.constant 32 : index
      %swap3A_405 = tpu.vector_load %arg11[%swap3A_403, %swap3A_404] {strides = array<i32>} : memref<8x128xi32, #tpu.memory_space<vmem>>, vector<16xi32>,
      tpu.vector_store %arg11[%swap3A_403, %swap3A_404], %add3A_401 {strides = array<i32>} : memref<8x128xi32, #tpu.memory_space<vmem>>, vector<16xi32>,
      %get3A_406 = arith.constant 432 : index
      %get3A_407 = tpu.vector_load %arg10[%get3A_406] {strides = array<i32>} : memref<1024xi32, #tpu.memory_space<vmem>>, vector<16xi32>,
      %mul3A_408 = arith.constant 32 : i32
      %mul3A_409 = vector.broadcast %mul3A_408 : i32 to vector<16xi32>
      %mul3A_410 = arith.muli %get3A_407, %mul3A_409 : vector<16xi32>
      %add3A_411 = arith.constant 16 : i32
      %add3A_412 = arith.addi %add3A_411, %mul3A_28 : i32
      %add3A_413 = vector.broadcast %add3A_412 : i32 to vector<16xi32>
      %add3A_414 = arith.addi %iota3A, %add3A_413 : vector<16xi32>
      %add3A_415 = arith.addi %mul3A_410, %add3A_414 : vector<16xi32>
      %swap3A_416 = arith.constant 3 : i32
      %swap3A_417 = arith.index_cast %swap3A_416 : i32 to index
      %swap3A_418 = arith.constant 48 : index
      %swap3A_419 = tpu.vector_load %arg11[%swap3A_417, %swap3A_418] {strides = array<i32>} : memref<8x128xi32, #tpu.memory_space<vmem>>, vector<16xi32>,
      tpu.vector_store %arg11[%swap3A_417, %swap3A_418], %add3A_415 {strides = array<i32>} : memref<8x128xi32, #tpu.memory_space<vmem>>, vector<16xi32>,
      %get3A_420 = arith.constant 448 : index
      %get3A_421 = tpu.vector_load %arg10[%get3A_420] {strides = array<i32>} : memref<1024xi32, #tpu.memory_space<vmem>>, vector<16xi32>,
      %mul3A_422 = arith.constant 32 : i32
      %mul3A_423 = vector.broadcast %mul3A_422 : i32 to vector<16xi32>
      %mul3A_424 = arith.muli %get3A_421, %mul3A_423 : vector<16xi32>
      %add3A_425 = arith.constant 0 : i32
      %add3A_426 = arith.addi %add3A_425, %mul3A_28 : i32
      %add3A_427 = vector.broadcast %add3A_426 : i32 to vector<16xi32>
      %add3A_428 = arith.addi %iota3A, %add3A_427 : vector<16xi32>
      %add3A_429 = arith.addi %mul3A_424, %add3A_428 : vector<16xi32>
      %swap3A_430 = arith.constant 3 : i32
      %swap3A_431 = arith.index_cast %swap3A_430 : i32 to index
      %swap3A_432 = arith.constant 64 : index
      %swap3A_433 = tpu.vector_load %arg11[%swap3A_431, %swap3A_432] {strides = array<i32>} : memref<8x128xi32, #tpu.memory_space<vmem>>, vector<16xi32>,
      tpu.vector_store %arg11[%swap3A_431, %swap3A_432], %add3A_429 {strides = array<i32>} : memref<8x128xi32, #tpu.memory_space<vmem>>, vector<16xi32>,
      %get3A_434 = arith.constant 464 : index
      %get3A_435 = tpu.vector_load %arg10[%get3A_434] {strides = array<i32>} : memref<1024xi32, #tpu.memory_space<vmem>>, vector<16xi32>,
      %mul3A_436 = arith.constant 32 : i32
      %mul3A_437 = vector.broadcast %mul3A_436 : i32 to vector<16xi32>
      %mul3A_438 = arith.muli %get3A_435, %mul3A_437 : vector<16xi32>
      %add3A_439 = arith.constant 16 : i32
      %add3A_440 = arith.addi %add3A_439, %mul3A_28 : i32
      %add3A_441 = vector.broadcast %add3A_440 : i32 to vector<16xi32>
      %add3A_442 = arith.addi %iota3A, %add3A_441 : vector<16xi32>
      %add3A_443 = arith.addi %mul3A_438, %add3A_442 : vector<16xi32>
      %swap3A_444 = arith.constant 3 : i32
      %swap3A_445 = arith.index_cast %swap3A_444 : i32 to index
      %swap3A_446 = arith.constant 80 : index
      %swap3A_447 = tpu.vector_load %arg11[%swap3A_445, %swap3A_446] {strides = array<i32>} : memref<8x128xi32, #tpu.memory_space<vmem>>, vector<16xi32>,
      tpu.vector_store %arg11[%swap3A_445, %swap3A_446], %add3A_443 {strides = array<i32>} : memref<8x128xi32, #tpu.memory_space<vmem>>, vector<16xi32>,
      %get3A_448 = arith.constant 480 : index
      %get3A_449 = tpu.vector_load %arg10[%get3A_448] {strides = array<i32>} : memref<1024xi32, #tpu.memory_space<vmem>>, vector<16xi32>,
      %mul3A_450 = arith.constant 32 : i32
      %mul3A_451 = vector.broadcast %mul3A_450 : i32 to vector<16xi32>
      %mul3A_452 = arith.muli %get3A_449, %mul3A_451 : vector<16xi32>
      %add3A_453 = arith.constant 0 : i32
      %add3A_454 = arith.addi %add3A_453, %mul3A_28 : i32
      %add3A_455 = vector.broadcast %add3A_454 : i32 to vector<16xi32>
      %add3A_456 = arith.addi %iota3A, %add3A_455 : vector<16xi32>
      %add3A_457 = arith.addi %mul3A_452, %add3A_456 : vector<16xi32>
      %swap3A_458 = arith.constant 3 : i32
      %swap3A_459 = arith.index_cast %swap3A_458 : i32 to index
      %swap3A_460 = arith.constant 96 : index
      %swap3A_461 = tpu.vector_load %arg11[%swap3A_459, %swap3A_460] {strides = array<i32>} : memref<8x128xi32, #tpu.memory_space<vmem>>, vector<16xi32>,
      tpu.vector_store %arg11[%swap3A_459, %swap3A_460], %add3A_457 {strides = array<i32>} : memref<8x128xi32, #tpu.memory_space<vmem>>, vector<16xi32>,
      %get3A_462 = arith.constant 496 : index
      %get3A_463 = tpu.vector_load %arg10[%get3A_462] {strides = array<i32>} : memref<1024xi32, #tpu.memory_space<vmem>>, vector<16xi32>,
      %mul3A_464 = arith.constant 32 : i32
      %mul3A_465 = vector.broadcast %mul3A_464 : i32 to vector<16xi32>
      %mul3A_466 = arith.muli %get3A_463, %mul3A_465 : vector<16xi32>
      %add3A_467 = arith.constant 16 : i32
      %add3A_468 = arith.addi %add3A_467, %mul3A_28 : i32
      %add3A_469 = vector.broadcast %add3A_468 : i32 to vector<16xi32>
      %add3A_470 = arith.addi %iota3A, %add3A_469 : vector<16xi32>
      %add3A_471 = arith.addi %mul3A_466, %add3A_470 : vector<16xi32>
      %swap3A_472 = arith.constant 3 : i32
      %swap3A_473 = arith.index_cast %swap3A_472 : i32 to index
      %swap3A_474 = arith.constant 112 : index
      %swap3A_475 = tpu.vector_load %arg11[%swap3A_473, %swap3A_474] {strides = array<i32>} : memref<8x128xi32, #tpu.memory_space<vmem>>, vector<16xi32>,
      tpu.vector_store %arg11[%swap3A_473, %swap3A_474], %add3A_471 {strides = array<i32>} : memref<8x128xi32, #tpu.memory_space<vmem>>, vector<16xi32>,
      %get3A_476 = arith.constant 512 : index
      %get3A_477 = tpu.vector_load %arg10[%get3A_476] {strides = array<i32>} : memref<1024xi32, #tpu.memory_space<vmem>>, vector<16xi32>,
      %mul3A_478 = arith.constant 32 : i32
      %mul3A_479 = vector.broadcast %mul3A_478 : i32 to vector<16xi32>
      %mul3A_480 = arith.muli %get3A_477, %mul3A_479 : vector<16xi32>
      %add3A_481 = arith.constant 0 : i32
      %add3A_482 = arith.addi %add3A_481, %mul3A_28 : i32
      %add3A_483 = vector.broadcast %add3A_482 : i32 to vector<16xi32>
      %add3A_484 = arith.addi %iota3A, %add3A_483 : vector<16xi32>
      %add3A_485 = arith.addi %mul3A_480, %add3A_484 : vector<16xi32>
      %swap3A_486 = arith.constant 4 : i32
      %swap3A_487 = arith.index_cast %swap3A_486 : i32 to index
      %swap3A_488 = arith.constant 0 : index
      %swap3A_489 = tpu.vector_load %arg11[%swap3A_487, %swap3A_488] {strides = array<i32>} : memref<8x128xi32, #tpu.memory_space<vmem>>, vector<16xi32>,
      tpu.vector_store %arg11[%swap3A_487, %swap3A_488], %add3A_485 {strides = array<i32>} : memref<8x128xi32, #tpu.memory_space<vmem>>, vector<16xi32>,
      %get3A_490 = arith.constant 528 : index
      %get3A_491 = tpu.vector_load %arg10[%get3A_490] {strides = array<i32>} : memref<1024xi32, #tpu.memory_space<vmem>>, vector<16xi32>,
      %mul3A_492 = arith.constant 32 : i32
      %mul3A_493 = vector.broadcast %mul3A_492 : i32 to vector<16xi32>
      %mul3A_494 = arith.muli %get3A_491, %mul3A_493 : vector<16xi32>
      %add3A_495 = arith.constant 16 : i32
      %add3A_496 = arith.addi %add3A_495, %mul3A_28 : i32
      %add3A_497 = vector.broadcast %add3A_496 : i32 to vector<16xi32>
      %add3A_498 = arith.addi %iota3A, %add3A_497 : vector<16xi32>
      %add3A_499 = arith.addi %mul3A_494, %add3A_498 : vector<16xi32>
      %swap3A_500 = arith.constant 4 : i32
      %swap3A_501 = arith.index_cast %swap3A_500 : i32 to index
      %swap3A_502 = arith.constant 16 : index
      %swap3A_503 = tpu.vector_load %arg11[%swap3A_501, %swap3A_502] {strides = array<i32>} : memref<8x128xi32, #tpu.memory_space<vmem>>, vector<16xi32>,
      tpu.vector_store %arg11[%swap3A_501, %swap3A_502], %add3A_499 {strides = array<i32>} : memref<8x128xi32, #tpu.memory_space<vmem>>, vector<16xi32>,
      %get3A_504 = arith.constant 544 : index
      %get3A_505 = tpu.vector_load %arg10[%get3A_504] {strides = array<i32>} : memref<1024xi32, #tpu.memory_space<vmem>>, vector<16xi32>,
      %mul3A_506 = arith.constant 32 : i32
      %mul3A_507 = vector.broadcast %mul3A_506 : i32 to vector<16xi32>
      %mul3A_508 = arith.muli %get3A_505, %mul3A_507 : vector<16xi32>
      %add3A_509 = arith.constant 0 : i32
      %add3A_510 = arith.addi %add3A_509, %mul3A_28 : i32
      %add3A_511 = vector.broadcast %add3A_510 : i32 to vector<16xi32>
      %add3A_512 = arith.addi %iota3A, %add3A_511 : vector<16xi32>
      %add3A_513 = arith.addi %mul3A_508, %add3A_512 : vector<16xi32>
      %swap3A_514 = arith.constant 4 : i32
      %swap3A_515 = arith.index_cast %swap3A_514 : i32 to index
      %swap3A_516 = arith.constant 32 : index
      %swap3A_517 = tpu.vector_load %arg11[%swap3A_515, %swap3A_516] {strides = array<i32>} : memref<8x128xi32, #tpu.memory_space<vmem>>, vector<16xi32>,
      tpu.vector_store %arg11[%swap3A_515, %swap3A_516], %add3A_513 {strides = array<i32>} : memref<8x128xi32, #tpu.memory_space<vmem>>, vector<16xi32>,
      %get3A_518 = arith.constant 560 : index
      %get3A_519 = tpu.vector_load %arg10[%get3A_518] {strides = array<i32>} : memref<1024xi32, #tpu.memory_space<vmem>>, vector<16xi32>,
      %mul3A_520 = arith.constant 32 : i32
      %mul3A_521 = vector.broadcast %mul3A_520 : i32 to vector<16xi32>
      %mul3A_522 = arith.muli %get3A_519, %mul3A_521 : vector<16xi32>
      %add3A_523 = arith.constant 16 : i32
      %add3A_524 = arith.addi %add3A_523, %mul3A_28 : i32
      %add3A_525 = vector.broadcast %add3A_524 : i32 to vector<16xi32>
      %add3A_526 = arith.addi %iota3A, %add3A_525 : vector<16xi32>
      %add3A_527 = arith.addi %mul3A_522, %add3A_526 : vector<16xi32>
      %swap3A_528 = arith.constant 4 : i32
      %swap3A_529 = arith.index_cast %swap3A_528 : i32 to index
      %swap3A_530 = arith.constant 48 : index
      %swap3A_531 = tpu.vector_load %arg11[%swap3A_529, %swap3A_530] {strides = array<i32>} : memref<8x128xi32, #tpu.memory_space<vmem>>, vector<16xi32>,
      tpu.vector_store %arg11[%swap3A_529, %swap3A_530], %add3A_527 {strides = array<i32>} : memref<8x128xi32, #tpu.memory_space<vmem>>, vector<16xi32>,
      %get3A_532 = arith.constant 576 : index
      %get3A_533 = tpu.vector_load %arg10[%get3A_532] {strides = array<i32>} : memref<1024xi32, #tpu.memory_space<vmem>>, vector<16xi32>,
      %mul3A_534 = arith.constant 32 : i32
      %mul3A_535 = vector.broadcast %mul3A_534 : i32 to vector<16xi32>
      %mul3A_536 = arith.muli %get3A_533, %mul3A_535 : vector<16xi32>
      %add3A_537 = arith.constant 0 : i32
      %add3A_538 = arith.addi %add3A_537, %mul3A_28 : i32
      %add3A_539 = vector.broadcast %add3A_538 : i32 to vector<16xi32>
      %add3A_540 = arith.addi %iota3A, %add3A_539 : vector<16xi32>
      %add3A_541 = arith.addi %mul3A_536, %add3A_540 : vector<16xi32>
      %swap3A_542 = arith.constant 4 : i32
      %swap3A_543 = arith.index_cast %swap3A_542 : i32 to index
      %swap3A_544 = arith.constant 64 : index
      %swap3A_545 = tpu.vector_load %arg11[%swap3A_543, %swap3A_544] {strides = array<i32>} : memref<8x128xi32, #tpu.memory_space<vmem>>, vector<16xi32>,
      tpu.vector_store %arg11[%swap3A_543, %swap3A_544], %add3A_541 {strides = array<i32>} : memref<8x128xi32, #tpu.memory_space<vmem>>, vector<16xi32>,
      %get3A_546 = arith.constant 592 : index
      %get3A_547 = tpu.vector_load %arg10[%get3A_546] {strides = array<i32>} : memref<1024xi32, #tpu.memory_space<vmem>>, vector<16xi32>,
      %mul3A_548 = arith.constant 32 : i32
      %mul3A_549 = vector.broadcast %mul3A_548 : i32 to vector<16xi32>
      %mul3A_550 = arith.muli %get3A_547, %mul3A_549 : vector<16xi32>
      %add3A_551 = arith.constant 16 : i32
      %add3A_552 = arith.addi %add3A_551, %mul3A_28 : i32
      %add3A_553 = vector.broadcast %add3A_552 : i32 to vector<16xi32>
      %add3A_554 = arith.addi %iota3A, %add3A_553 : vector<16xi32>
      %add3A_555 = arith.addi %mul3A_550, %add3A_554 : vector<16xi32>
      %swap3A_556 = arith.constant 4 : i32
      %swap3A_557 = arith.index_cast %swap3A_556 : i32 to index
      %swap3A_558 = arith.constant 80 : index
      %swap3A_559 = tpu.vector_load %arg11[%swap3A_557, %swap3A_558] {strides = array<i32>} : memref<8x128xi32, #tpu.memory_space<vmem>>, vector<16xi32>,
      tpu.vector_store %arg11[%swap3A_557, %swap3A_558], %add3A_555 {strides = array<i32>} : memref<8x128xi32, #tpu.memory_space<vmem>>, vector<16xi32>,
      %get3A_560 = arith.constant 608 : index
      %get3A_561 = tpu.vector_load %arg10[%get3A_560] {strides = array<i32>} : memref<1024xi32, #tpu.memory_space<vmem>>, vector<16xi32>,
      %mul3A_562 = arith.constant 32 : i32
      %mul3A_563 = vector.broadcast %mul3A_562 : i32 to vector<16xi32>
      %mul3A_564 = arith.muli %get3A_561, %mul3A_563 : vector<16xi32>
      %add3A_565 = arith.constant 0 : i32
      %add3A_566 = arith.addi %add3A_565, %mul3A_28 : i32
      %add3A_567 = vector.broadcast %add3A_566 : i32 to vector<16xi32>
      %add3A_568 = arith.addi %iota3A, %add3A_567 : vector<16xi32>
      %add3A_569 = arith.addi %mul3A_564, %add3A_568 : vector<16xi32>
      %swap3A_570 = arith.constant 4 : i32
      %swap3A_571 = arith.index_cast %swap3A_570 : i32 to index
      %swap3A_572 = arith.constant 96 : index
      %swap3A_573 = tpu.vector_load %arg11[%swap3A_571, %swap3A_572] {strides = array<i32>} : memref<8x128xi32, #tpu.memory_space<vmem>>, vector<16xi32>,
      tpu.vector_store %arg11[%swap3A_571, %swap3A_572], %add3A_569 {strides = array<i32>} : memref<8x128xi32, #tpu.memory_space<vmem>>, vector<16xi32>,
      %get3A_574 = arith.constant 624 : index
      %get3A_575 = tpu.vector_load %arg10[%get3A_574] {strides = array<i32>} : memref<1024xi32, #tpu.memory_space<vmem>>, vector<16xi32>,
      %mul3A_576 = arith.constant 32 : i32
      %mul3A_577 = vector.broadcast %mul3A_576 : i32 to vector<16xi32>
      %mul3A_578 = arith.muli %get3A_575, %mul3A_577 : vector<16xi32>
      %add3A_579 = arith.constant 16 : i32
      %add3A_580 = arith.addi %add3A_579, %mul3A_28 : i32
      %add3A_581 = vector.broadcast %add3A_580 : i32 to vector<16xi32>
      %add3A_582 = arith.addi %iota3A, %add3A_581 : vector<16xi32>
      %add3A_583 = arith.addi %mul3A_578, %add3A_582 : vector<16xi32>
      %swap3A_584 = arith.constant 4 : i32
      %swap3A_585 = arith.index_cast %swap3A_584 : i32 to index
      %swap3A_586 = arith.constant 112 : index
      %swap3A_587 = tpu.vector_load %arg11[%swap3A_585, %swap3A_586] {strides = array<i32>} : memref<8x128xi32, #tpu.memory_space<vmem>>, vector<16xi32>,
      tpu.vector_store %arg11[%swap3A_585, %swap3A_586], %add3A_583 {strides = array<i32>} : memref<8x128xi32, #tpu.memory_space<vmem>>, vector<16xi32>,
      %get3A_588 = arith.constant 640 : index
      %get3A_589 = tpu.vector_load %arg10[%get3A_588] {strides = array<i32>} : memref<1024xi32, #tpu.memory_space<vmem>>, vector<16xi32>,
      %mul3A_590 = arith.constant 32 : i32
      %mul3A_591 = vector.broadcast %mul3A_590 : i32 to vector<16xi32>
      %mul3A_592 = arith.muli %get3A_589, %mul3A_591 : vector<16xi32>
      %add3A_593 = arith.constant 0 : i32
      %add3A_594 = arith.addi %add3A_593, %mul3A_28 : i32
      %add3A_595 = vector.broadcast %add3A_594 : i32 to vector<16xi32>
      %add3A_596 = arith.addi %iota3A, %add3A_595 : vector<16xi32>
      %add3A_597 = arith.addi %mul3A_592, %add3A_596 : vector<16xi32>
      %swap3A_598 = arith.constant 5 : i32
      %swap3A_599 = arith.index_cast %swap3A_598 : i32 to index
      %swap3A_600 = arith.constant 0 : index
      %swap3A_601 = tpu.vector_load %arg11[%swap3A_599, %swap3A_600] {strides = array<i32>} : memref<8x128xi32, #tpu.memory_space<vmem>>, vector<16xi32>,
      tpu.vector_store %arg11[%swap3A_599, %swap3A_600], %add3A_597 {strides = array<i32>} : memref<8x128xi32, #tpu.memory_space<vmem>>, vector<16xi32>,
      %get3A_602 = arith.constant 656 : index
      %get3A_603 = tpu.vector_load %arg10[%get3A_602] {strides = array<i32>} : memref<1024xi32, #tpu.memory_space<vmem>>, vector<16xi32>,
      %mul3A_604 = arith.constant 32 : i32
      %mul3A_605 = vector.broadcast %mul3A_604 : i32 to vector<16xi32>
      %mul3A_606 = arith.muli %get3A_603, %mul3A_605 : vector<16xi32>
      %add3A_607 = arith.constant 16 : i32
      %add3A_608 = arith.addi %add3A_607, %mul3A_28 : i32
      %add3A_609 = vector.broadcast %add3A_608 : i32 to vector<16xi32>
      %add3A_610 = arith.addi %iota3A, %add3A_609 : vector<16xi32>
      %add3A_611 = arith.addi %mul3A_606, %add3A_610 : vector<16xi32>
      %swap3A_612 = arith.constant 5 : i32
      %swap3A_613 = arith.index_cast %swap3A_612 : i32 to index
      %swap3A_614 = arith.constant 16 : index
      %swap3A_615 = tpu.vector_load %arg11[%swap3A_613, %swap3A_614] {strides = array<i32>} : memref<8x128xi32, #tpu.memory_space<vmem>>, vector<16xi32>,
      tpu.vector_store %arg11[%swap3A_613, %swap3A_614], %add3A_611 {strides = array<i32>} : memref<8x128xi32, #tpu.memory_space<vmem>>, vector<16xi32>,
      %get3A_616 = arith.constant 672 : index
      %get3A_617 = tpu.vector_load %arg10[%get3A_616] {strides = array<i32>} : memref<1024xi32, #tpu.memory_space<vmem>>, vector<16xi32>,
      %mul3A_618 = arith.constant 32 : i32
      %mul3A_619 = vector.broadcast %mul3A_618 : i32 to vector<16xi32>
      %mul3A_620 = arith.muli %get3A_617, %mul3A_619 : vector<16xi32>
      %add3A_621 = arith.constant 0 : i32
      %add3A_622 = arith.addi %add3A_621, %mul3A_28 : i32
      %add3A_623 = vector.broadcast %add3A_622 : i32 to vector<16xi32>
      %add3A_624 = arith.addi %iota3A, %add3A_623 : vector<16xi32>
      %add3A_625 = arith.addi %mul3A_620, %add3A_624 : vector<16xi32>
      %swap3A_626 = arith.constant 5 : i32
      %swap3A_627 = arith.index_cast %swap3A_626 : i32 to index
      %swap3A_628 = arith.constant 32 : index
      %swap3A_629 = tpu.vector_load %arg11[%swap3A_627, %swap3A_628] {strides = array<i32>} : memref<8x128xi32, #tpu.memory_space<vmem>>, vector<16xi32>,
      tpu.vector_store %arg11[%swap3A_627, %swap3A_628], %add3A_625 {strides = array<i32>} : memref<8x128xi32, #tpu.memory_space<vmem>>, vector<16xi32>,
      %get3A_630 = arith.constant 688 : index
      %get3A_631 = tpu.vector_load %arg10[%get3A_630] {strides = array<i32>} : memref<1024xi32, #tpu.memory_space<vmem>>, vector<16xi32>,
      %mul3A_632 = arith.constant 32 : i32
      %mul3A_633 = vector.broadcast %mul3A_632 : i32 to vector<16xi32>
      %mul3A_634 = arith.muli %get3A_631, %mul3A_633 : vector<16xi32>
      %add3A_635 = arith.constant 16 : i32
      %add3A_636 = arith.addi %add3A_635, %mul3A_28 : i32
      %add3A_637 = vector.broadcast %add3A_636 : i32 to vector<16xi32>
      %add3A_638 = arith.addi %iota3A, %add3A_637 : vector<16xi32>
      %add3A_639 = arith.addi %mul3A_634, %add3A_638 : vector<16xi32>
      %swap3A_640 = arith.constant 5 : i32
      %swap3A_641 = arith.index_cast %swap3A_640 : i32 to index
      %swap3A_642 = arith.constant 48 : index
      %swap3A_643 = tpu.vector_load %arg11[%swap3A_641, %swap3A_642] {strides = array<i32>} : memref<8x128xi32, #tpu.memory_space<vmem>>, vector<16xi32>,
      tpu.vector_store %arg11[%swap3A_641, %swap3A_642], %add3A_639 {strides = array<i32>} : memref<8x128xi32, #tpu.memory_space<vmem>>, vector<16xi32>,
      %get3A_644 = arith.constant 704 : index
      %get3A_645 = tpu.vector_load %arg10[%get3A_644] {strides = array<i32>} : memref<1024xi32, #tpu.memory_space<vmem>>, vector<16xi32>,
      %mul3A_646 = arith.constant 32 : i32
      %mul3A_647 = vector.broadcast %mul3A_646 : i32 to vector<16xi32>
      %mul3A_648 = arith.muli %get3A_645, %mul3A_647 : vector<16xi32>
      %add3A_649 = arith.constant 0 : i32
      %add3A_650 = arith.addi %add3A_649, %mul3A_28 : i32
      %add3A_651 = vector.broadcast %add3A_650 : i32 to vector<16xi32>
      %add3A_652 = arith.addi %iota3A, %add3A_651 : vector<16xi32>
      %add3A_653 = arith.addi %mul3A_648, %add3A_652 : vector<16xi32>
      %swap3A_654 = arith.constant 5 : i32
      %swap3A_655 = arith.index_cast %swap3A_654 : i32 to index
      %swap3A_656 = arith.constant 64 : index
      %swap3A_657 = tpu.vector_load %arg11[%swap3A_655, %swap3A_656] {strides = array<i32>} : memref<8x128xi32, #tpu.memory_space<vmem>>, vector<16xi32>,
      tpu.vector_store %arg11[%swap3A_655, %swap3A_656], %add3A_653 {strides = array<i32>} : memref<8x128xi32, #tpu.memory_space<vmem>>, vector<16xi32>,
      %get3A_658 = arith.constant 720 : index
      %get3A_659 = tpu.vector_load %arg10[%get3A_658] {strides = array<i32>} : memref<1024xi32, #tpu.memory_space<vmem>>, vector<16xi32>,
      %mul3A_660 = arith.constant 32 : i32
      %mul3A_661 = vector.broadcast %mul3A_660 : i32 to vector<16xi32>
      %mul3A_662 = arith.muli %get3A_659, %mul3A_661 : vector<16xi32>
      %add3A_663 = arith.constant 16 : i32
      %add3A_664 = arith.addi %add3A_663, %mul3A_28 : i32
      %add3A_665 = vector.broadcast %add3A_664 : i32 to vector<16xi32>
      %add3A_666 = arith.addi %iota3A, %add3A_665 : vector<16xi32>
      %add3A_667 = arith.addi %mul3A_662, %add3A_666 : vector<16xi32>
      %swap3A_668 = arith.constant 5 : i32
      %swap3A_669 = arith.index_cast %swap3A_668 : i32 to index
      %swap3A_670 = arith.constant 80 : index
      %swap3A_671 = tpu.vector_load %arg11[%swap3A_669, %swap3A_670] {strides = array<i32>} : memref<8x128xi32, #tpu.memory_space<vmem>>, vector<16xi32>,
      tpu.vector_store %arg11[%swap3A_669, %swap3A_670], %add3A_667 {strides = array<i32>} : memref<8x128xi32, #tpu.memory_space<vmem>>, vector<16xi32>,
      %get3A_672 = arith.constant 736 : index
      %get3A_673 = tpu.vector_load %arg10[%get3A_672] {strides = array<i32>} : memref<1024xi32, #tpu.memory_space<vmem>>, vector<16xi32>,
      %mul3A_674 = arith.constant 32 : i32
      %mul3A_675 = vector.broadcast %mul3A_674 : i32 to vector<16xi32>
      %mul3A_676 = arith.muli %get3A_673, %mul3A_675 : vector<16xi32>
      %add3A_677 = arith.constant 0 : i32
      %add3A_678 = arith.addi %add3A_677, %mul3A_28 : i32
      %add3A_679 = vector.broadcast %add3A_678 : i32 to vector<16xi32>
      %add3A_680 = arith.addi %iota3A, %add3A_679 : vector<16xi32>
      %add3A_681 = arith.addi %mul3A_676, %add3A_680 : vector<16xi32>
      %swap3A_682 = arith.constant 5 : i32
      %swap3A_683 = arith.index_cast %swap3A_682 : i32 to index
      %swap3A_684 = arith.constant 96 : index
      %swap3A_685 = tpu.vector_load %arg11[%swap3A_683, %swap3A_684] {strides = array<i32>} : memref<8x128xi32, #tpu.memory_space<vmem>>, vector<16xi32>,
      tpu.vector_store %arg11[%swap3A_683, %swap3A_684], %add3A_681 {strides = array<i32>} : memref<8x128xi32, #tpu.memory_space<vmem>>, vector<16xi32>,
      %get3A_686 = arith.constant 752 : index
      %get3A_687 = tpu.vector_load %arg10[%get3A_686] {strides = array<i32>} : memref<1024xi32, #tpu.memory_space<vmem>>, vector<16xi32>,
      %mul3A_688 = arith.constant 32 : i32
      %mul3A_689 = vector.broadcast %mul3A_688 : i32 to vector<16xi32>
      %mul3A_690 = arith.muli %get3A_687, %mul3A_689 : vector<16xi32>
      %add3A_691 = arith.constant 16 : i32
      %add3A_692 = arith.addi %add3A_691, %mul3A_28 : i32
      %add3A_693 = vector.broadcast %add3A_692 : i32 to vector<16xi32>
      %add3A_694 = arith.addi %iota3A, %add3A_693 : vector<16xi32>
      %add3A_695 = arith.addi %mul3A_690, %add3A_694 : vector<16xi32>
      %swap3A_696 = arith.constant 5 : i32
      %swap3A_697 = arith.index_cast %swap3A_696 : i32 to index
      %swap3A_698 = arith.constant 112 : index
      %swap3A_699 = tpu.vector_load %arg11[%swap3A_697, %swap3A_698] {strides = array<i32>} : memref<8x128xi32, #tpu.memory_space<vmem>>, vector<16xi32>,
      tpu.vector_store %arg11[%swap3A_697, %swap3A_698], %add3A_695 {strides = array<i32>} : memref<8x128xi32, #tpu.memory_space<vmem>>, vector<16xi32>,
      %get3A_700 = arith.constant 768 : index
      %get3A_701 = tpu.vector_load %arg10[%get3A_700] {strides = array<i32>} : memref<1024xi32, #tpu.memory_space<vmem>>, vector<16xi32>,
      %mul3A_702 = arith.constant 32 : i32
      %mul3A_703 = vector.broadcast %mul3A_702 : i32 to vector<16xi32>
      %mul3A_704 = arith.muli %get3A_701, %mul3A_703 : vector<16xi32>
      %add3A_705 = arith.constant 0 : i32
      %add3A_706 = arith.addi %add3A_705, %mul3A_28 : i32
      %add3A_707 = vector.broadcast %add3A_706 : i32 to vector<16xi32>
      %add3A_708 = arith.addi %iota3A, %add3A_707 : vector<16xi32>
      %add3A_709 = arith.addi %mul3A_704, %add3A_708 : vector<16xi32>
      %swap3A_710 = arith.constant 6 : i32
      %swap3A_711 = arith.index_cast %swap3A_710 : i32 to index
      %swap3A_712 = arith.constant 0 : index
      %swap3A_713 = tpu.vector_load %arg11[%swap3A_711, %swap3A_712] {strides = array<i32>} : memref<8x128xi32, #tpu.memory_space<vmem>>, vector<16xi32>,
      tpu.vector_store %arg11[%swap3A_711, %swap3A_712], %add3A_709 {strides = array<i32>} : memref<8x128xi32, #tpu.memory_space<vmem>>, vector<16xi32>,
      %get3A_714 = arith.constant 784 : index
      %get3A_715 = tpu.vector_load %arg10[%get3A_714] {strides = array<i32>} : memref<1024xi32, #tpu.memory_space<vmem>>, vector<16xi32>,
      %mul3A_716 = arith.constant 32 : i32
      %mul3A_717 = vector.broadcast %mul3A_716 : i32 to vector<16xi32>
      %mul3A_718 = arith.muli %get3A_715, %mul3A_717 : vector<16xi32>
      %add3A_719 = arith.constant 16 : i32
      %add3A_720 = arith.addi %add3A_719, %mul3A_28 : i32
      %add3A_721 = vector.broadcast %add3A_720 : i32 to vector<16xi32>
      %add3A_722 = arith.addi %iota3A, %add3A_721 : vector<16xi32>
      %add3A_723 = arith.addi %mul3A_718, %add3A_722 : vector<16xi32>
      %swap3A_724 = arith.constant 6 : i32
      %swap3A_725 = arith.index_cast %swap3A_724 : i32 to index
      %swap3A_726 = arith.constant 16 : index
      %swap3A_727 = tpu.vector_load %arg11[%swap3A_725, %swap3A_726] {strides = array<i32>} : memref<8x128xi32, #tpu.memory_space<vmem>>, vector<16xi32>,
      tpu.vector_store %arg11[%swap3A_725, %swap3A_726], %add3A_723 {strides = array<i32>} : memref<8x128xi32, #tpu.memory_space<vmem>>, vector<16xi32>,
      %get3A_728 = arith.constant 800 : index
      %get3A_729 = tpu.vector_load %arg10[%get3A_728] {strides = array<i32>} : memref<1024xi32, #tpu.memory_space<vmem>>, vector<16xi32>,
      %mul3A_730 = arith.constant 32 : i32
      %mul3A_731 = vector.broadcast %mul3A_730 : i32 to vector<16xi32>
      %mul3A_732 = arith.muli %get3A_729, %mul3A_731 : vector<16xi32>
      %add3A_733 = arith.constant 0 : i32
      %add3A_734 = arith.addi %add3A_733, %mul3A_28 : i32
      %add3A_735 = vector.broadcast %add3A_734 : i32 to vector<16xi32>
      %add3A_736 = arith.addi %iota3A, %add3A_735 : vector<16xi32>
      %add3A_737 = arith.addi %mul3A_732, %add3A_736 : vector<16xi32>
      %swap3A_738 = arith.constant 6 : i32
      %swap3A_739 = arith.index_cast %swap3A_738 : i32 to index
      %swap3A_740 = arith.constant 32 : index
      %swap3A_741 = tpu.vector_load %arg11[%swap3A_739, %swap3A_740] {strides = array<i32>} : memref<8x128xi32, #tpu.memory_space<vmem>>, vector<16xi32>,
      tpu.vector_store %arg11[%swap3A_739, %swap3A_740], %add3A_737 {strides = array<i32>} : memref<8x128xi32, #tpu.memory_space<vmem>>, vector<16xi32>,
      %get3A_742 = arith.constant 816 : index
      %get3A_743 = tpu.vector_load %arg10[%get3A_742] {strides = array<i32>} : memref<1024xi32, #tpu.memory_space<vmem>>, vector<16xi32>,
      %mul3A_744 = arith.constant 32 : i32
      %mul3A_745 = vector.broadcast %mul3A_744 : i32 to vector<16xi32>
      %mul3A_746 = arith.muli %get3A_743, %mul3A_745 : vector<16xi32>
      %add3A_747 = arith.constant 16 : i32
      %add3A_748 = arith.addi %add3A_747, %mul3A_28 : i32
      %add3A_749 = vector.broadcast %add3A_748 : i32 to vector<16xi32>
      %add3A_750 = arith.addi %iota3A, %add3A_749 : vector<16xi32>
      %add3A_751 = arith.addi %mul3A_746, %add3A_750 : vector<16xi32>
      %swap3A_752 = arith.constant 6 : i32
      %swap3A_753 = arith.index_cast %swap3A_752 : i32 to index
      %swap3A_754 = arith.constant 48 : index
      %swap3A_755 = tpu.vector_load %arg11[%swap3A_753, %swap3A_754] {strides = array<i32>} : memref<8x128xi32, #tpu.memory_space<vmem>>, vector<16xi32>,
      tpu.vector_store %arg11[%swap3A_753, %swap3A_754], %add3A_751 {strides = array<i32>} : memref<8x128xi32, #tpu.memory_space<vmem>>, vector<16xi32>,
      %get3A_756 = arith.constant 832 : index
      %get3A_757 = tpu.vector_load %arg10[%get3A_756] {strides = array<i32>} : memref<1024xi32, #tpu.memory_space<vmem>>, vector<16xi32>,
      %mul3A_758 = arith.constant 32 : i32
      %mul3A_759 = vector.broadcast %mul3A_758 : i32 to vector<16xi32>
      %mul3A_760 = arith.muli %get3A_757, %mul3A_759 : vector<16xi32>
      %add3A_761 = arith.constant 0 : i32
      %add3A_762 = arith.addi %add3A_761, %mul3A_28 : i32
      %add3A_763 = vector.broadcast %add3A_762 : i32 to vector<16xi32>
      %add3A_764 = arith.addi %iota3A, %add3A_763 : vector<16xi32>
      %add3A_765 = arith.addi %mul3A_760, %add3A_764 : vector<16xi32>
      %swap3A_766 = arith.constant 6 : i32
      %swap3A_767 = arith.index_cast %swap3A_766 : i32 to index
      %swap3A_768 = arith.constant 64 : index
      %swap3A_769 = tpu.vector_load %arg11[%swap3A_767, %swap3A_768] {strides = array<i32>} : memref<8x128xi32, #tpu.memory_space<vmem>>, vector<16xi32>,
      tpu.vector_store %arg11[%swap3A_767, %swap3A_768], %add3A_765 {strides = array<i32>} : memref<8x128xi32, #tpu.memory_space<vmem>>, vector<16xi32>,
      %get3A_770 = arith.constant 848 : index
      %get3A_771 = tpu.vector_load %arg10[%get3A_770] {strides = array<i32>} : memref<1024xi32, #tpu.memory_space<vmem>>, vector<16xi32>,
      %mul3A_772 = arith.constant 32 : i32
      %mul3A_773 = vector.broadcast %mul3A_772 : i32 to vector<16xi32>
      %mul3A_774 = arith.muli %get3A_771, %mul3A_773 : vector<16xi32>
      %add3A_775 = arith.constant 16 : i32
      %add3A_776 = arith.addi %add3A_775, %mul3A_28 : i32
      %add3A_777 = vector.broadcast %add3A_776 : i32 to vector<16xi32>
      %add3A_778 = arith.addi %iota3A, %add3A_777 : vector<16xi32>
      %add3A_779 = arith.addi %mul3A_774, %add3A_778 : vector<16xi32>
      %swap3A_780 = arith.constant 6 : i32
      %swap3A_781 = arith.index_cast %swap3A_780 : i32 to index
      %swap3A_782 = arith.constant 80 : index
      %swap3A_783 = tpu.vector_load %arg11[%swap3A_781, %swap3A_782] {strides = array<i32>} : memref<8x128xi32, #tpu.memory_space<vmem>>, vector<16xi32>,
      tpu.vector_store %arg11[%swap3A_781, %swap3A_782], %add3A_779 {strides = array<i32>} : memref<8x128xi32, #tpu.memory_space<vmem>>, vector<16xi32>,
      %get3A_784 = arith.constant 864 : index
      %get3A_785 = tpu.vector_load %arg10[%get3A_784] {strides = array<i32>} : memref<1024xi32, #tpu.memory_space<vmem>>, vector<16xi32>,
      %mul3A_786 = arith.constant 32 : i32
      %mul3A_787 = vector.broadcast %mul3A_786 : i32 to vector<16xi32>
      %mul3A_788 = arith.muli %get3A_785, %mul3A_787 : vector<16xi32>
      %add3A_789 = arith.constant 0 : i32
      %add3A_790 = arith.addi %add3A_789, %mul3A_28 : i32
      %add3A_791 = vector.broadcast %add3A_790 : i32 to vector<16xi32>
      %add3A_792 = arith.addi %iota3A, %add3A_791 : vector<16xi32>
      %add3A_793 = arith.addi %mul3A_788, %add3A_792 : vector<16xi32>
      %swap3A_794 = arith.constant 6 : i32
      %swap3A_795 = arith.index_cast %swap3A_794 : i32 to index
      %swap3A_796 = arith.constant 96 : index
      %swap3A_797 = tpu.vector_load %arg11[%swap3A_795, %swap3A_796] {strides = array<i32>} : memref<8x128xi32, #tpu.memory_space<vmem>>, vector<16xi32>,
      tpu.vector_store %arg11[%swap3A_795, %swap3A_796], %add3A_793 {strides = array<i32>} : memref<8x128xi32, #tpu.memory_space<vmem>>, vector<16xi32>,
      %get3A_798 = arith.constant 880 : index
      %get3A_799 = tpu.vector_load %arg10[%get3A_798] {strides = array<i32>} : memref<1024xi32, #tpu.memory_space<vmem>>, vector<16xi32>,
      %mul3A_800 = arith.constant 32 : i32
      %mul3A_801 = vector.broadcast %mul3A_800 : i32 to vector<16xi32>
      %mul3A_802 = arith.muli %get3A_799, %mul3A_801 : vector<16xi32>
      %add3A_803 = arith.constant 16 : i32
      %add3A_804 = arith.addi %add3A_803, %mul3A_28 : i32
      %add3A_805 = vector.broadcast %add3A_804 : i32 to vector<16xi32>
      %add3A_806 = arith.addi %iota3A, %add3A_805 : vector<16xi32>
      %add3A_807 = arith.addi %mul3A_802, %add3A_806 : vector<16xi32>
      %swap3A_808 = arith.constant 6 : i32
      %swap3A_809 = arith.index_cast %swap3A_808 : i32 to index
      %swap3A_810 = arith.constant 112 : index
      %swap3A_811 = tpu.vector_load %arg11[%swap3A_809, %swap3A_810] {strides = array<i32>} : memref<8x128xi32, #tpu.memory_space<vmem>>, vector<16xi32>,
      tpu.vector_store %arg11[%swap3A_809, %swap3A_810], %add3A_807 {strides = array<i32>} : memref<8x128xi32, #tpu.memory_space<vmem>>, vector<16xi32>,
      %get3A_812 = arith.constant 896 : index
      %get3A_813 = tpu.vector_load %arg10[%get3A_812] {strides = array<i32>} : memref<1024xi32, #tpu.memory_space<vmem>>, vector<16xi32>,
      %mul3A_814 = arith.constant 32 : i32
      %mul3A_815 = vector.broadcast %mul3A_814 : i32 to vector<16xi32>
      %mul3A_816 = arith.muli %get3A_813, %mul3A_815 : vector<16xi32>
      %add3A_817 = arith.constant 0 : i32
      %add3A_818 = arith.addi %add3A_817, %mul3A_28 : i32
      %add3A_819 = vector.broadcast %add3A_818 : i32 to vector<16xi32>
      %add3A_820 = arith.addi %iota3A, %add3A_819 : vector<16xi32>
      %add3A_821 = arith.addi %mul3A_816, %add3A_820 : vector<16xi32>
      %swap3A_822 = arith.constant 7 : i32
      %swap3A_823 = arith.index_cast %swap3A_822 : i32 to index
      %swap3A_824 = arith.constant 0 : index
      %swap3A_825 = tpu.vector_load %arg11[%swap3A_823, %swap3A_824] {strides = array<i32>} : memref<8x128xi32, #tpu.memory_space<vmem>>, vector<16xi32>,
      tpu.vector_store %arg11[%swap3A_823, %swap3A_824], %add3A_821 {strides = array<i32>} : memref<8x128xi32, #tpu.memory_space<vmem>>, vector<16xi32>,
      %get3A_826 = arith.constant 912 : index
      %get3A_827 = tpu.vector_load %arg10[%get3A_826] {strides = array<i32>} : memref<1024xi32, #tpu.memory_space<vmem>>, vector<16xi32>,
      %mul3A_828 = arith.constant 32 : i32
      %mul3A_829 = vector.broadcast %mul3A_828 : i32 to vector<16xi32>
      %mul3A_830 = arith.muli %get3A_827, %mul3A_829 : vector<16xi32>
      %add3A_831 = arith.constant 16 : i32
      %add3A_832 = arith.addi %add3A_831, %mul3A_28 : i32
      %add3A_833 = vector.broadcast %add3A_832 : i32 to vector<16xi32>
      %add3A_834 = arith.addi %iota3A, %add3A_833 : vector<16xi32>
      %add3A_835 = arith.addi %mul3A_830, %add3A_834 : vector<16xi32>
      %swap3A_836 = arith.constant 7 : i32
      %swap3A_837 = arith.index_cast %swap3A_836 : i32 to index
      %swap3A_838 = arith.constant 16 : index
      %swap3A_839 = tpu.vector_load %arg11[%swap3A_837, %swap3A_838] {strides = array<i32>} : memref<8x128xi32, #tpu.memory_space<vmem>>, vector<16xi32>,
      tpu.vector_store %arg11[%swap3A_837, %swap3A_838], %add3A_835 {strides = array<i32>} : memref<8x128xi32, #tpu.memory_space<vmem>>, vector<16xi32>,
      %get3A_840 = arith.constant 928 : index
      %get3A_841 = tpu.vector_load %arg10[%get3A_840] {strides = array<i32>} : memref<1024xi32, #tpu.memory_space<vmem>>, vector<16xi32>,
      %mul3A_842 = arith.constant 32 : i32
      %mul3A_843 = vector.broadcast %mul3A_842 : i32 to vector<16xi32>
      %mul3A_844 = arith.muli %get3A_841, %mul3A_843 : vector<16xi32>
      %add3A_845 = arith.constant 0 : i32
      %add3A_846 = arith.addi %add3A_845, %mul3A_28 : i32
      %add3A_847 = vector.broadcast %add3A_846 : i32 to vector<16xi32>
      %add3A_848 = arith.addi %iota3A, %add3A_847 : vector<16xi32>
      %add3A_849 = arith.addi %mul3A_844, %add3A_848 : vector<16xi32>
      %swap3A_850 = arith.constant 7 : i32
      %swap3A_851 = arith.index_cast %swap3A_850 : i32 to index
      %swap3A_852 = arith.constant 32 : index
      %swap3A_853 = tpu.vector_load %arg11[%swap3A_851, %swap3A_852] {strides = array<i32>} : memref<8x128xi32, #tpu.memory_space<vmem>>, vector<16xi32>,
      tpu.vector_store %arg11[%swap3A_851, %swap3A_852], %add3A_849 {strides = array<i32>} : memref<8x128xi32, #tpu.memory_space<vmem>>, vector<16xi32>,
      %get3A_854 = arith.constant 944 : index
      %get3A_855 = tpu.vector_load %arg10[%get3A_854] {strides = array<i32>} : memref<1024xi32, #tpu.memory_space<vmem>>, vector<16xi32>,
      %mul3A_856 = arith.constant 32 : i32
      %mul3A_857 = vector.broadcast %mul3A_856 : i32 to vector<16xi32>
      %mul3A_858 = arith.muli %get3A_855, %mul3A_857 : vector<16xi32>
      %add3A_859 = arith.constant 16 : i32
      %add3A_860 = arith.addi %add3A_859, %mul3A_28 : i32
      %add3A_861 = vector.broadcast %add3A_860 : i32 to vector<16xi32>
      %add3A_862 = arith.addi %iota3A, %add3A_861 : vector<16xi32>
      %add3A_863 = arith.addi %mul3A_858, %add3A_862 : vector<16xi32>
      %swap3A_864 = arith.constant 7 : i32
      %swap3A_865 = arith.index_cast %swap3A_864 : i32 to index
      %swap3A_866 = arith.constant 48 : index
      %swap3A_867 = tpu.vector_load %arg11[%swap3A_865, %swap3A_866] {strides = array<i32>} : memref<8x128xi32, #tpu.memory_space<vmem>>, vector<16xi32>,
      tpu.vector_store %arg11[%swap3A_865, %swap3A_866], %add3A_863 {strides = array<i32>} : memref<8x128xi32, #tpu.memory_space<vmem>>, vector<16xi32>,
      %get3A_868 = arith.constant 960 : index
      %get3A_869 = tpu.vector_load %arg10[%get3A_868] {strides = array<i32>} : memref<1024xi32, #tpu.memory_space<vmem>>, vector<16xi32>,
      %mul3A_870 = arith.constant 32 : i32
      %mul3A_871 = vector.broadcast %mul3A_870 : i32 to vector<16xi32>
      %mul3A_872 = arith.muli %get3A_869, %mul3A_871 : vector<16xi32>
      %add3A_873 = arith.constant 0 : i32
      %add3A_874 = arith.addi %add3A_873, %mul3A_28 : i32
      %add3A_875 = vector.broadcast %add3A_874 : i32 to vector<16xi32>
      %add3A_876 = arith.addi %iota3A, %add3A_875 : vector<16xi32>
      %add3A_877 = arith.addi %mul3A_872, %add3A_876 : vector<16xi32>
      %swap3A_878 = arith.constant 7 : i32
      %swap3A_879 = arith.index_cast %swap3A_878 : i32 to index
      %swap3A_880 = arith.constant 64 : index
      %swap3A_881 = tpu.vector_load %arg11[%swap3A_879, %swap3A_880] {strides = array<i32>} : memref<8x128xi32, #tpu.memory_space<vmem>>, vector<16xi32>,
      tpu.vector_store %arg11[%swap3A_879, %swap3A_880], %add3A_877 {strides = array<i32>} : memref<8x128xi32, #tpu.memory_space<vmem>>, vector<16xi32>,
      %get3A_882 = arith.constant 976 : index
      %get3A_883 = tpu.vector_load %arg10[%get3A_882] {strides = array<i32>} : memref<1024xi32, #tpu.memory_space<vmem>>, vector<16xi32>,
      %mul3A_884 = arith.constant 32 : i32
      %mul3A_885 = vector.broadcast %mul3A_884 : i32 to vector<16xi32>
      %mul3A_886 = arith.muli %get3A_883, %mul3A_885 : vector<16xi32>
      %add3A_887 = arith.constant 16 : i32
      %add3A_888 = arith.addi %add3A_887, %mul3A_28 : i32
      %add3A_889 = vector.broadcast %add3A_888 : i32 to vector<16xi32>
      %add3A_890 = arith.addi %iota3A, %add3A_889 : vector<16xi32>
      %add3A_891 = arith.addi %mul3A_886, %add3A_890 : vector<16xi32>
      %swap3A_892 = arith.constant 7 : i32
      %swap3A_893 = arith.index_cast %swap3A_892 : i32 to index
      %swap3A_894 = arith.constant 80 : index
      %swap3A_895 = tpu.vector_load %arg11[%swap3A_893, %swap3A_894] {strides = array<i32>} : memref<8x128xi32, #tpu.memory_space<vmem>>, vector<16xi32>,
      tpu.vector_store %arg11[%swap3A_893, %swap3A_894], %add3A_891 {strides = array<i32>} : memref<8x128xi32, #tpu.memory_space<vmem>>, vector<16xi32>,
      %get3A_896 = arith.constant 992 : index
      %get3A_897 = tpu.vector_load %arg10[%get3A_896] {strides = array<i32>} : memref<1024xi32, #tpu.memory_space<vmem>>, vector<16xi32>,
      %mul3A_898 = arith.constant 32 : i32
      %mul3A_899 = vector.broadcast %mul3A_898 : i32 to vector<16xi32>
      %mul3A_900 = arith.muli %get3A_897, %mul3A_899 : vector<16xi32>
      %add3A_901 = arith.constant 0 : i32
      %add3A_902 = arith.addi %add3A_901, %mul3A_28 : i32
      %add3A_903 = vector.broadcast %add3A_902 : i32 to vector<16xi32>
      %add3A_904 = arith.addi %iota3A, %add3A_903 : vector<16xi32>
      %add3A_905 = arith.addi %mul3A_900, %add3A_904 : vector<16xi32>
      %swap3A_906 = arith.constant 7 : i32
      %swap3A_907 = arith.index_cast %swap3A_906 : i32 to index
      %swap3A_908 = arith.constant 96 : index
      %swap3A_909 = tpu.vector_load %arg11[%swap3A_907, %swap3A_908] {strides = array<i32>} : memref<8x128xi32, #tpu.memory_space<vmem>>, vector<16xi32>,
      tpu.vector_store %arg11[%swap3A_907, %swap3A_908], %add3A_905 {strides = array<i32>} : memref<8x128xi32, #tpu.memory_space<vmem>>, vector<16xi32>,
      %get3A_910 = arith.constant 1008 : index
      %get3A_911 = tpu.vector_load %arg10[%get3A_910] {strides = array<i32>} : memref<1024xi32, #tpu.memory_space<vmem>>, vector<16xi32>,
      %mul3A_912 = arith.constant 32 : i32
      %mul3A_913 = vector.broadcast %mul3A_912 : i32 to vector<16xi32>
      %mul3A_914 = arith.muli %get3A_911, %mul3A_913 : vector<16xi32>
      %add3A_915 = arith.constant 16 : i32
      %add3A_916 = arith.addi %add3A_915, %mul3A_28 : i32
      %add3A_917 = vector.broadcast %add3A_916 : i32 to vector<16xi32>
      %add3A_918 = arith.addi %iota3A, %add3A_917 : vector<16xi32>
      %add3A_919 = arith.addi %mul3A_914, %add3A_918 : vector<16xi32>
      %swap3A_920 = arith.constant 7 : i32
      %swap3A_921 = arith.index_cast %swap3A_920 : i32 to index
      %swap3A_922 = arith.constant 112 : index
      %swap3A_923 = tpu.vector_load %arg11[%swap3A_921, %swap3A_922] {strides = array<i32>} : memref<8x128xi32, #tpu.memory_space<vmem>>, vector<16xi32>,
      tpu.vector_store %arg11[%swap3A_921, %swap3A_922], %add3A_919 {strides = array<i32>} : memref<8x128xi32, #tpu.memory_space<vmem>>, vector<16xi32>,
      %dma_start3A = arith.constant 0 : i32
      %dma_start3A_924 = arith.constant 0 : i32
      %dma_start3A_925 = arith.constant 0 : i32
      %dma_start3A_926 = tpu.memref_slice %arg12[%dma_start3A_924, %dma_start3A_925] : memref<8x128xf32, #tpu.memory_space<vmem>> -> memref<1x128xf32, #tpu.memory_space<vmem>>
      %dma_start3A_927 = tpu.memref_squeeze %dma_start3A_926 : memref<1x128xf32, #tpu.memory_space<vmem>> -> memref<128xf32, #tpu.memory_space<vmem>>
      %dma_start3A_928 = arith.constant 0 : i32
      %dma_start3A_929 = tpu.memref_slice %arg11[%dma_start3A, %dma_start3A_928] : memref<8x128xi32, #tpu.memory_space<vmem>> -> memref<1x128xi32, #tpu.memory_space<vmem>>
      %dma_start3A_930 = tpu.memref_squeeze %dma_start3A_929 : memref<1x128xi32, #tpu.memory_space<vmem>> -> memref<128xi32, #tpu.memory_space<vmem>>
      %dma_start3A_931 = arith.constant 0 : i32
      %dma_start3A_932 = tpu.memref_slice %arg3[%dma_start3A_931] : memref<134217728xf32, #tpu.memory_space<hbm>> -> memref<134217728xf32, #tpu.memory_space<hbm>>
      tpu.enqueue_indirect_dma source(%dma_start3A_932 : memref<134217728xf32, #tpu.memory_space<hbm>>) target(%dma_start3A_927 : memref<128xf32, #tpu.memory_space<vmem>>) offsets(%dma_start3A_930 : memref<128xi32, #tpu.memory_space<vmem>>) semaphore(%arg15 : memref<!tpu.dma_semaphore, #tpu.memory_space<semaphore_mem>>)
      %dma_start3A_933 = arith.constant 1 : i32
      %dma_start3A_934 = arith.constant 1 : i32
      %dma_start3A_935 = arith.constant 0 : i32
      %dma_start3A_936 = tpu.memref_slice %arg12[%dma_start3A_934, %dma_start3A_935] : memref<8x128xf32, #tpu.memory_space<vmem>> -> memref<1x128xf32, #tpu.memory_space<vmem>>
      %dma_start3A_937 = tpu.memref_squeeze %dma_start3A_936 : memref<1x128xf32, #tpu.memory_space<vmem>> -> memref<128xf32, #tpu.memory_space<vmem>>
      %dma_start3A_938 = arith.constant 0 : i32
      %dma_start3A_939 = tpu.memref_slice %arg11[%dma_start3A_933, %dma_start3A_938] : memref<8x128xi32, #tpu.memory_space<vmem>> -> memref<1x128xi32, #tpu.memory_space<vmem>>
      %dma_start3A_940 = tpu.memref_squeeze %dma_start3A_939 : memref<1x128xi32, #tpu.memory_space<vmem>> -> memref<128xi32, #tpu.memory_space<vmem>>
      %dma_start3A_941 = arith.constant 0 : i32
      %dma_start3A_942 = tpu.memref_slice %arg3[%dma_start3A_941] : memref<134217728xf32, #tpu.memory_space<hbm>> -> memref<134217728xf32, #tpu.memory_space<hbm>>
      tpu.enqueue_indirect_dma source(%dma_start3A_942 : memref<134217728xf32, #tpu.memory_space<hbm>>) target(%dma_start3A_937 : memref<128xf32, #tpu.memory_space<vmem>>) offsets(%dma_start3A_940 : memref<128xi32, #tpu.memory_space<vmem>>) semaphore(%arg15 : memref<!tpu.dma_semaphore, #tpu.memory_space<semaphore_mem>>)
      %dma_start3A_943 = arith.constant 2 : i32
      %dma_start3A_944 = arith.constant 2 : i32
      %dma_start3A_945 = arith.constant 0 : i32
      %dma_start3A_946 = tpu.memref_slice %arg12[%dma_start3A_944, %dma_start3A_945] : memref<8x128xf32, #tpu.memory_space<vmem>> -> memref<1x128xf32, #tpu.memory_space<vmem>>
      %dma_start3A_947 = tpu.memref_squeeze %dma_start3A_946 : memref<1x128xf32, #tpu.memory_space<vmem>> -> memref<128xf32, #tpu.memory_space<vmem>>
      %dma_start3A_948 = arith.constant 0 : i32
      %dma_start3A_949 = tpu.memref_slice %arg11[%dma_start3A_943, %dma_start3A_948] : memref<8x128xi32, #tpu.memory_space<vmem>> -> memref<1x128xi32, #tpu.memory_space<vmem>>
      %dma_start3A_950 = tpu.memref_squeeze %dma_start3A_949 : memref<1x128xi32, #tpu.memory_space<vmem>> -> memref<128xi32, #tpu.memory_space<vmem>>
      %dma_start3A_951 = arith.constant 0 : i32
      %dma_start3A_952 = tpu.memref_slice %arg3[%dma_start3A_951] : memref<134217728xf32, #tpu.memory_space<hbm>> -> memref<134217728xf32, #tpu.memory_space<hbm>>
      tpu.enqueue_indirect_dma source(%dma_start3A_952 : memref<134217728xf32, #tpu.memory_space<hbm>>) target(%dma_start3A_947 : memref<128xf32, #tpu.memory_space<vmem>>) offsets(%dma_start3A_950 : memref<128xi32, #tpu.memory_space<vmem>>) semaphore(%arg15 : memref<!tpu.dma_semaphore, #tpu.memory_space<semaphore_mem>>)
      %dma_start3A_953 = arith.constant 3 : i32
      %dma_start3A_954 = arith.constant 3 : i32
      %dma_start3A_955 = arith.constant 0 : i32
      %dma_start3A_956 = tpu.memref_slice %arg12[%dma_start3A_954, %dma_start3A_955] : memref<8x128xf32, #tpu.memory_space<vmem>> -> memref<1x128xf32, #tpu.memory_space<vmem>>
      %dma_start3A_957 = tpu.memref_squeeze %dma_start3A_956 : memref<1x128xf32, #tpu.memory_space<vmem>> -> memref<128xf32, #tpu.memory_space<vmem>>
      %dma_start3A_958 = arith.constant 0 : i32
      %dma_start3A_959 = tpu.memref_slice %arg11[%dma_start3A_953, %dma_start3A_958] : memref<8x128xi32, #tpu.memory_space<vmem>> -> memref<1x128xi32, #tpu.memory_space<vmem>>
      %dma_start3A_960 = tpu.memref_squeeze %dma_start3A_959 : memref<1x128xi32, #tpu.memory_space<vmem>> -> memref<128xi32, #tpu.memory_space<vmem>>
      %dma_start3A_961 = arith.constant 0 : i32
      %dma_start3A_962 = tpu.memref_slice %arg3[%dma_start3A_961] : memref<134217728xf32, #tpu.memory_space<hbm>> -> memref<134217728xf32, #tpu.memory_space<hbm>>
      tpu.enqueue_indirect_dma source(%dma_start3A_962 : memref<134217728xf32, #tpu.memory_space<hbm>>) target(%dma_start3A_957 : memref<128xf32, #tpu.memory_space<vmem>>) offsets(%dma_start3A_960 : memref<128xi32, #tpu.memory_space<vmem>>) semaphore(%arg15 : memref<!tpu.dma_semaphore, #tpu.memory_space<semaphore_mem>>)
      %dma_start3A_963 = arith.constant 4 : i32
      %dma_start3A_964 = arith.constant 4 : i32
      %dma_start3A_965 = arith.constant 0 : i32
      %dma_start3A_966 = tpu.memref_slice %arg12[%dma_start3A_964, %dma_start3A_965] : memref<8x128xf32, #tpu.memory_space<vmem>> -> memref<1x128xf32, #tpu.memory_space<vmem>>
      %dma_start3A_967 = tpu.memref_squeeze %dma_start3A_966 : memref<1x128xf32, #tpu.memory_space<vmem>> -> memref<128xf32, #tpu.memory_space<vmem>>
      %dma_start3A_968 = arith.constant 0 : i32
      %dma_start3A_969 = tpu.memref_slice %arg11[%dma_start3A_963, %dma_start3A_968] : memref<8x128xi32, #tpu.memory_space<vmem>> -> memref<1x128xi32, #tpu.memory_space<vmem>>
      %dma_start3A_970 = tpu.memref_squeeze %dma_start3A_969 : memref<1x128xi32, #tpu.memory_space<vmem>> -> memref<128xi32, #tpu.memory_space<vmem>>
      %dma_start3A_971 = arith.constant 0 : i32
      %dma_start3A_972 = tpu.memref_slice %arg3[%dma_start3A_971] : memref<134217728xf32, #tpu.memory_space<hbm>> -> memref<134217728xf32, #tpu.memory_space<hbm>>
      tpu.enqueue_indirect_dma source(%dma_start3A_972 : memref<134217728xf32, #tpu.memory_space<hbm>>) target(%dma_start3A_967 : memref<128xf32, #tpu.memory_space<vmem>>) offsets(%dma_start3A_970 : memref<128xi32, #tpu.memory_space<vmem>>) semaphore(%arg15 : memref<!tpu.dma_semaphore, #tpu.memory_space<semaphore_mem>>)
      %dma_start3A_973 = arith.constant 5 : i32
      %dma_start3A_974 = arith.constant 5 : i32
      %dma_start3A_975 = arith.constant 0 : i32
      %dma_start3A_976 = tpu.memref_slice %arg12[%dma_start3A_974, %dma_start3A_975] : memref<8x128xf32, #tpu.memory_space<vmem>> -> memref<1x128xf32, #tpu.memory_space<vmem>>
      %dma_start3A_977 = tpu.memref_squeeze %dma_start3A_976 : memref<1x128xf32, #tpu.memory_space<vmem>> -> memref<128xf32, #tpu.memory_space<vmem>>
      %dma_start3A_978 = arith.constant 0 : i32
      %dma_start3A_979 = tpu.memref_slice %arg11[%dma_start3A_973, %dma_start3A_978] : memref<8x128xi32, #tpu.memory_space<vmem>> -> memref<1x128xi32, #tpu.memory_space<vmem>>
      %dma_start3A_980 = tpu.memref_squeeze %dma_start3A_979 : memref<1x128xi32, #tpu.memory_space<vmem>> -> memref<128xi32, #tpu.memory_space<vmem>>
      %dma_start3A_981 = arith.constant 0 : i32
      %dma_start3A_982 = tpu.memref_slice %arg3[%dma_start3A_981] : memref<134217728xf32, #tpu.memory_space<hbm>> -> memref<134217728xf32, #tpu.memory_space<hbm>>
      tpu.enqueue_indirect_dma source(%dma_start3A_982 : memref<134217728xf32, #tpu.memory_space<hbm>>) target(%dma_start3A_977 : memref<128xf32, #tpu.memory_space<vmem>>) offsets(%dma_start3A_980 : memref<128xi32, #tpu.memory_space<vmem>>) semaphore(%arg15 : memref<!tpu.dma_semaphore, #tpu.memory_space<semaphore_mem>>)
      %dma_start3A_983 = arith.constant 6 : i32
      %dma_start3A_984 = arith.constant 6 : i32
      %dma_start3A_985 = arith.constant 0 : i32
      %dma_start3A_986 = tpu.memref_slice %arg12[%dma_start3A_984, %dma_start3A_985] : memref<8x128xf32, #tpu.memory_space<vmem>> -> memref<1x128xf32, #tpu.memory_space<vmem>>
      %dma_start3A_987 = tpu.memref_squeeze %dma_start3A_986 : memref<1x128xf32, #tpu.memory_space<vmem>> -> memref<128xf32, #tpu.memory_space<vmem>>
      %dma_start3A_988 = arith.constant 0 : i32
      %dma_start3A_989 = tpu.memref_slice %arg11[%dma_start3A_983, %dma_start3A_988] : memref<8x128xi32, #tpu.memory_space<vmem>> -> memref<1x128xi32, #tpu.memory_space<vmem>>
      %dma_start3A_990 = tpu.memref_squeeze %dma_start3A_989 : memref<1x128xi32, #tpu.memory_space<vmem>> -> memref<128xi32, #tpu.memory_space<vmem>>
      %dma_start3A_991 = arith.constant 0 : i32
      %dma_start3A_992 = tpu.memref_slice %arg3[%dma_start3A_991] : memref<134217728xf32, #tpu.memory_space<hbm>> -> memref<134217728xf32, #tpu.memory_space<hbm>>
      tpu.enqueue_indirect_dma source(%dma_start3A_992 : memref<134217728xf32, #tpu.memory_space<hbm>>) target(%dma_start3A_987 : memref<128xf32, #tpu.memory_space<vmem>>) offsets(%dma_start3A_990 : memref<128xi32, #tpu.memory_space<vmem>>) semaphore(%arg15 : memref<!tpu.dma_semaphore, #tpu.memory_space<semaphore_mem>>)
      %dma_start3A_993 = arith.constant 7 : i32
      %dma_start3A_994 = arith.constant 7 : i32
      %dma_start3A_995 = arith.constant 0 : i32
      %dma_start3A_996 = tpu.memref_slice %arg12[%dma_start3A_994, %dma_start3A_995] : memref<8x128xf32, #tpu.memory_space<vmem>> -> memref<1x128xf32, #tpu.memory_space<vmem>>
      %dma_start3A_997 = tpu.memref_squeeze %dma_start3A_996 : memref<1x128xf32, #tpu.memory_space<vmem>> -> memref<128xf32, #tpu.memory_space<vmem>>
      %dma_start3A_998 = arith.constant 0 : i32
      %dma_start3A_999 = tpu.memref_slice %arg11[%dma_start3A_993, %dma_start3A_998] : memref<8x128xi32, #tpu.memory_space<vmem>> -> memref<1x128xi32, #tpu.memory_space<vmem>>
      %dma_start3A_1000 = tpu.memref_squeeze %dma_start3A_999 : memref<1x128xi32, #tpu.memory_space<vmem>> -> memref<128xi32, #tpu.memory_space<vmem>>
      %dma_start3A_1001 = arith.constant 0 : i32
      %dma_start3A_1002 = tpu.memref_slice %arg3[%dma_start3A_1001] : memref<134217728xf32, #tpu.memory_space<hbm>> -> memref<134217728xf32, #tpu.memory_space<hbm>>
      tpu.enqueue_indirect_dma source(%dma_start3A_1002 : memref<134217728xf32, #tpu.memory_space<hbm>>) target(%dma_start3A_997 : memref<128xf32, #tpu.memory_space<vmem>>) offsets(%dma_start3A_1000 : memref<128xi32, #tpu.memory_space<vmem>>) semaphore(%arg15 : memref<!tpu.dma_semaphore, #tpu.memory_space<semaphore_mem>>)
      %dma_wait3A = arith.constant 0 : i32
      %dma_wait3A_1003 = arith.constant 0 : i32
      %dma_wait3A_1004 = arith.constant 0 : i32
      %dma_wait3A_1005 = tpu.memref_slice %arg12[%dma_wait3A_1003, %dma_wait3A_1004] : memref<8x128xf32, #tpu.memory_space<vmem>> -> memref<1x128xf32, #tpu.memory_space<vmem>>
      %dma_wait3A_1006 = tpu.memref_squeeze %dma_wait3A_1005 : memref<1x128xf32, #tpu.memory_space<vmem>> -> memref<128xf32, #tpu.memory_space<vmem>>
      %dma_wait3A_1007 = arith.constant 0 : i32
      %dma_wait3A_1008 = tpu.memref_slice %arg11[%dma_wait3A, %dma_wait3A_1007] : memref<8x128xi32, #tpu.memory_space<vmem>> -> memref<1x128xi32, #tpu.memory_space<vmem>>
      %dma_wait3A_1009 = tpu.memref_squeeze %dma_wait3A_1008 : memref<1x128xi32, #tpu.memory_space<vmem>> -> memref<128xi32, #tpu.memory_space<vmem>>
      %dma_wait3A_1010 = arith.constant 0 : i32
      %dma_wait3A_1011 = tpu.memref_slice %arg3[%dma_wait3A_1010] : memref<134217728xf32, #tpu.memory_space<hbm>> -> memref<134217728xf32, #tpu.memory_space<hbm>>
      tpu.wait_indirect_dma semaphore(%arg15 : memref<!tpu.dma_semaphore, #tpu.memory_space<semaphore_mem>>) src(%dma_wait3A_1011 : memref<134217728xf32, #tpu.memory_space<hbm>>) dst(%dma_wait3A_1006 : memref<128xf32, #tpu.memory_space<vmem>>)
      %dma_wait3A_1012 = arith.constant 1 : i32
      %dma_wait3A_1013 = arith.constant 1 : i32
      %dma_wait3A_1014 = arith.constant 0 : i32
      %dma_wait3A_1015 = tpu.memref_slice %arg12[%dma_wait3A_1013, %dma_wait3A_1014] : memref<8x128xf32, #tpu.memory_space<vmem>> -> memref<1x128xf32, #tpu.memory_space<vmem>>
      %dma_wait3A_1016 = tpu.memref_squeeze %dma_wait3A_1015 : memref<1x128xf32, #tpu.memory_space<vmem>> -> memref<128xf32, #tpu.memory_space<vmem>>
      %dma_wait3A_1017 = arith.constant 0 : i32
      %dma_wait3A_1018 = tpu.memref_slice %arg11[%dma_wait3A_1012, %dma_wait3A_1017] : memref<8x128xi32, #tpu.memory_space<vmem>> -> memref<1x128xi32, #tpu.memory_space<vmem>>
      %dma_wait3A_1019 = tpu.memref_squeeze %dma_wait3A_1018 : memref<1x128xi32, #tpu.memory_space<vmem>> -> memref<128xi32, #tpu.memory_space<vmem>>
      %dma_wait3A_1020 = arith.constant 0 : i32
      %dma_wait3A_1021 = tpu.memref_slice %arg3[%dma_wait3A_1020] : memref<134217728xf32, #tpu.memory_space<hbm>> -> memref<134217728xf32, #tpu.memory_space<hbm>>
      tpu.wait_indirect_dma semaphore(%arg15 : memref<!tpu.dma_semaphore, #tpu.memory_space<semaphore_mem>>) src(%dma_wait3A_1021 : memref<134217728xf32, #tpu.memory_space<hbm>>) dst(%dma_wait3A_1016 : memref<128xf32, #tpu.memory_space<vmem>>)
      %dma_wait3A_1022 = arith.constant 2 : i32
      %dma_wait3A_1023 = arith.constant 2 : i32
      %dma_wait3A_1024 = arith.constant 0 : i32
      %dma_wait3A_1025 = tpu.memref_slice %arg12[%dma_wait3A_1023, %dma_wait3A_1024] : memref<8x128xf32, #tpu.memory_space<vmem>> -> memref<1x128xf32, #tpu.memory_space<vmem>>
      %dma_wait3A_1026 = tpu.memref_squeeze %dma_wait3A_1025 : memref<1x128xf32, #tpu.memory_space<vmem>> -> memref<128xf32, #tpu.memory_space<vmem>>
      %dma_wait3A_1027 = arith.constant 0 : i32
      %dma_wait3A_1028 = tpu.memref_slice %arg11[%dma_wait3A_1022, %dma_wait3A_1027] : memref<8x128xi32, #tpu.memory_space<vmem>> -> memref<1x128xi32, #tpu.memory_space<vmem>>
      %dma_wait3A_1029 = tpu.memref_squeeze %dma_wait3A_1028 : memref<1x128xi32, #tpu.memory_space<vmem>> -> memref<128xi32, #tpu.memory_space<vmem>>
      %dma_wait3A_1030 = arith.constant 0 : i32
      %dma_wait3A_1031 = tpu.memref_slice %arg3[%dma_wait3A_1030] : memref<134217728xf32, #tpu.memory_space<hbm>> -> memref<134217728xf32, #tpu.memory_space<hbm>>
      tpu.wait_indirect_dma semaphore(%arg15 : memref<!tpu.dma_semaphore, #tpu.memory_space<semaphore_mem>>) src(%dma_wait3A_1031 : memref<134217728xf32, #tpu.memory_space<hbm>>) dst(%dma_wait3A_1026 : memref<128xf32, #tpu.memory_space<vmem>>)
      %dma_wait3A_1032 = arith.constant 3 : i32
      %dma_wait3A_1033 = arith.constant 3 : i32
      %dma_wait3A_1034 = arith.constant 0 : i32
      %dma_wait3A_1035 = tpu.memref_slice %arg12[%dma_wait3A_1033, %dma_wait3A_1034] : memref<8x128xf32, #tpu.memory_space<vmem>> -> memref<1x128xf32, #tpu.memory_space<vmem>>
      %dma_wait3A_1036 = tpu.memref_squeeze %dma_wait3A_1035 : memref<1x128xf32, #tpu.memory_space<vmem>> -> memref<128xf32, #tpu.memory_space<vmem>>
      %dma_wait3A_1037 = arith.constant 0 : i32
      %dma_wait3A_1038 = tpu.memref_slice %arg11[%dma_wait3A_1032, %dma_wait3A_1037] : memref<8x128xi32, #tpu.memory_space<vmem>> -> memref<1x128xi32, #tpu.memory_space<vmem>>
      %dma_wait3A_1039 = tpu.memref_squeeze %dma_wait3A_1038 : memref<1x128xi32, #tpu.memory_space<vmem>> -> memref<128xi32, #tpu.memory_space<vmem>>
      %dma_wait3A_1040 = arith.constant 0 : i32
      %dma_wait3A_1041 = tpu.memref_slice %arg3[%dma_wait3A_1040] : memref<134217728xf32, #tpu.memory_space<hbm>> -> memref<134217728xf32, #tpu.memory_space<hbm>>
      tpu.wait_indirect_dma semaphore(%arg15 : memref<!tpu.dma_semaphore, #tpu.memory_space<semaphore_mem>>) src(%dma_wait3A_1041 : memref<134217728xf32, #tpu.memory_space<hbm>>) dst(%dma_wait3A_1036 : memref<128xf32, #tpu.memory_space<vmem>>)
      %dma_wait3A_1042 = arith.constant 4 : i32
      %dma_wait3A_1043 = arith.constant 4 : i32
      %dma_wait3A_1044 = arith.constant 0 : i32
      %dma_wait3A_1045 = tpu.memref_slice %arg12[%dma_wait3A_1043, %dma_wait3A_1044] : memref<8x128xf32, #tpu.memory_space<vmem>> -> memref<1x128xf32, #tpu.memory_space<vmem>>
      %dma_wait3A_1046 = tpu.memref_squeeze %dma_wait3A_1045 : memref<1x128xf32, #tpu.memory_space<vmem>> -> memref<128xf32, #tpu.memory_space<vmem>>
      %dma_wait3A_1047 = arith.constant 0 : i32
      %dma_wait3A_1048 = tpu.memref_slice %arg11[%dma_wait3A_1042, %dma_wait3A_1047] : memref<8x128xi32, #tpu.memory_space<vmem>> -> memref<1x128xi32, #tpu.memory_space<vmem>>
      %dma_wait3A_1049 = tpu.memref_squeeze %dma_wait3A_1048 : memref<1x128xi32, #tpu.memory_space<vmem>> -> memref<128xi32, #tpu.memory_space<vmem>>
      %dma_wait3A_1050 = arith.constant 0 : i32
      %dma_wait3A_1051 = tpu.memref_slice %arg3[%dma_wait3A_1050] : memref<134217728xf32, #tpu.memory_space<hbm>> -> memref<134217728xf32, #tpu.memory_space<hbm>>
      tpu.wait_indirect_dma semaphore(%arg15 : memref<!tpu.dma_semaphore, #tpu.memory_space<semaphore_mem>>) src(%dma_wait3A_1051 : memref<134217728xf32, #tpu.memory_space<hbm>>) dst(%dma_wait3A_1046 : memref<128xf32, #tpu.memory_space<vmem>>)
      %dma_wait3A_1052 = arith.constant 5 : i32
      %dma_wait3A_1053 = arith.constant 5 : i32
      %dma_wait3A_1054 = arith.constant 0 : i32
      %dma_wait3A_1055 = tpu.memref_slice %arg12[%dma_wait3A_1053, %dma_wait3A_1054] : memref<8x128xf32, #tpu.memory_space<vmem>> -> memref<1x128xf32, #tpu.memory_space<vmem>>
      %dma_wait3A_1056 = tpu.memref_squeeze %dma_wait3A_1055 : memref<1x128xf32, #tpu.memory_space<vmem>> -> memref<128xf32, #tpu.memory_space<vmem>>
      %dma_wait3A_1057 = arith.constant 0 : i32
      %dma_wait3A_1058 = tpu.memref_slice %arg11[%dma_wait3A_1052, %dma_wait3A_1057] : memref<8x128xi32, #tpu.memory_space<vmem>> -> memref<1x128xi32, #tpu.memory_space<vmem>>
      %dma_wait3A_1059 = tpu.memref_squeeze %dma_wait3A_1058 : memref<1x128xi32, #tpu.memory_space<vmem>> -> memref<128xi32, #tpu.memory_space<vmem>>
      %dma_wait3A_1060 = arith.constant 0 : i32
      %dma_wait3A_1061 = tpu.memref_slice %arg3[%dma_wait3A_1060] : memref<134217728xf32, #tpu.memory_space<hbm>> -> memref<134217728xf32, #tpu.memory_space<hbm>>
      tpu.wait_indirect_dma semaphore(%arg15 : memref<!tpu.dma_semaphore, #tpu.memory_space<semaphore_mem>>) src(%dma_wait3A_1061 : memref<134217728xf32, #tpu.memory_space<hbm>>) dst(%dma_wait3A_1056 : memref<128xf32, #tpu.memory_space<vmem>>)
      %dma_wait3A_1062 = arith.constant 6 : i32
      %dma_wait3A_1063 = arith.constant 6 : i32
      %dma_wait3A_1064 = arith.constant 0 : i32
      %dma_wait3A_1065 = tpu.memref_slice %arg12[%dma_wait3A_1063, %dma_wait3A_1064] : memref<8x128xf32, #tpu.memory_space<vmem>> -> memref<1x128xf32, #tpu.memory_space<vmem>>
      %dma_wait3A_1066 = tpu.memref_squeeze %dma_wait3A_1065 : memref<1x128xf32, #tpu.memory_space<vmem>> -> memref<128xf32, #tpu.memory_space<vmem>>
      %dma_wait3A_1067 = arith.constant 0 : i32
      %dma_wait3A_1068 = tpu.memref_slice %arg11[%dma_wait3A_1062, %dma_wait3A_1067] : memref<8x128xi32, #tpu.memory_space<vmem>> -> memref<1x128xi32, #tpu.memory_space<vmem>>
      %dma_wait3A_1069 = tpu.memref_squeeze %dma_wait3A_1068 : memref<1x128xi32, #tpu.memory_space<vmem>> -> memref<128xi32, #tpu.memory_space<vmem>>
      %dma_wait3A_1070 = arith.constant 0 : i32
      %dma_wait3A_1071 = tpu.memref_slice %arg3[%dma_wait3A_1070] : memref<134217728xf32, #tpu.memory_space<hbm>> -> memref<134217728xf32, #tpu.memory_space<hbm>>
      tpu.wait_indirect_dma semaphore(%arg15 : memref<!tpu.dma_semaphore, #tpu.memory_space<semaphore_mem>>) src(%dma_wait3A_1071 : memref<134217728xf32, #tpu.memory_space<hbm>>) dst(%dma_wait3A_1066 : memref<128xf32, #tpu.memory_space<vmem>>)
      %dma_wait3A_1072 = arith.constant 7 : i32
      %dma_wait3A_1073 = arith.constant 7 : i32
      %dma_wait3A_1074 = arith.constant 0 : i32
      %dma_wait3A_1075 = tpu.memref_slice %arg12[%dma_wait3A_1073, %dma_wait3A_1074] : memref<8x128xf32, #tpu.memory_space<vmem>> -> memref<1x128xf32, #tpu.memory_space<vmem>>
      %dma_wait3A_1076 = tpu.memref_squeeze %dma_wait3A_1075 : memref<1x128xf32, #tpu.memory_space<vmem>> -> memref<128xf32, #tpu.memory_space<vmem>>
      %dma_wait3A_1077 = arith.constant 0 : i32
      %dma_wait3A_1078 = tpu.memref_slice %arg11[%dma_wait3A_1072, %dma_wait3A_1077] : memref<8x128xi32, #tpu.memory_space<vmem>> -> memref<1x128xi32, #tpu.memory_space<vmem>>
      %dma_wait3A_1079 = tpu.memref_squeeze %dma_wait3A_1078 : memref<1x128xi32, #tpu.memory_space<vmem>> -> memref<128xi32, #tpu.memory_space<vmem>>
      %dma_wait3A_1080 = arith.constant 0 : i32
      %dma_wait3A_1081 = tpu.memref_slice %arg3[%dma_wait3A_1080] : memref<134217728xf32, #tpu.memory_space<hbm>> -> memref<134217728xf32, #tpu.memory_space<hbm>>
      tpu.wait_indirect_dma semaphore(%arg15 : memref<!tpu.dma_semaphore, #tpu.memory_space<semaphore_mem>>) src(%dma_wait3A_1081 : memref<134217728xf32, #tpu.memory_space<hbm>>) dst(%dma_wait3A_1076 : memref<128xf32, #tpu.memory_space<vmem>>)
      %scan3A_1082 = arith.constant 0 : i32
      %scan3A_1083 = arith.constant 0 : i32
      %scan3A_1084 = arith.constant 32 : i32
      %scan3A_1085 = arith.addi %scan3A_1083, %scan3A_1084 : i32
      %scan3A_1086 = arith.constant 1 : i32
      scf.for %scan3A_1088 = %scan3A_1083 to %scan3A_1085 step %scan3A_1086  : i32 {
        %broadcast_in_dim3A_1089 = arith.constant 0.000000e+00 : f32
        %broadcast_in_dim3A_1090 = vector.broadcast %broadcast_in_dim3A_1089 : f32 to vector<16xf32>
        %broadcast_in_dim3A_1091 = arith.constant 0.000000e+00 : f32
        %broadcast_in_dim3A_1092 = vector.broadcast %broadcast_in_dim3A_1091 : f32 to vector<16xf32>
        %mul3A_1093 = arith.constant 32 : i32
        %mul3A_1094 = arith.muli %scan3A_1088, %mul3A_1093 : i32
        %add3A_1095 = arith.constant 0 : i32
        %add3A_1096 = arith.addi %mul3A_1094, %add3A_1095 : i32
        %get3A_1097 = arith.index_cast %add3A_1096 : i32 to index
        %get3A_1098 = tpu.vector_load %arg13[%get3A_1097] {strides = array<i32>} : memref<1024xf32, #tpu.memory_space<vmem>>, vector<16xf32>,
        %broadcast_in_dim3A_1099 = arith.constant 0 : i32
        %broadcast_in_dim3A_1100 = vector.broadcast %broadcast_in_dim3A_1099 : i32 to vector<16x1xi32>
        %gather3A = vector.shape_cast %broadcast_in_dim3A_1100 : vector<16x1xi32> to vector<16xi32>
        %gather3A_1101 = tpu.dynamic_gather %get3A_1098[%gather3A] in [0] : vector<16xf32>, vector<16xi32> -> vector<16xf32>
        %get3A_1102 = arith.constant 0 : i32
        %get3A_1103 = arith.index_cast %get3A_1102 : i32 to index
        %get3A_1104 = arith.constant 0 : index
        %get3A_1105 = tpu.vector_load %arg12[%get3A_1103, %get3A_1104] {strides = array<i32>} : memref<8x128xf32, #tpu.memory_space<vmem>>, vector<16xf32>,
        %get3A_1106 = arith.constant 0 : i32
        %get3A_1107 = arith.index_cast %get3A_1106 : i32 to index
        %get3A_1108 = arith.constant 16 : index
        %get3A_1109 = tpu.vector_load %arg12[%get3A_1107, %get3A_1108] {strides = array<i32>} : memref<8x128xf32, #tpu.memory_space<vmem>>, vector<16xf32>,
        %mul3A_1110 = arith.mulf %gather3A_1101, %get3A_1105 : vector<16xf32>
        %add3A_1111 = arith.addf %broadcast_in_dim3A_1090, %mul3A_1110 : vector<16xf32>
        %mul3A_1112 = arith.mulf %gather3A_1101, %get3A_1109 : vector<16xf32>
        %add3A_1113 = arith.addf %broadcast_in_dim3A_1092, %mul3A_1112 : vector<16xf32>
        %broadcast_in_dim3A_1114 = arith.constant 1 : i32
        %broadcast_in_dim3A_1115 = vector.broadcast %broadcast_in_dim3A_1114 : i32 to vector<16x1xi32>
        %gather3A_1116 = vector.shape_cast %broadcast_in_dim3A_1115 : vector<16x1xi32> to vector<16xi32>
        %gather3A_1117 = tpu.dynamic_gather %get3A_1098[%gather3A_1116] in [0] : vector<16xf32>, vector<16xi32> -> vector<16xf32>
        %get3A_1118 = arith.constant 0 : i32
        %get3A_1119 = arith.index_cast %get3A_1118 : i32 to index
        %get3A_1120 = arith.constant 32 : index
        %get3A_1121 = tpu.vector_load %arg12[%get3A_1119, %get3A_1120] {strides = array<i32>} : memref<8x128xf32, #tpu.memory_space<vmem>>, vector<16xf32>,
        %get3A_1122 = arith.constant 0 : i32
        %get3A_1123 = arith.index_cast %get3A_1122 : i32 to index
        %get3A_1124 = arith.constant 48 : index
        %get3A_1125 = tpu.vector_load %arg12[%get3A_1123, %get3A_1124] {strides = array<i32>} : memref<8x128xf32, #tpu.memory_space<vmem>>, vector<16xf32>,
        %mul3A_1126 = arith.mulf %gather3A_1117, %get3A_1121 : vector<16xf32>
        %add3A_1127 = arith.addf %add3A_1111, %mul3A_1126 : vector<16xf32>
        %mul3A_1128 = arith.mulf %gather3A_1117, %get3A_1125 : vector<16xf32>
        %add3A_1129 = arith.addf %add3A_1113, %mul3A_1128 : vector<16xf32>
        %broadcast_in_dim3A_1130 = arith.constant 2 : i32
        %broadcast_in_dim3A_1131 = vector.broadcast %broadcast_in_dim3A_1130 : i32 to vector<16x1xi32>
        %gather3A_1132 = vector.shape_cast %broadcast_in_dim3A_1131 : vector<16x1xi32> to vector<16xi32>
        %gather3A_1133 = tpu.dynamic_gather %get3A_1098[%gather3A_1132] in [0] : vector<16xf32>, vector<16xi32> -> vector<16xf32>
        %get3A_1134 = arith.constant 0 : i32
        %get3A_1135 = arith.index_cast %get3A_1134 : i32 to index
        %get3A_1136 = arith.constant 64 : index
        %get3A_1137 = tpu.vector_load %arg12[%get3A_1135, %get3A_1136] {strides = array<i32>} : memref<8x128xf32, #tpu.memory_space<vmem>>, vector<16xf32>,
        %get3A_1138 = arith.constant 0 : i32
        %get3A_1139 = arith.index_cast %get3A_1138 : i32 to index
        %get3A_1140 = arith.constant 80 : index
        %get3A_1141 = tpu.vector_load %arg12[%get3A_1139, %get3A_1140] {strides = array<i32>} : memref<8x128xf32, #tpu.memory_space<vmem>>, vector<16xf32>,
        %mul3A_1142 = arith.mulf %gather3A_1133, %get3A_1137 : vector<16xf32>
        %add3A_1143 = arith.addf %add3A_1127, %mul3A_1142 : vector<16xf32>
        %mul3A_1144 = arith.mulf %gather3A_1133, %get3A_1141 : vector<16xf32>
        %add3A_1145 = arith.addf %add3A_1129, %mul3A_1144 : vector<16xf32>
        %broadcast_in_dim3A_1146 = arith.constant 3 : i32
        %broadcast_in_dim3A_1147 = vector.broadcast %broadcast_in_dim3A_1146 : i32 to vector<16x1xi32>
        %gather3A_1148 = vector.shape_cast %broadcast_in_dim3A_1147 : vector<16x1xi32> to vector<16xi32>
        %gather3A_1149 = tpu.dynamic_gather %get3A_1098[%gather3A_1148] in [0] : vector<16xf32>, vector<16xi32> -> vector<16xf32>
        %get3A_1150 = arith.constant 0 : i32
        %get3A_1151 = arith.index_cast %get3A_1150 : i32 to index
        %get3A_1152 = arith.constant 96 : index
        %get3A_1153 = tpu.vector_load %arg12[%get3A_1151, %get3A_1152] {strides = array<i32>} : memref<8x128xf32, #tpu.memory_space<vmem>>, vector<16xf32>,
        %get3A_1154 = arith.constant 0 : i32
        %get3A_1155 = arith.index_cast %get3A_1154 : i32 to index
        %get3A_1156 = arith.constant 112 : index
        %get3A_1157 = tpu.vector_load %arg12[%get3A_1155, %get3A_1156] {strides = array<i32>} : memref<8x128xf32, #tpu.memory_space<vmem>>, vector<16xf32>,
        %mul3A_1158 = arith.mulf %gather3A_1149, %get3A_1153 : vector<16xf32>
        %add3A_1159 = arith.addf %add3A_1143, %mul3A_1158 : vector<16xf32>
        %mul3A_1160 = arith.mulf %gather3A_1149, %get3A_1157 : vector<16xf32>
        %add3A_1161 = arith.addf %add3A_1145, %mul3A_1160 : vector<16xf32>
        %broadcast_in_dim3A_1162 = arith.constant 4 : i32
        %broadcast_in_dim3A_1163 = vector.broadcast %broadcast_in_dim3A_1162 : i32 to vector<16x1xi32>
        %gather3A_1164 = vector.shape_cast %broadcast_in_dim3A_1163 : vector<16x1xi32> to vector<16xi32>
        %gather3A_1165 = tpu.dynamic_gather %get3A_1098[%gather3A_1164] in [0] : vector<16xf32>, vector<16xi32> -> vector<16xf32>
        %get3A_1166 = arith.constant 1 : i32
        %get3A_1167 = arith.index_cast %get3A_1166 : i32 to index
        %get3A_1168 = arith.constant 0 : index
        %get3A_1169 = tpu.vector_load %arg12[%get3A_1167, %get3A_1168] {strides = array<i32>} : memref<8x128xf32, #tpu.memory_space<vmem>>, vector<16xf32>,
        %get3A_1170 = arith.constant 1 : i32
        %get3A_1171 = arith.index_cast %get3A_1170 : i32 to index
        %get3A_1172 = arith.constant 16 : index
        %get3A_1173 = tpu.vector_load %arg12[%get3A_1171, %get3A_1172] {strides = array<i32>} : memref<8x128xf32, #tpu.memory_space<vmem>>, vector<16xf32>,
        %mul3A_1174 = arith.mulf %gather3A_1165, %get3A_1169 : vector<16xf32>
        %add3A_1175 = arith.addf %add3A_1159, %mul3A_1174 : vector<16xf32>
        %mul3A_1176 = arith.mulf %gather3A_1165, %get3A_1173 : vector<16xf32>
        %add3A_1177 = arith.addf %add3A_1161, %mul3A_1176 : vector<16xf32>
        %broadcast_in_dim3A_1178 = arith.constant 5 : i32
        %broadcast_in_dim3A_1179 = vector.broadcast %broadcast_in_dim3A_1178 : i32 to vector<16x1xi32>
        %gather3A_1180 = vector.shape_cast %broadcast_in_dim3A_1179 : vector<16x1xi32> to vector<16xi32>
        %gather3A_1181 = tpu.dynamic_gather %get3A_1098[%gather3A_1180] in [0] : vector<16xf32>, vector<16xi32> -> vector<16xf32>
        %get3A_1182 = arith.constant 1 : i32
        %get3A_1183 = arith.index_cast %get3A_1182 : i32 to index
        %get3A_1184 = arith.constant 32 : index
        %get3A_1185 = tpu.vector_load %arg12[%get3A_1183, %get3A_1184] {strides = array<i32>} : memref<8x128xf32, #tpu.memory_space<vmem>>, vector<16xf32>,
        %get3A_1186 = arith.constant 1 : i32
        %get3A_1187 = arith.index_cast %get3A_1186 : i32 to index
        %get3A_1188 = arith.constant 48 : index
        %get3A_1189 = tpu.vector_load %arg12[%get3A_1187, %get3A_1188] {strides = array<i32>} : memref<8x128xf32, #tpu.memory_space<vmem>>, vector<16xf32>,
        %mul3A_1190 = arith.mulf %gather3A_1181, %get3A_1185 : vector<16xf32>
        %add3A_1191 = arith.addf %add3A_1175, %mul3A_1190 : vector<16xf32>
        %mul3A_1192 = arith.mulf %gather3A_1181, %get3A_1189 : vector<16xf32>
        %add3A_1193 = arith.addf %add3A_1177, %mul3A_1192 : vector<16xf32>
        %broadcast_in_dim3A_1194 = arith.constant 6 : i32
        %broadcast_in_dim3A_1195 = vector.broadcast %broadcast_in_dim3A_1194 : i32 to vector<16x1xi32>
        %gather3A_1196 = vector.shape_cast %broadcast_in_dim3A_1195 : vector<16x1xi32> to vector<16xi32>
        %gather3A_1197 = tpu.dynamic_gather %get3A_1098[%gather3A_1196] in [0] : vector<16xf32>, vector<16xi32> -> vector<16xf32>
        %get3A_1198 = arith.constant 1 : i32
        %get3A_1199 = arith.index_cast %get3A_1198 : i32 to index
        %get3A_1200 = arith.constant 64 : index
        %get3A_1201 = tpu.vector_load %arg12[%get3A_1199, %get3A_1200] {strides = array<i32>} : memref<8x128xf32, #tpu.memory_space<vmem>>, vector<16xf32>,
        %get3A_1202 = arith.constant 1 : i32
        %get3A_1203 = arith.index_cast %get3A_1202 : i32 to index
        %get3A_1204 = arith.constant 80 : index
        %get3A_1205 = tpu.vector_load %arg12[%get3A_1203, %get3A_1204] {strides = array<i32>} : memref<8x128xf32, #tpu.memory_space<vmem>>, vector<16xf32>,
        %mul3A_1206 = arith.mulf %gather3A_1197, %get3A_1201 : vector<16xf32>
        %add3A_1207 = arith.addf %add3A_1191, %mul3A_1206 : vector<16xf32>
        %mul3A_1208 = arith.mulf %gather3A_1197, %get3A_1205 : vector<16xf32>
        %add3A_1209 = arith.addf %add3A_1193, %mul3A_1208 : vector<16xf32>
        %broadcast_in_dim3A_1210 = arith.constant 7 : i32
        %broadcast_in_dim3A_1211 = vector.broadcast %broadcast_in_dim3A_1210 : i32 to vector<16x1xi32>
        %gather3A_1212 = vector.shape_cast %broadcast_in_dim3A_1211 : vector<16x1xi32> to vector<16xi32>
        %gather3A_1213 = tpu.dynamic_gather %get3A_1098[%gather3A_1212] in [0] : vector<16xf32>, vector<16xi32> -> vector<16xf32>
        %get3A_1214 = arith.constant 1 : i32
        %get3A_1215 = arith.index_cast %get3A_1214 : i32 to index
        %get3A_1216 = arith.constant 96 : index
        %get3A_1217 = tpu.vector_load %arg12[%get3A_1215, %get3A_1216] {strides = array<i32>} : memref<8x128xf32, #tpu.memory_space<vmem>>, vector<16xf32>,
        %get3A_1218 = arith.constant 1 : i32
        %get3A_1219 = arith.index_cast %get3A_1218 : i32 to index
        %get3A_1220 = arith.constant 112 : index
        %get3A_1221 = tpu.vector_load %arg12[%get3A_1219, %get3A_1220] {strides = array<i32>} : memref<8x128xf32, #tpu.memory_space<vmem>>, vector<16xf32>,
        %mul3A_1222 = arith.mulf %gather3A_1213, %get3A_1217 : vector<16xf32>
        %add3A_1223 = arith.addf %add3A_1207, %mul3A_1222 : vector<16xf32>
        %mul3A_1224 = arith.mulf %gather3A_1213, %get3A_1221 : vector<16xf32>
        %add3A_1225 = arith.addf %add3A_1209, %mul3A_1224 : vector<16xf32>
        %broadcast_in_dim3A_1226 = arith.constant 8 : i32
        %broadcast_in_dim3A_1227 = vector.broadcast %broadcast_in_dim3A_1226 : i32 to vector<16x1xi32>
        %gather3A_1228 = vector.shape_cast %broadcast_in_dim3A_1227 : vector<16x1xi32> to vector<16xi32>
        %gather3A_1229 = tpu.dynamic_gather %get3A_1098[%gather3A_1228] in [0] : vector<16xf32>, vector<16xi32> -> vector<16xf32>
        %get3A_1230 = arith.constant 2 : i32
        %get3A_1231 = arith.index_cast %get3A_1230 : i32 to index
        %get3A_1232 = arith.constant 0 : index
        %get3A_1233 = tpu.vector_load %arg12[%get3A_1231, %get3A_1232] {strides = array<i32>} : memref<8x128xf32, #tpu.memory_space<vmem>>, vector<16xf32>,
        %get3A_1234 = arith.constant 2 : i32
        %get3A_1235 = arith.index_cast %get3A_1234 : i32 to index
        %get3A_1236 = arith.constant 16 : index
        %get3A_1237 = tpu.vector_load %arg12[%get3A_1235, %get3A_1236] {strides = array<i32>} : memref<8x128xf32, #tpu.memory_space<vmem>>, vector<16xf32>,
        %mul3A_1238 = arith.mulf %gather3A_1229, %get3A_1233 : vector<16xf32>
        %add3A_1239 = arith.addf %add3A_1223, %mul3A_1238 : vector<16xf32>
        %mul3A_1240 = arith.mulf %gather3A_1229, %get3A_1237 : vector<16xf32>
        %add3A_1241 = arith.addf %add3A_1225, %mul3A_1240 : vector<16xf32>
        %broadcast_in_dim3A_1242 = arith.constant 9 : i32
        %broadcast_in_dim3A_1243 = vector.broadcast %broadcast_in_dim3A_1242 : i32 to vector<16x1xi32>
        %gather3A_1244 = vector.shape_cast %broadcast_in_dim3A_1243 : vector<16x1xi32> to vector<16xi32>
        %gather3A_1245 = tpu.dynamic_gather %get3A_1098[%gather3A_1244] in [0] : vector<16xf32>, vector<16xi32> -> vector<16xf32>
        %get3A_1246 = arith.constant 2 : i32
        %get3A_1247 = arith.index_cast %get3A_1246 : i32 to index
        %get3A_1248 = arith.constant 32 : index
        %get3A_1249 = tpu.vector_load %arg12[%get3A_1247, %get3A_1248] {strides = array<i32>} : memref<8x128xf32, #tpu.memory_space<vmem>>, vector<16xf32>,
        %get3A_1250 = arith.constant 2 : i32
        %get3A_1251 = arith.index_cast %get3A_1250 : i32 to index
        %get3A_1252 = arith.constant 48 : index
        %get3A_1253 = tpu.vector_load %arg12[%get3A_1251, %get3A_1252] {strides = array<i32>} : memref<8x128xf32, #tpu.memory_space<vmem>>, vector<16xf32>,
        %mul3A_1254 = arith.mulf %gather3A_1245, %get3A_1249 : vector<16xf32>
        %add3A_1255 = arith.addf %add3A_1239, %mul3A_1254 : vector<16xf32>
        %mul3A_1256 = arith.mulf %gather3A_1245, %get3A_1253 : vector<16xf32>
        %add3A_1257 = arith.addf %add3A_1241, %mul3A_1256 : vector<16xf32>
        %broadcast_in_dim3A_1258 = arith.constant 10 : i32
        %broadcast_in_dim3A_1259 = vector.broadcast %broadcast_in_dim3A_1258 : i32 to vector<16x1xi32>
        %gather3A_1260 = vector.shape_cast %broadcast_in_dim3A_1259 : vector<16x1xi32> to vector<16xi32>
        %gather3A_1261 = tpu.dynamic_gather %get3A_1098[%gather3A_1260] in [0] : vector<16xf32>, vector<16xi32> -> vector<16xf32>
        %get3A_1262 = arith.constant 2 : i32
        %get3A_1263 = arith.index_cast %get3A_1262 : i32 to index
        %get3A_1264 = arith.constant 64 : index
        %get3A_1265 = tpu.vector_load %arg12[%get3A_1263, %get3A_1264] {strides = array<i32>} : memref<8x128xf32, #tpu.memory_space<vmem>>, vector<16xf32>,
        %get3A_1266 = arith.constant 2 : i32
        %get3A_1267 = arith.index_cast %get3A_1266 : i32 to index
        %get3A_1268 = arith.constant 80 : index
        %get3A_1269 = tpu.vector_load %arg12[%get3A_1267, %get3A_1268] {strides = array<i32>} : memref<8x128xf32, #tpu.memory_space<vmem>>, vector<16xf32>,
        %mul3A_1270 = arith.mulf %gather3A_1261, %get3A_1265 : vector<16xf32>
        %add3A_1271 = arith.addf %add3A_1255, %mul3A_1270 : vector<16xf32>
        %mul3A_1272 = arith.mulf %gather3A_1261, %get3A_1269 : vector<16xf32>
        %add3A_1273 = arith.addf %add3A_1257, %mul3A_1272 : vector<16xf32>
        %broadcast_in_dim3A_1274 = arith.constant 11 : i32
        %broadcast_in_dim3A_1275 = vector.broadcast %broadcast_in_dim3A_1274 : i32 to vector<16x1xi32>
        %gather3A_1276 = vector.shape_cast %broadcast_in_dim3A_1275 : vector<16x1xi32> to vector<16xi32>
        %gather3A_1277 = tpu.dynamic_gather %get3A_1098[%gather3A_1276] in [0] : vector<16xf32>, vector<16xi32> -> vector<16xf32>
        %get3A_1278 = arith.constant 2 : i32
        %get3A_1279 = arith.index_cast %get3A_1278 : i32 to index
        %get3A_1280 = arith.constant 96 : index
        %get3A_1281 = tpu.vector_load %arg12[%get3A_1279, %get3A_1280] {strides = array<i32>} : memref<8x128xf32, #tpu.memory_space<vmem>>, vector<16xf32>,
        %get3A_1282 = arith.constant 2 : i32
        %get3A_1283 = arith.index_cast %get3A_1282 : i32 to index
        %get3A_1284 = arith.constant 112 : index
        %get3A_1285 = tpu.vector_load %arg12[%get3A_1283, %get3A_1284] {strides = array<i32>} : memref<8x128xf32, #tpu.memory_space<vmem>>, vector<16xf32>,
        %mul3A_1286 = arith.mulf %gather3A_1277, %get3A_1281 : vector<16xf32>
        %add3A_1287 = arith.addf %add3A_1271, %mul3A_1286 : vector<16xf32>
        %mul3A_1288 = arith.mulf %gather3A_1277, %get3A_1285 : vector<16xf32>
        %add3A_1289 = arith.addf %add3A_1273, %mul3A_1288 : vector<16xf32>
        %broadcast_in_dim3A_1290 = arith.constant 12 : i32
        %broadcast_in_dim3A_1291 = vector.broadcast %broadcast_in_dim3A_1290 : i32 to vector<16x1xi32>
        %gather3A_1292 = vector.shape_cast %broadcast_in_dim3A_1291 : vector<16x1xi32> to vector<16xi32>
        %gather3A_1293 = tpu.dynamic_gather %get3A_1098[%gather3A_1292] in [0] : vector<16xf32>, vector<16xi32> -> vector<16xf32>
        %get3A_1294 = arith.constant 3 : i32
        %get3A_1295 = arith.index_cast %get3A_1294 : i32 to index
        %get3A_1296 = arith.constant 0 : index
        %get3A_1297 = tpu.vector_load %arg12[%get3A_1295, %get3A_1296] {strides = array<i32>} : memref<8x128xf32, #tpu.memory_space<vmem>>, vector<16xf32>,
        %get3A_1298 = arith.constant 3 : i32
        %get3A_1299 = arith.index_cast %get3A_1298 : i32 to index
        %get3A_1300 = arith.constant 16 : index
        %get3A_1301 = tpu.vector_load %arg12[%get3A_1299, %get3A_1300] {strides = array<i32>} : memref<8x128xf32, #tpu.memory_space<vmem>>, vector<16xf32>,
        %mul3A_1302 = arith.mulf %gather3A_1293, %get3A_1297 : vector<16xf32>
        %add3A_1303 = arith.addf %add3A_1287, %mul3A_1302 : vector<16xf32>
        %mul3A_1304 = arith.mulf %gather3A_1293, %get3A_1301 : vector<16xf32>
        %add3A_1305 = arith.addf %add3A_1289, %mul3A_1304 : vector<16xf32>
        %broadcast_in_dim3A_1306 = arith.constant 13 : i32
        %broadcast_in_dim3A_1307 = vector.broadcast %broadcast_in_dim3A_1306 : i32 to vector<16x1xi32>
        %gather3A_1308 = vector.shape_cast %broadcast_in_dim3A_1307 : vector<16x1xi32> to vector<16xi32>
        %gather3A_1309 = tpu.dynamic_gather %get3A_1098[%gather3A_1308] in [0] : vector<16xf32>, vector<16xi32> -> vector<16xf32>
        %get3A_1310 = arith.constant 3 : i32
        %get3A_1311 = arith.index_cast %get3A_1310 : i32 to index
        %get3A_1312 = arith.constant 32 : index
        %get3A_1313 = tpu.vector_load %arg12[%get3A_1311, %get3A_1312] {strides = array<i32>} : memref<8x128xf32, #tpu.memory_space<vmem>>, vector<16xf32>,
        %get3A_1314 = arith.constant 3 : i32
        %get3A_1315 = arith.index_cast %get3A_1314 : i32 to index
        %get3A_1316 = arith.constant 48 : index
        %get3A_1317 = tpu.vector_load %arg12[%get3A_1315, %get3A_1316] {strides = array<i32>} : memref<8x128xf32, #tpu.memory_space<vmem>>, vector<16xf32>,
        %mul3A_1318 = arith.mulf %gather3A_1309, %get3A_1313 : vector<16xf32>
        %add3A_1319 = arith.addf %add3A_1303, %mul3A_1318 : vector<16xf32>
        %mul3A_1320 = arith.mulf %gather3A_1309, %get3A_1317 : vector<16xf32>
        %add3A_1321 = arith.addf %add3A_1305, %mul3A_1320 : vector<16xf32>
        %broadcast_in_dim3A_1322 = arith.constant 14 : i32
        %broadcast_in_dim3A_1323 = vector.broadcast %broadcast_in_dim3A_1322 : i32 to vector<16x1xi32>
        %gather3A_1324 = vector.shape_cast %broadcast_in_dim3A_1323 : vector<16x1xi32> to vector<16xi32>
        %gather3A_1325 = tpu.dynamic_gather %get3A_1098[%gather3A_1324] in [0] : vector<16xf32>, vector<16xi32> -> vector<16xf32>
        %get3A_1326 = arith.constant 3 : i32
        %get3A_1327 = arith.index_cast %get3A_1326 : i32 to index
        %get3A_1328 = arith.constant 64 : index
        %get3A_1329 = tpu.vector_load %arg12[%get3A_1327, %get3A_1328] {strides = array<i32>} : memref<8x128xf32, #tpu.memory_space<vmem>>, vector<16xf32>,
        %get3A_1330 = arith.constant 3 : i32
        %get3A_1331 = arith.index_cast %get3A_1330 : i32 to index
        %get3A_1332 = arith.constant 80 : index
        %get3A_1333 = tpu.vector_load %arg12[%get3A_1331, %get3A_1332] {strides = array<i32>} : memref<8x128xf32, #tpu.memory_space<vmem>>, vector<16xf32>,
        %mul3A_1334 = arith.mulf %gather3A_1325, %get3A_1329 : vector<16xf32>
        %add3A_1335 = arith.addf %add3A_1319, %mul3A_1334 : vector<16xf32>
        %mul3A_1336 = arith.mulf %gather3A_1325, %get3A_1333 : vector<16xf32>
        %add3A_1337 = arith.addf %add3A_1321, %mul3A_1336 : vector<16xf32>
        %broadcast_in_dim3A_1338 = arith.constant 15 : i32
        %broadcast_in_dim3A_1339 = vector.broadcast %broadcast_in_dim3A_1338 : i32 to vector<16x1xi32>
        %gather3A_1340 = vector.shape_cast %broadcast_in_dim3A_1339 : vector<16x1xi32> to vector<16xi32>
        %gather3A_1341 = tpu.dynamic_gather %get3A_1098[%gather3A_1340] in [0] : vector<16xf32>, vector<16xi32> -> vector<16xf32>
        %get3A_1342 = arith.constant 3 : i32
        %get3A_1343 = arith.index_cast %get3A_1342 : i32 to index
        %get3A_1344 = arith.constant 96 : index
        %get3A_1345 = tpu.vector_load %arg12[%get3A_1343, %get3A_1344] {strides = array<i32>} : memref<8x128xf32, #tpu.memory_space<vmem>>, vector<16xf32>,
        %get3A_1346 = arith.constant 3 : i32
        %get3A_1347 = arith.index_cast %get3A_1346 : i32 to index
        %get3A_1348 = arith.constant 112 : index
        %get3A_1349 = tpu.vector_load %arg12[%get3A_1347, %get3A_1348] {strides = array<i32>} : memref<8x128xf32, #tpu.memory_space<vmem>>, vector<16xf32>,
        %mul3A_1350 = arith.mulf %gather3A_1341, %get3A_1345 : vector<16xf32>
        %add3A_1351 = arith.addf %add3A_1335, %mul3A_1350 : vector<16xf32>
        %mul3A_1352 = arith.mulf %gather3A_1341, %get3A_1349 : vector<16xf32>
        %add3A_1353 = arith.addf %add3A_1337, %mul3A_1352 : vector<16xf32>
        %mul3A_1354 = arith.constant 32 : i32
        %mul3A_1355 = arith.muli %scan3A_1088, %mul3A_1354 : i32
        %add3A_1356 = arith.constant 16 : i32
        %add3A_1357 = arith.addi %mul3A_1355, %add3A_1356 : i32
        %get3A_1358 = arith.index_cast %add3A_1357 : i32 to index
        %get3A_1359 = tpu.vector_load %arg13[%get3A_1358] {strides = array<i32>} : memref<1024xf32, #tpu.memory_space<vmem>>, vector<16xf32>,
        %broadcast_in_dim3A_1360 = arith.constant 0 : i32
        %broadcast_in_dim3A_1361 = vector.broadcast %broadcast_in_dim3A_1360 : i32 to vector<16x1xi32>
        %gather3A_1362 = vector.shape_cast %broadcast_in_dim3A_1361 : vector<16x1xi32> to vector<16xi32>
        %gather3A_1363 = tpu.dynamic_gather %get3A_1359[%gather3A_1362] in [0] : vector<16xf32>, vector<16xi32> -> vector<16xf32>
        %get3A_1364 = arith.constant 4 : i32
        %get3A_1365 = arith.index_cast %get3A_1364 : i32 to index
        %get3A_1366 = arith.constant 0 : index
        %get3A_1367 = tpu.vector_load %arg12[%get3A_1365, %get3A_1366] {strides = array<i32>} : memref<8x128xf32, #tpu.memory_space<vmem>>, vector<16xf32>,
        %get3A_1368 = arith.constant 4 : i32
        %get3A_1369 = arith.index_cast %get3A_1368 : i32 to index
        %get3A_1370 = arith.constant 16 : index
        %get3A_1371 = tpu.vector_load %arg12[%get3A_1369, %get3A_1370] {strides = array<i32>} : memref<8x128xf32, #tpu.memory_space<vmem>>, vector<16xf32>,
        %mul3A_1372 = arith.mulf %gather3A_1363, %get3A_1367 : vector<16xf32>
        %add3A_1373 = arith.addf %add3A_1351, %mul3A_1372 : vector<16xf32>
        %mul3A_1374 = arith.mulf %gather3A_1363, %get3A_1371 : vector<16xf32>
        %add3A_1375 = arith.addf %add3A_1353, %mul3A_1374 : vector<16xf32>
        %broadcast_in_dim3A_1376 = arith.constant 1 : i32
        %broadcast_in_dim3A_1377 = vector.broadcast %broadcast_in_dim3A_1376 : i32 to vector<16x1xi32>
        %gather3A_1378 = vector.shape_cast %broadcast_in_dim3A_1377 : vector<16x1xi32> to vector<16xi32>
        %gather3A_1379 = tpu.dynamic_gather %get3A_1359[%gather3A_1378] in [0] : vector<16xf32>, vector<16xi32> -> vector<16xf32>
        %get3A_1380 = arith.constant 4 : i32
        %get3A_1381 = arith.index_cast %get3A_1380 : i32 to index
        %get3A_1382 = arith.constant 32 : index
        %get3A_1383 = tpu.vector_load %arg12[%get3A_1381, %get3A_1382] {strides = array<i32>} : memref<8x128xf32, #tpu.memory_space<vmem>>, vector<16xf32>,
        %get3A_1384 = arith.constant 4 : i32
        %get3A_1385 = arith.index_cast %get3A_1384 : i32 to index
        %get3A_1386 = arith.constant 48 : index
        %get3A_1387 = tpu.vector_load %arg12[%get3A_1385, %get3A_1386] {strides = array<i32>} : memref<8x128xf32, #tpu.memory_space<vmem>>, vector<16xf32>,
        %mul3A_1388 = arith.mulf %gather3A_1379, %get3A_1383 : vector<16xf32>
        %add3A_1389 = arith.addf %add3A_1373, %mul3A_1388 : vector<16xf32>
        %mul3A_1390 = arith.mulf %gather3A_1379, %get3A_1387 : vector<16xf32>
        %add3A_1391 = arith.addf %add3A_1375, %mul3A_1390 : vector<16xf32>
        %broadcast_in_dim3A_1392 = arith.constant 2 : i32
        %broadcast_in_dim3A_1393 = vector.broadcast %broadcast_in_dim3A_1392 : i32 to vector<16x1xi32>
        %gather3A_1394 = vector.shape_cast %broadcast_in_dim3A_1393 : vector<16x1xi32> to vector<16xi32>
        %gather3A_1395 = tpu.dynamic_gather %get3A_1359[%gather3A_1394] in [0] : vector<16xf32>, vector<16xi32> -> vector<16xf32>
        %get3A_1396 = arith.constant 4 : i32
        %get3A_1397 = arith.index_cast %get3A_1396 : i32 to index
        %get3A_1398 = arith.constant 64 : index
        %get3A_1399 = tpu.vector_load %arg12[%get3A_1397, %get3A_1398] {strides = array<i32>} : memref<8x128xf32, #tpu.memory_space<vmem>>, vector<16xf32>,
        %get3A_1400 = arith.constant 4 : i32
        %get3A_1401 = arith.index_cast %get3A_1400 : i32 to index
        %get3A_1402 = arith.constant 80 : index
        %get3A_1403 = tpu.vector_load %arg12[%get3A_1401, %get3A_1402] {strides = array<i32>} : memref<8x128xf32, #tpu.memory_space<vmem>>, vector<16xf32>,
        %mul3A_1404 = arith.mulf %gather3A_1395, %get3A_1399 : vector<16xf32>
        %add3A_1405 = arith.addf %add3A_1389, %mul3A_1404 : vector<16xf32>
        %mul3A_1406 = arith.mulf %gather3A_1395, %get3A_1403 : vector<16xf32>
        %add3A_1407 = arith.addf %add3A_1391, %mul3A_1406 : vector<16xf32>
        %broadcast_in_dim3A_1408 = arith.constant 3 : i32
        %broadcast_in_dim3A_1409 = vector.broadcast %broadcast_in_dim3A_1408 : i32 to vector<16x1xi32>
        %gather3A_1410 = vector.shape_cast %broadcast_in_dim3A_1409 : vector<16x1xi32> to vector<16xi32>
        %gather3A_1411 = tpu.dynamic_gather %get3A_1359[%gather3A_1410] in [0] : vector<16xf32>, vector<16xi32> -> vector<16xf32>
        %get3A_1412 = arith.constant 4 : i32
        %get3A_1413 = arith.index_cast %get3A_1412 : i32 to index
        %get3A_1414 = arith.constant 96 : index
        %get3A_1415 = tpu.vector_load %arg12[%get3A_1413, %get3A_1414] {strides = array<i32>} : memref<8x128xf32, #tpu.memory_space<vmem>>, vector<16xf32>,
        %get3A_1416 = arith.constant 4 : i32
        %get3A_1417 = arith.index_cast %get3A_1416 : i32 to index
        %get3A_1418 = arith.constant 112 : index
        %get3A_1419 = tpu.vector_load %arg12[%get3A_1417, %get3A_1418] {strides = array<i32>} : memref<8x128xf32, #tpu.memory_space<vmem>>, vector<16xf32>,
        %mul3A_1420 = arith.mulf %gather3A_1411, %get3A_1415 : vector<16xf32>
        %add3A_1421 = arith.addf %add3A_1405, %mul3A_1420 : vector<16xf32>
        %mul3A_1422 = arith.mulf %gather3A_1411, %get3A_1419 : vector<16xf32>
        %add3A_1423 = arith.addf %add3A_1407, %mul3A_1422 : vector<16xf32>
        %broadcast_in_dim3A_1424 = arith.constant 4 : i32
        %broadcast_in_dim3A_1425 = vector.broadcast %broadcast_in_dim3A_1424 : i32 to vector<16x1xi32>
        %gather3A_1426 = vector.shape_cast %broadcast_in_dim3A_1425 : vector<16x1xi32> to vector<16xi32>
        %gather3A_1427 = tpu.dynamic_gather %get3A_1359[%gather3A_1426] in [0] : vector<16xf32>, vector<16xi32> -> vector<16xf32>
        %get3A_1428 = arith.constant 5 : i32
        %get3A_1429 = arith.index_cast %get3A_1428 : i32 to index
        %get3A_1430 = arith.constant 0 : index
        %get3A_1431 = tpu.vector_load %arg12[%get3A_1429, %get3A_1430] {strides = array<i32>} : memref<8x128xf32, #tpu.memory_space<vmem>>, vector<16xf32>,
        %get3A_1432 = arith.constant 5 : i32
        %get3A_1433 = arith.index_cast %get3A_1432 : i32 to index
        %get3A_1434 = arith.constant 16 : index
        %get3A_1435 = tpu.vector_load %arg12[%get3A_1433, %get3A_1434] {strides = array<i32>} : memref<8x128xf32, #tpu.memory_space<vmem>>, vector<16xf32>,
        %mul3A_1436 = arith.mulf %gather3A_1427, %get3A_1431 : vector<16xf32>
        %add3A_1437 = arith.addf %add3A_1421, %mul3A_1436 : vector<16xf32>
        %mul3A_1438 = arith.mulf %gather3A_1427, %get3A_1435 : vector<16xf32>
        %add3A_1439 = arith.addf %add3A_1423, %mul3A_1438 : vector<16xf32>
        %broadcast_in_dim3A_1440 = arith.constant 5 : i32
        %broadcast_in_dim3A_1441 = vector.broadcast %broadcast_in_dim3A_1440 : i32 to vector<16x1xi32>
        %gather3A_1442 = vector.shape_cast %broadcast_in_dim3A_1441 : vector<16x1xi32> to vector<16xi32>
        %gather3A_1443 = tpu.dynamic_gather %get3A_1359[%gather3A_1442] in [0] : vector<16xf32>, vector<16xi32> -> vector<16xf32>
        %get3A_1444 = arith.constant 5 : i32
        %get3A_1445 = arith.index_cast %get3A_1444 : i32 to index
        %get3A_1446 = arith.constant 32 : index
        %get3A_1447 = tpu.vector_load %arg12[%get3A_1445, %get3A_1446] {strides = array<i32>} : memref<8x128xf32, #tpu.memory_space<vmem>>, vector<16xf32>,
        %get3A_1448 = arith.constant 5 : i32
        %get3A_1449 = arith.index_cast %get3A_1448 : i32 to index
        %get3A_1450 = arith.constant 48 : index
        %get3A_1451 = tpu.vector_load %arg12[%get3A_1449, %get3A_1450] {strides = array<i32>} : memref<8x128xf32, #tpu.memory_space<vmem>>, vector<16xf32>,
        %mul3A_1452 = arith.mulf %gather3A_1443, %get3A_1447 : vector<16xf32>
        %add3A_1453 = arith.addf %add3A_1437, %mul3A_1452 : vector<16xf32>
        %mul3A_1454 = arith.mulf %gather3A_1443, %get3A_1451 : vector<16xf32>
        %add3A_1455 = arith.addf %add3A_1439, %mul3A_1454 : vector<16xf32>
        %broadcast_in_dim3A_1456 = arith.constant 6 : i32
        %broadcast_in_dim3A_1457 = vector.broadcast %broadcast_in_dim3A_1456 : i32 to vector<16x1xi32>
        %gather3A_1458 = vector.shape_cast %broadcast_in_dim3A_1457 : vector<16x1xi32> to vector<16xi32>
        %gather3A_1459 = tpu.dynamic_gather %get3A_1359[%gather3A_1458] in [0] : vector<16xf32>, vector<16xi32> -> vector<16xf32>
        %get3A_1460 = arith.constant 5 : i32
        %get3A_1461 = arith.index_cast %get3A_1460 : i32 to index
        %get3A_1462 = arith.constant 64 : index
        %get3A_1463 = tpu.vector_load %arg12[%get3A_1461, %get3A_1462] {strides = array<i32>} : memref<8x128xf32, #tpu.memory_space<vmem>>, vector<16xf32>,
        %get3A_1464 = arith.constant 5 : i32
        %get3A_1465 = arith.index_cast %get3A_1464 : i32 to index
        %get3A_1466 = arith.constant 80 : index
        %get3A_1467 = tpu.vector_load %arg12[%get3A_1465, %get3A_1466] {strides = array<i32>} : memref<8x128xf32, #tpu.memory_space<vmem>>, vector<16xf32>,
        %mul3A_1468 = arith.mulf %gather3A_1459, %get3A_1463 : vector<16xf32>
        %add3A_1469 = arith.addf %add3A_1453, %mul3A_1468 : vector<16xf32>
        %mul3A_1470 = arith.mulf %gather3A_1459, %get3A_1467 : vector<16xf32>
        %add3A_1471 = arith.addf %add3A_1455, %mul3A_1470 : vector<16xf32>
        %broadcast_in_dim3A_1472 = arith.constant 7 : i32
        %broadcast_in_dim3A_1473 = vector.broadcast %broadcast_in_dim3A_1472 : i32 to vector<16x1xi32>
        %gather3A_1474 = vector.shape_cast %broadcast_in_dim3A_1473 : vector<16x1xi32> to vector<16xi32>
        %gather3A_1475 = tpu.dynamic_gather %get3A_1359[%gather3A_1474] in [0] : vector<16xf32>, vector<16xi32> -> vector<16xf32>
        %get3A_1476 = arith.constant 5 : i32
        %get3A_1477 = arith.index_cast %get3A_1476 : i32 to index
        %get3A_1478 = arith.constant 96 : index
        %get3A_1479 = tpu.vector_load %arg12[%get3A_1477, %get3A_1478] {strides = array<i32>} : memref<8x128xf32, #tpu.memory_space<vmem>>, vector<16xf32>,
        %get3A_1480 = arith.constant 5 : i32
        %get3A_1481 = arith.index_cast %get3A_1480 : i32 to index
        %get3A_1482 = arith.constant 112 : index
        %get3A_1483 = tpu.vector_load %arg12[%get3A_1481, %get3A_1482] {strides = array<i32>} : memref<8x128xf32, #tpu.memory_space<vmem>>, vector<16xf32>,
        %mul3A_1484 = arith.mulf %gather3A_1475, %get3A_1479 : vector<16xf32>
        %add3A_1485 = arith.addf %add3A_1469, %mul3A_1484 : vector<16xf32>
        %mul3A_1486 = arith.mulf %gather3A_1475, %get3A_1483 : vector<16xf32>
        %add3A_1487 = arith.addf %add3A_1471, %mul3A_1486 : vector<16xf32>
        %broadcast_in_dim3A_1488 = arith.constant 8 : i32
        %broadcast_in_dim3A_1489 = vector.broadcast %broadcast_in_dim3A_1488 : i32 to vector<16x1xi32>
        %gather3A_1490 = vector.shape_cast %broadcast_in_dim3A_1489 : vector<16x1xi32> to vector<16xi32>
        %gather3A_1491 = tpu.dynamic_gather %get3A_1359[%gather3A_1490] in [0] : vector<16xf32>, vector<16xi32> -> vector<16xf32>
        %get3A_1492 = arith.constant 6 : i32
        %get3A_1493 = arith.index_cast %get3A_1492 : i32 to index
        %get3A_1494 = arith.constant 0 : index
        %get3A_1495 = tpu.vector_load %arg12[%get3A_1493, %get3A_1494] {strides = array<i32>} : memref<8x128xf32, #tpu.memory_space<vmem>>, vector<16xf32>,
        %get3A_1496 = arith.constant 6 : i32
        %get3A_1497 = arith.index_cast %get3A_1496 : i32 to index
        %get3A_1498 = arith.constant 16 : index
        %get3A_1499 = tpu.vector_load %arg12[%get3A_1497, %get3A_1498] {strides = array<i32>} : memref<8x128xf32, #tpu.memory_space<vmem>>, vector<16xf32>,
        %mul3A_1500 = arith.mulf %gather3A_1491, %get3A_1495 : vector<16xf32>
        %add3A_1501 = arith.addf %add3A_1485, %mul3A_1500 : vector<16xf32>
        %mul3A_1502 = arith.mulf %gather3A_1491, %get3A_1499 : vector<16xf32>
        %add3A_1503 = arith.addf %add3A_1487, %mul3A_1502 : vector<16xf32>
        %broadcast_in_dim3A_1504 = arith.constant 9 : i32
        %broadcast_in_dim3A_1505 = vector.broadcast %broadcast_in_dim3A_1504 : i32 to vector<16x1xi32>
        %gather3A_1506 = vector.shape_cast %broadcast_in_dim3A_1505 : vector<16x1xi32> to vector<16xi32>
        %gather3A_1507 = tpu.dynamic_gather %get3A_1359[%gather3A_1506] in [0] : vector<16xf32>, vector<16xi32> -> vector<16xf32>
        %get3A_1508 = arith.constant 6 : i32
        %get3A_1509 = arith.index_cast %get3A_1508 : i32 to index
        %get3A_1510 = arith.constant 32 : index
        %get3A_1511 = tpu.vector_load %arg12[%get3A_1509, %get3A_1510] {strides = array<i32>} : memref<8x128xf32, #tpu.memory_space<vmem>>, vector<16xf32>,
        %get3A_1512 = arith.constant 6 : i32
        %get3A_1513 = arith.index_cast %get3A_1512 : i32 to index
        %get3A_1514 = arith.constant 48 : index
        %get3A_1515 = tpu.vector_load %arg12[%get3A_1513, %get3A_1514] {strides = array<i32>} : memref<8x128xf32, #tpu.memory_space<vmem>>, vector<16xf32>,
        %mul3A_1516 = arith.mulf %gather3A_1507, %get3A_1511 : vector<16xf32>
        %add3A_1517 = arith.addf %add3A_1501, %mul3A_1516 : vector<16xf32>
        %mul3A_1518 = arith.mulf %gather3A_1507, %get3A_1515 : vector<16xf32>
        %add3A_1519 = arith.addf %add3A_1503, %mul3A_1518 : vector<16xf32>
        %broadcast_in_dim3A_1520 = arith.constant 10 : i32
        %broadcast_in_dim3A_1521 = vector.broadcast %broadcast_in_dim3A_1520 : i32 to vector<16x1xi32>
        %gather3A_1522 = vector.shape_cast %broadcast_in_dim3A_1521 : vector<16x1xi32> to vector<16xi32>
        %gather3A_1523 = tpu.dynamic_gather %get3A_1359[%gather3A_1522] in [0] : vector<16xf32>, vector<16xi32> -> vector<16xf32>
        %get3A_1524 = arith.constant 6 : i32
        %get3A_1525 = arith.index_cast %get3A_1524 : i32 to index
        %get3A_1526 = arith.constant 64 : index
        %get3A_1527 = tpu.vector_load %arg12[%get3A_1525, %get3A_1526] {strides = array<i32>} : memref<8x128xf32, #tpu.memory_space<vmem>>, vector<16xf32>,
        %get3A_1528 = arith.constant 6 : i32
        %get3A_1529 = arith.index_cast %get3A_1528 : i32 to index
        %get3A_1530 = arith.constant 80 : index
        %get3A_1531 = tpu.vector_load %arg12[%get3A_1529, %get3A_1530] {strides = array<i32>} : memref<8x128xf32, #tpu.memory_space<vmem>>, vector<16xf32>,
        %mul3A_1532 = arith.mulf %gather3A_1523, %get3A_1527 : vector<16xf32>
        %add3A_1533 = arith.addf %add3A_1517, %mul3A_1532 : vector<16xf32>
        %mul3A_1534 = arith.mulf %gather3A_1523, %get3A_1531 : vector<16xf32>
        %add3A_1535 = arith.addf %add3A_1519, %mul3A_1534 : vector<16xf32>
        %broadcast_in_dim3A_1536 = arith.constant 11 : i32
        %broadcast_in_dim3A_1537 = vector.broadcast %broadcast_in_dim3A_1536 : i32 to vector<16x1xi32>
        %gather3A_1538 = vector.shape_cast %broadcast_in_dim3A_1537 : vector<16x1xi32> to vector<16xi32>
        %gather3A_1539 = tpu.dynamic_gather %get3A_1359[%gather3A_1538] in [0] : vector<16xf32>, vector<16xi32> -> vector<16xf32>
        %get3A_1540 = arith.constant 6 : i32
        %get3A_1541 = arith.index_cast %get3A_1540 : i32 to index
        %get3A_1542 = arith.constant 96 : index
        %get3A_1543 = tpu.vector_load %arg12[%get3A_1541, %get3A_1542] {strides = array<i32>} : memref<8x128xf32, #tpu.memory_space<vmem>>, vector<16xf32>,
        %get3A_1544 = arith.constant 6 : i32
        %get3A_1545 = arith.index_cast %get3A_1544 : i32 to index
        %get3A_1546 = arith.constant 112 : index
        %get3A_1547 = tpu.vector_load %arg12[%get3A_1545, %get3A_1546] {strides = array<i32>} : memref<8x128xf32, #tpu.memory_space<vmem>>, vector<16xf32>,
        %mul3A_1548 = arith.mulf %gather3A_1539, %get3A_1543 : vector<16xf32>
        %add3A_1549 = arith.addf %add3A_1533, %mul3A_1548 : vector<16xf32>
        %mul3A_1550 = arith.mulf %gather3A_1539, %get3A_1547 : vector<16xf32>
        %add3A_1551 = arith.addf %add3A_1535, %mul3A_1550 : vector<16xf32>
        %broadcast_in_dim3A_1552 = arith.constant 12 : i32
        %broadcast_in_dim3A_1553 = vector.broadcast %broadcast_in_dim3A_1552 : i32 to vector<16x1xi32>
        %gather3A_1554 = vector.shape_cast %broadcast_in_dim3A_1553 : vector<16x1xi32> to vector<16xi32>
        %gather3A_1555 = tpu.dynamic_gather %get3A_1359[%gather3A_1554] in [0] : vector<16xf32>, vector<16xi32> -> vector<16xf32>
        %get3A_1556 = arith.constant 7 : i32
        %get3A_1557 = arith.index_cast %get3A_1556 : i32 to index
        %get3A_1558 = arith.constant 0 : index
        %get3A_1559 = tpu.vector_load %arg12[%get3A_1557, %get3A_1558] {strides = array<i32>} : memref<8x128xf32, #tpu.memory_space<vmem>>, vector<16xf32>,
        %get3A_1560 = arith.constant 7 : i32
        %get3A_1561 = arith.index_cast %get3A_1560 : i32 to index
        %get3A_1562 = arith.constant 16 : index
        %get3A_1563 = tpu.vector_load %arg12[%get3A_1561, %get3A_1562] {strides = array<i32>} : memref<8x128xf32, #tpu.memory_space<vmem>>, vector<16xf32>,
        %mul3A_1564 = arith.mulf %gather3A_1555, %get3A_1559 : vector<16xf32>
        %add3A_1565 = arith.addf %add3A_1549, %mul3A_1564 : vector<16xf32>
        %mul3A_1566 = arith.mulf %gather3A_1555, %get3A_1563 : vector<16xf32>
        %add3A_1567 = arith.addf %add3A_1551, %mul3A_1566 : vector<16xf32>
        %broadcast_in_dim3A_1568 = arith.constant 13 : i32
        %broadcast_in_dim3A_1569 = vector.broadcast %broadcast_in_dim3A_1568 : i32 to vector<16x1xi32>
        %gather3A_1570 = vector.shape_cast %broadcast_in_dim3A_1569 : vector<16x1xi32> to vector<16xi32>
        %gather3A_1571 = tpu.dynamic_gather %get3A_1359[%gather3A_1570] in [0] : vector<16xf32>, vector<16xi32> -> vector<16xf32>
        %get3A_1572 = arith.constant 7 : i32
        %get3A_1573 = arith.index_cast %get3A_1572 : i32 to index
        %get3A_1574 = arith.constant 32 : index
        %get3A_1575 = tpu.vector_load %arg12[%get3A_1573, %get3A_1574] {strides = array<i32>} : memref<8x128xf32, #tpu.memory_space<vmem>>, vector<16xf32>,
        %get3A_1576 = arith.constant 7 : i32
        %get3A_1577 = arith.index_cast %get3A_1576 : i32 to index
        %get3A_1578 = arith.constant 48 : index
        %get3A_1579 = tpu.vector_load %arg12[%get3A_1577, %get3A_1578] {strides = array<i32>} : memref<8x128xf32, #tpu.memory_space<vmem>>, vector<16xf32>,
        %mul3A_1580 = arith.mulf %gather3A_1571, %get3A_1575 : vector<16xf32>
        %add3A_1581 = arith.addf %add3A_1565, %mul3A_1580 : vector<16xf32>
        %mul3A_1582 = arith.mulf %gather3A_1571, %get3A_1579 : vector<16xf32>
        %add3A_1583 = arith.addf %add3A_1567, %mul3A_1582 : vector<16xf32>
        %broadcast_in_dim3A_1584 = arith.constant 14 : i32
        %broadcast_in_dim3A_1585 = vector.broadcast %broadcast_in_dim3A_1584 : i32 to vector<16x1xi32>
        %gather3A_1586 = vector.shape_cast %broadcast_in_dim3A_1585 : vector<16x1xi32> to vector<16xi32>
        %gather3A_1587 = tpu.dynamic_gather %get3A_1359[%gather3A_1586] in [0] : vector<16xf32>, vector<16xi32> -> vector<16xf32>
        %get3A_1588 = arith.constant 7 : i32
        %get3A_1589 = arith.index_cast %get3A_1588 : i32 to index
        %get3A_1590 = arith.constant 64 : index
        %get3A_1591 = tpu.vector_load %arg12[%get3A_1589, %get3A_1590] {strides = array<i32>} : memref<8x128xf32, #tpu.memory_space<vmem>>, vector<16xf32>,
        %get3A_1592 = arith.constant 7 : i32
        %get3A_1593 = arith.index_cast %get3A_1592 : i32 to index
        %get3A_1594 = arith.constant 80 : index
        %get3A_1595 = tpu.vector_load %arg12[%get3A_1593, %get3A_1594] {strides = array<i32>} : memref<8x128xf32, #tpu.memory_space<vmem>>, vector<16xf32>,
        %mul3A_1596 = arith.mulf %gather3A_1587, %get3A_1591 : vector<16xf32>
        %add3A_1597 = arith.addf %add3A_1581, %mul3A_1596 : vector<16xf32>
        %mul3A_1598 = arith.mulf %gather3A_1587, %get3A_1595 : vector<16xf32>
        %add3A_1599 = arith.addf %add3A_1583, %mul3A_1598 : vector<16xf32>
        %broadcast_in_dim3A_1600 = arith.constant 15 : i32
        %broadcast_in_dim3A_1601 = vector.broadcast %broadcast_in_dim3A_1600 : i32 to vector<16x1xi32>
        %gather3A_1602 = vector.shape_cast %broadcast_in_dim3A_1601 : vector<16x1xi32> to vector<16xi32>
        %gather3A_1603 = tpu.dynamic_gather %get3A_1359[%gather3A_1602] in [0] : vector<16xf32>, vector<16xi32> -> vector<16xf32>
        %get3A_1604 = arith.constant 7 : i32
        %get3A_1605 = arith.index_cast %get3A_1604 : i32 to index
        %get3A_1606 = arith.constant 96 : index
        %get3A_1607 = tpu.vector_load %arg12[%get3A_1605, %get3A_1606] {strides = array<i32>} : memref<8x128xf32, #tpu.memory_space<vmem>>, vector<16xf32>,
        %get3A_1608 = arith.constant 7 : i32
        %get3A_1609 = arith.index_cast %get3A_1608 : i32 to index
        %get3A_1610 = arith.constant 112 : index
        %get3A_1611 = tpu.vector_load %arg12[%get3A_1609, %get3A_1610] {strides = array<i32>} : memref<8x128xf32, #tpu.memory_space<vmem>>, vector<16xf32>,
        %mul3A_1612 = arith.mulf %gather3A_1603, %get3A_1607 : vector<16xf32>
        %add3A_1613 = arith.addf %add3A_1597, %mul3A_1612 : vector<16xf32>
        %mul3A_1614 = arith.mulf %gather3A_1603, %get3A_1611 : vector<16xf32>
        %add3A_1615 = arith.addf %add3A_1599, %mul3A_1614 : vector<16xf32>
        %mul3A_1616 = arith.constant 32 : i32
        %mul3A_1617 = arith.muli %scan3A_1088, %mul3A_1616 : i32
        %swap3A_1618 = arith.index_cast %mul3A_1617 : i32 to index
        %swap3A_1619 = tpu.vector_load %arg14[%swap3A_1618] {strides = array<i32>} : memref<1024xf32, #tpu.memory_space<vmem>>, vector<16xf32>,
        tpu.vector_store %arg14[%swap3A_1618], %add3A_1613 {strides = array<i32>} : memref<1024xf32, #tpu.memory_space<vmem>>, vector<16xf32>,
        %mul3A_1620 = arith.constant 32 : i32
        %mul3A_1621 = arith.muli %scan3A_1088, %mul3A_1620 : i32
        %add3A_1622 = arith.constant 16 : i32
        %add3A_1623 = arith.addi %mul3A_1621, %add3A_1622 : i32
        %swap3A_1624 = arith.index_cast %add3A_1623 : i32 to index
        %swap3A_1625 = tpu.vector_load %arg14[%swap3A_1624] {strides = array<i32>} : memref<1024xf32, #tpu.memory_space<vmem>>, vector<16xf32>,
        tpu.vector_store %arg14[%swap3A_1624], %add3A_1615 {strides = array<i32>} : memref<1024xf32, #tpu.memory_space<vmem>>, vector<16xf32>,
      }
      %scan3A_1087 = arith.constant 32 : i32
      "tpu.region"() ({
        %run_scoped3A = tpu.sem_alloc : memref<!tpu.dma_semaphore, #tpu.memory_space<semaphore_mem>>
        %dma_start3A_1088 = tpu.memref_slice %arg6[%mul3A_20] : memref<524288xf32, #tpu.memory_space<hbm>> -> memref<1024xf32, #tpu.memory_space<hbm>>
        %dma_start3A_1089 = tpu.memref_slice %arg6[%mul3A_20] : memref<524288xf32, #tpu.memory_space<hbm>> -> memref<1024xf32, #tpu.memory_space<hbm>>
        tpu.enqueue_dma source(%arg14 : memref<1024xf32, #tpu.memory_space<vmem>>) target(%dma_start3A_1089 : memref<1024xf32, #tpu.memory_space<hbm>>) target_semaphore(%run_scoped3A : memref<!tpu.dma_semaphore, #tpu.memory_space<semaphore_mem>>)
        %dma_wait3A_1090 = tpu.memref_slice %arg6[%mul3A_20] : memref<524288xf32, #tpu.memory_space<hbm>> -> memref<1024xf32, #tpu.memory_space<hbm>>
        %dma_wait3A_1091 = tpu.memref_slice %arg6[%mul3A_20] : memref<524288xf32, #tpu.memory_space<hbm>> -> memref<1024xf32, #tpu.memory_space<hbm>>
        tpu.wait_dma2 semaphore(%run_scoped3A : memref<!tpu.dma_semaphore, #tpu.memory_space<semaphore_mem>>) src(%arg14 : memref<1024xf32, #tpu.memory_space<vmem>>) dst(%dma_wait3A_1091 : memref<1024xf32, #tpu.memory_space<hbm>>)
        tpu.yield
      }) : () -> ()
    }
    %scan3A_14 = arith.constant 16 : i32
    return
  }
}

module attributes {stable_mosaic.version = 14 : i64} {
  func.func @_score_kernel(%arg0: i32, %arg1: memref<1x32x64xf32, #tpu.memory_space<vmem>>, %arg2: memref<1x8192x64xf32, #tpu.memory_space<vmem>>, %arg3: memref<1x32x8320xf32, #tpu.memory_space<vmem>>) attributes {dimension_semantics = [#tpu.dimension_semantics<arbitrary>], iteration_bounds = array<i64: 512>, scalar_prefetch = 0 : i64, scratch_operands = 0 : i64, tpu.core_type = #tpu.core_type<tc>, window_params = [{transform_indices = @transform_0, window_bounds = array<i64: 1, 32, 64>}, {transform_indices = @transform_1, window_bounds = array<i64: 1, 8192, 64>}, {transform_indices = @transform_2, window_bounds = array<i64: 1, 32, 8320>}]} {
    %get3A = arith.constant 0 : index
    %get3A_0 = arith.constant 0 : index
    %get3A_1 = arith.constant 0 : index
    %get3A_2 = vector.load %arg1[%get3A, %get3A_0, %get3A_1] : memref<1x32x64xf32, #tpu.memory_space<vmem>>, vector<1x32x64xf32>
    %get3A_3 = vector.shape_cast %get3A_2 : vector<1x32x64xf32> to vector<32x64xf32>
    %get3A_4 = arith.constant 0 : index
    %get3A_5 = arith.constant 0 : index
    %get3A_6 = arith.constant 0 : index
    %get3A_7 = vector.load %arg2[%get3A_4, %get3A_5, %get3A_6] : memref<1x8192x64xf32, #tpu.memory_space<vmem>>, vector<1x8192x64xf32>
    %get3A_8 = vector.shape_cast %get3A_7 : vector<1x8192x64xf32> to vector<8192x64xf32>
    %dot_general3A = arith.constant dense<0.000000e+00> : vector<32x8192xf32>
    %dot_general3A_9 = tpu.matmul %get3A_3, %get3A_8, %dot_general3A {dimension_numbers = #tpu.dot_dimension_numbers<[1], [1], [0], [0], [0, 0, 1, 0], [], []>, transpose_lhs_hint = false} : vector<32x64xf32>, vector<8192x64xf32>, vector<32x8192xf32> -> vector<32x8192xf32>
    %reshape3A = vector.shape_cast %dot_general3A_9 : vector<32x8192xf32> to vector<32x32x256xf32>
    %reduce_max3A = arith.constant dense<0xFF800000> : vector<32x32xf32>
    %reduce_max3A_10 = vector.multi_reduction <maximumf>, %reshape3A, %reduce_max3A [2] : vector<32x32x256xf32> to vector<32x32xf32>
    %reduce_min3A = arith.constant dense<0x7F800000> : vector<32xf32>
    %reduce_min3A_11 = vector.multi_reduction <minimumf>, %reduce_max3A_10, %reduce_min3A [1] : vector<32x32xf32> to vector<32xf32>
    %broadcast_in_dim3A = vector.shape_cast %reduce_min3A_11 : vector<32xf32> to vector<32x1xf32>
    %broadcast_in_dim3A_12 = vector.shape_cast %broadcast_in_dim3A : vector<32x1xf32> to vector<32x1xf32>
    %broadcast_in_dim3A_13 = vector.broadcast %broadcast_in_dim3A_12 : vector<32x1xf32> to vector<32x128xf32>
    %concatenate3A = tpu.concatenate %dot_general3A_9, %broadcast_in_dim3A_13 in 1 : vector<32x8192xf32>, vector<32x128xf32> -> vector<32x8320xf32>
    %swap3A = arith.constant 0 : index
    %swap3A_14 = arith.constant 0 : index
    %swap3A_15 = arith.constant 0 : index
    %swap3A_16 = vector.load %arg3[%swap3A, %swap3A_14, %swap3A_15] : memref<1x32x8320xf32, #tpu.memory_space<vmem>>, vector<1x32x8320xf32>
    %swap3A_17 = vector.shape_cast %swap3A_16 : vector<1x32x8320xf32> to vector<32x8320xf32>
    %swap3A_18 = vector.shape_cast %concatenate3A : vector<32x8320xf32> to vector<1x32x8320xf32>
    tpu.vector_store %arg3[%swap3A, %swap3A_14, %swap3A_15], %swap3A_18 {strides = array<i32>} : memref<1x32x8320xf32, #tpu.memory_space<vmem>>, vector<1x32x8320xf32>,
    return
  }
  func.func @transform_0(%arg0: i32) -> (i32, i32, i32) {
    %c0_i32 = arith.constant 0 : i32
    %c0_i32_0 = arith.constant 0 : i32
    %c0_i32_1 = arith.constant 0 : i32
    return %arg0, %c0_i32, %c0_i32_0 : i32, i32, i32
  }
  func.func @transform_1(%arg0: i32) -> (i32, i32, i32) {
    %c0_i32 = arith.constant 0 : i32
    %c0_i32_0 = arith.constant 0 : i32
    %c0_i32_1 = arith.constant 0 : i32
    return %arg0, %c0_i32, %c0_i32_0 : i32, i32, i32
  }
  func.func @transform_2(%arg0: i32) -> (i32, i32, i32) {
    %c0_i32 = arith.constant 0 : i32
    %c0_i32_0 = arith.constant 0 : i32
    %c0_i32_1 = arith.constant 0 : i32
    return %arg0, %c0_i32, %c0_i32_0 : i32, i32, i32
  }
}

</mosaic_0001>

<sc_bundles>
// kernel: kernel.4.cloned.1.call-start
scs
__scs_entry_jumppad:
0x0: {  	(pc) =	sbr.rel $0x88, $3  }
0x1: {  	(tag) =	ssettag $0x0;
	lr =	simm.s32 $0x1  }
0x2: {  	[smem:$0x3F9E] =	sst lr;
	_ =	strace $0xD0000000  }
0x3: {  	_ = 	snop  }
0x4: {  	_ = 	snop  }
0x5: {  	_ = 	snop  }
0x6: {  	_ = 	snop  }
0x7: {  	_ = 	snop  }
__scs_overlays_trampoline_lowered:
0x8: {  	[smem:$0x3FAD] =	sst s0  }
0x9: {  	[smem:$0x3FAE] =	sst s1  }
0xa: {  	[smem:$0x3FAF] =	sst s2  }
0xb: {  	[smem:$0x3FB0] =	sst s3  }
0xc: {  	[smem:$0x3FB1] =	sst s4  }
0xd: {  	[smem:$0x3FB2] =	sst s5  }
0xe: {  	[smem:$0x3FB3] =	sst s6  }
0xf: {  	[smem:$0x3FB4] =	sst s7  }
0x10: {  	[smem:$0x3FB5] =	sst s8  }
0x11: {  	[smem:$0x3FB6] =	sst s9;
	s0 =	simm.s32 @!p0 $0x0  }
0x12: {  	s1 =	sld [smem:$0x3F9C];
	s0 =	simm.s32 @p0 $0x1  }
0x13: {  	[smem:$0x3FB7] =	sst s0;
	s0 =	simm.s32 @!p1 $0x0  }
0x14: {  	s2 =	sld [smem:$0x3F9B];
	s0 =	simm.s32 @p1 $0x1  }
0x15: {  	[smem:$0x3FB8] =	sst s0;
	s0 =	simm.s32 @!p2 $0x0  }
0x16: {  	s3 =	sld [smem:$0x3FDB];
	s0 =	simm.s32 @p2 $0x1  }
0x17: {  	s4 =	simm.s32 $0x1BF5;
	[smem:$0x3FBA] =	sst s0  }
0x18: {  	s0 =	sld [smem:$0x3F9D];
	_ =	swait.ge [sflag:s4], $0x0  }
0x19: {  	s7 =	sld [smem:$0x3F9E]  }
0x1a: {  	s8 =	sadd.s32 $0xFFFFE003, lr  }
0x1b: {  	s9 =	sadd.s32 $0xFFFFFEF7, lr;
	s5 =	simm.s32 $0xFFFFFFFF;
	p2 =	slt.u32 s8, $0xFFFFF086  }
0x1c: {  	p1 =	slt.u32 s9, $0xF7A;
	s5 =	simm.s32 @!p2 $0x0  }
0x1d: {  	s5 =	simm.s32 @p1 $0x1;
	p0 =	seq.s32 s7, s2  }
0x1e: {  	s7 =	smul.u32 @!p0 $0xF7A, s2;
	p2 =	seq.s32 @!p0 s5, $0x0  }
0x1f: {  	s9 =	smul.u32 $0xF7A, s1;
	s8 =	simm.s32 @!p0 $0x1BF5;
	p2 =	por !p2, p0  }
0x20: {  	[sflag:s8] =	ssyncset.s32 @!p0 $0xFFFFF086;
	s6 =	sadd.s32 @!p0 s3, s7;
	s7 =	simm.s32 @!p0 $0x108  }
0x21: {  	s3 =	sadd.s32 s3, s9;
	s6 =	sadd.s32 @!p0 $0x88, s6;
	s7 =	simm.s32 @p2 $0x1082  }
0x22: {  	[simem:s7], [sflag:s8] =	dma.local @!p0 [hbm:s6], $0xF7A  }
0x23: {  	s9 =	sor.u32 $0xD0000000, s2;
	s6 =	simm.s32 $0x108;
	_ =	swait.ge @!p0 [sflag:s8], $0x0  }
0x24: {  	s3 =	sadd.s32 $0x88, s3;
	s6 =	simm.s32 @!p1 $0x1082;
	[sflag:s4] =	ssyncset.s32 $0xFFFFF086  }
0x25: {  	[simem:s6], [sflag:s4] =	dma.local [hbm:s3], $0xF7A  }
0x26: {  	[smem:$0x3F9E] =	sst s1;
	(tag) =	ssettag s2;
	_ =	strace s9  }
0x27: {  	s1 =	sld [smem:$0x3FAE]  }
0x28: {  	s2 =	sld [smem:$0x3FAF]  }
0x29: {  	s4 =	sld [smem:$0x3FB1]  }
0x2a: {  	p0 =	seq.s32 s5, $0x0;
	s5 =	sld [smem:$0x3FB2]  }
0x2b: {  	s6 =	sld [smem:$0x3FB3]  }
0x2c: {  	s7 =	sld [smem:$0x3FB4]  }
0x2d: {  	s3 =	simm.s32 $0x108;
	s8 =	sld [smem:$0x3FB5]  }
0x2e: {  	s3 =	simm.s32 @!p0 $0x1082;
	s9 =	sld [smem:$0x3FB6]  }
0x2f: {  	lr =	sadd.s32 s0, s3;
	s0 =	sld [smem:$0x3FAD]  }
0x30: {  	s3 =	sld [smem:$0x3FB0]  }
0x31: {  	[smem:$0x3FB9] =	sst s10  }
0x32: {  	s10 =	sld [smem:$0x3FB7];
	_ =	sdelay $0x3  }
0x33: {  	p0 =	seq.s32 s10, $0x1;
	s10 =	sld [smem:$0x3FB9];
	_ =	sdelay $0x3  }
0x34: {  	[smem:$0x3FB9] =	sst s10  }
0x35: {  	s10 =	sld [smem:$0x3FB8];
	_ =	sdelay $0x3  }
0x36: {  	p1 =	seq.s32 s10, $0x1;
	s10 =	sld [smem:$0x3FB9];
	_ =	sdelay $0x3  }
0x37: {  	[smem:$0x3FB9] =	sst s10  }
0x38: {  	s10 =	sld [smem:$0x3FBA]  }
0x39: {  	_ = 	snop;
	(pc) =	sbr.ind lr, $3  }
0x3a: {  	_ = 	snop  }
0x3b: {  	_ = 	snop  }
0x3c: {  	p2 =	seq.s32 s10, $0x1;
	s10 =	sld [smem:$0x3FB9]  }
0x3d: {  	_ =	shalt  }
0x3e: {  	_ =	shalt  }
0x3f: {  	_ =	shalt  }
0x40: {  	_ =	shalt  }
0x41: {  	_ =	shalt  }
0x42: {  	_ =	shalt  }
0x43: {  	_ =	shalt  }
0x44: {  	_ =	shalt  }
0x45: {  	_ =	shalt  }
0x46: {  	_ =	shalt  }
0x47: {  	_ =	shalt  }
0x48: {  	_ =	shalt  }
0x49: {  	_ =	shalt  }
0x4a: {  	_ =	shalt  }
0x4b: {  	_ =	shalt  }
0x4c: {  	_ =	shalt  }
0x4d: {  	_ =	shalt  }
0x4e: {  	_ =	shalt  }
0x4f: {  	_ =	shalt  }
0x50: {  	_ =	shalt  }
0x51: {  	_ =	shalt  }
0x52: {  	_ =	shalt  }
0x53: {  	_ =	shalt  }
0x54: {  	_ =	shalt  }
0x55: {  	_ =	shalt  }
0x56: {  	_ =	shalt  }
0x57: {  	_ =	shalt  }
0x58: {  	_ =	shalt  }
0x59: {  	_ =	shalt  }
0x5a: {  	_ =	shalt  }
0x5b: {  	_ =	shalt  }
0x5c: {  	_ =	shalt  }
0x5d: {  	_ =	shalt  }
0x5e: {  	_ =	shalt  }
0x5f: {  	_ =	shalt  }
0x60: {  	_ =	shalt  }
0x61: {  	_ =	shalt  }
0x62: {  	_ =	shalt  }
0x63: {  	_ =	shalt  }
0x64: {  	_ =	shalt  }
0x65: {  	_ =	shalt  }
0x66: {  	_ =	shalt  }
0x67: {  	_ =	shalt  }
0x68: {  	_ =	shalt  }
0x69: {  	_ =	shalt  }
0x6a: {  	_ =	shalt  }
0x6b: {  	_ =	shalt  }
0x6c: {  	_ =	shalt  }
0x6d: {  	_ =	shalt  }
0x6e: {  	_ =	shalt  }
0x6f: {  	_ =	shalt  }
0x70: {  	_ =	shalt  }
0x71: {  	_ =	shalt  }
0x72: {  	_ =	shalt  }
0x73: {  	_ =	shalt  }
0x74: {  	_ =	shalt  }
0x75: {  	_ =	shalt  }
0x76: {  	_ =	shalt  }
0x77: {  	_ =	shalt  }
0x78: {  	_ =	shalt  }
0x79: {  	_ =	shalt  }
0x7a: {  	_ =	shalt  }
0x7b: {  	_ =	shalt  }
0x7c: {  	_ =	shalt  }
0x7d: {  	_ =	shalt  }
0x7e: {  	_ =	shalt  }
0x7f: {  	_ =	shalt  }
0x80: {  	_ =	shalt  }
0x81: {  	_ =	shalt  }
0x82: {  	_ =	shalt  }
0x83: {  	_ =	shalt  }
0x84: {  	_ =	shalt  }
0x85: {  	_ =	shalt  }
0x86: {  	_ =	shalt  }
0x87: {  	_ =	shalt  }
.Lfunc_end0:
.L_simem_size_0:
called_computation.1_lowered:
.L_overlay_start_0:
0x88: {  	s2 =	sld [smem:$0x3FD9]  }
0x89: {  	s3 =	sld [smem:$0x3FFE];
	_ =	sdelay $0x1  }
0x8a: {  	s1 =	srdreg.scid  }
0x8b: {  	s0 =	sand.u32 $0x1, s1  }
0x8c: {  	s17 =	sshll.u32 s0, $0xA;
	s2 =	sadd.s32 s3, s2  }
0x8d: {  	s2 =	sadd.s32 s2, s17  }
0x8e: {  	[smem:$0x3FC5] =	sst s2  }
0x8f: {  	_ = 	snop  }
0x90: {  	s2 =	sld [smem:$0x3FD0];
	(tm) =	ssettm $0x1  }
0x91: {  	s18 =	sld [smem:$0x3FFB];
	_ =	sdelay $0x3  }
0x92: {  	_ =	strace s18  }
0x93: {  	s3 =	sld [smem:$0x3FFC];
	_ =	sdelay $0x3  }
0x94: {  	_ =	strace s3  }
0x95: {  	s3 =	sld [smem:$0x3FFD];
	_ =	sdelay $0x3  }
0x96: {  	_ =	strace s3  }
0x97: {  	_ =	strace $0x8FFFFFFF  }
0x98: {  	s19 =	sld [smem:$0x3FDB];
	_ =	sdelay $0x1  }
0x99: {  	s4 =	simm.s32 $_scs_section_size  }
0x9a: {  	s5 =	simm.s32 $_size__tile_overlayer_lowered;
	s6 =	simm.s32 $_tile_overlayer_lowered  }
0x9b: {  	s22 =	simm.s32 $0x1BFF;
	s21 =	sshll.u32 s6, $0x1;
	s3 =	sadd.s32 s4, s19  }
0x9c: {  	s7 =	simm.s32 $0x0;
	s20 =	sshll.u32 s5, $0x1;
	s5 =	sadd.s32 s21, s3  }
0x9d: {  	[timem:s7], [sflag:s22] =	dma.local [hbm:s5], s20  }
0x9e: {  	_ =	swait.ge [sflag:s22], s20  }
0x9f: {  	s4 =	ssub.s32 $0x0, s20;
	[sflag:s22] =	ssyncset.done $0x0  }
0xa0: {  	[sflag:s22] =	ssyncadd.s32 s4;
	_ =	sdelay $0x1  }
0xa1: {  	s23 =	simm.s32 $0x1B8B  }
0xa2: {  	_ =	swait.ge [sflag:s23], $0x1  }
0xa3: {  	[sflag:s23] =	ssyncset.done $0x0  }
0xa4: {  	s25 =	simm.s32 $0x1B8E;
	s24 =	sld [smem:$0x3FFE];
	[sflag:s23] =	ssyncadd.s32 $0xFFFFFFFF  }
0xa5: {  	s26 =	simm.s32 $execute0_lowered;
	[smem:$0x3FD2] =	sst s25  }
0xa6: {  	s5 =	sshll.u32 s26, $0x1;
	_ =	strace $0x80000049;
	[dreg:$0x1] =	wrdreg $0xFFFFFFFF  }
0xa7: {  	s28 =	simm.s32 $_size_execute0_lowered;
	s3 =	sadd.s32 s3, s5;
	[dreg:$0x0] =	wrdreg $0x0  }
0xa8: {  	s5 =	sshll.u32 s28, $0x1;
	[dreg:$0x2] =	wrdreg s3  }
0xa9: {  	[dreg:$0x3] =	wrdreg s5  }
0xaa: {  	[dreg:$0x4] =	wrdreg $0xC0  }
0xab: {  	_ =	task [dreg:s7], $0x5FFFF  }
0xac: {  	[dreg:$0x1] =	wrdreg $0xFFFFFFFF  }
0xad: {  	[dreg:$0x0] =	wrdreg $0x60  }
0xae: {  	[dreg:$0x2] =	wrdreg s24  }
0xaf: {  	[dreg:$0x3] =	wrdreg s2  }
0xb0: {  	[dreg:$0x4] =	wrdreg $0x9  }
0xb1: {  	_ =	task.clear_ibuf [dreg:s7], $0x5FFFF;
	_ =	strace $0x90000049  }
0xb2: {  	s29 =	simm.s32 $0x9;
	_ =	strace $0x8000004B  }
0xb3: {  	_ =	swait.ge [sflag:s29], $0x1  }
0xb4: {  	[sflag:s29] =	ssyncadd.s32 $0xFFFFFFFF  }
0xb5: {  	_ =	strace $0x9000004B  }
0xb6: {  	_ =	sfence  }
0xb7: {  	s30 =	sld [smem:$0x0];
	_ =	sdelay $0x2  }
0xb8: {  	s31 =	sshll.u32 s1, $0xD;
	s1 =	sshrl.u32 s1, $0x2  }
0xb9: {  	s3 =	sand.u32 $0x4000, s31;
	s1 =	sadd.s32 s1, s30  }
0xba: {  	s0 =	sor.u32 s3, s0;
	s1 =	sshll.u32 s1, $0x11  }
0xbb: {  	s0 =	sor.u32 s1, s0  }
0xbc: {  	s0 =	sadd.s32 $0x8F2B, s0  }
0xbd: {  	[sflag:s0] =	ssyncadd.remote.s32 $0x1  }
0xbe: {  	_ =	sfence.sel $0xFFFF  }
0xbf: {  	[dreg:$0x0] =	wrdreg $0xFFFFFFFF;
	(pc) =	sbr.abs _section_cstart, $3  }
0xc0: {  	[dreg:$0x1] =	wrdreg $0xFFFFFFFF  }
0xc1: {  	_ =	task.clear_ibuf [dreg:s7], $0x2FFFF;
	_ =	strace $0x9FFFFFFF  }
0xc2: {  	(tm) =	ssettm $0x7FFFFFFF  }
0xc3: {  	_ =	shalt  }
tec
execute0_lowered:
.L_overlay_start_1:
0x0: {  	(tag) =	ssettag $0x1  }
0x1: {  	s0 =	rddreg [dreg:$0x0]  }
0x2: {  	s2 =	simm.s32 $0x0;
	s1 =	srdreg.scid;
	s6 =	stileid.u32  }
0x3: {  	s12 =	simm.s32 $0x2;
	s13 =	simm.s32 $0x10400;
	s14 =	simm.s32 $0x10800  }
0x4: {  	s15 =	simm.s32 $0x1;
	s16 =	simm.s32 $0x80;
	s28 =	simm.s32 $0x11280  }
0x5: {  	s29 =	simm.s32 $0x11680;
	s30 =	simm.s32 $0x11300;
	s31 =	simm.s32 $0x11700  }
0x6: {  	s9 =	simm.s32 $0x0;
	[smem:$0x7FF] =	sst s2;
	s3 =	sadd.s32 $0x5000A00, s0  }
0x7: {  	v0 =	vimm.f32 $0.0e+00;
	v1 =	vimm.s32 $0x0;
	v2 =	vlaneseq.u32;
	s1 =	sand.u32 $0x1, s1;
	s5 =	sadd.s32 $0xA00, s0;
	s4 =	sadd.s32 $0x1000A00, s0  }
0x8: {  	v3 =	vimm.s32 $0xF;
	v4 =	vimm.s32 $0x1;
	v5 =	vimm.s32 $0x2;
	s7 =	sadd.s32 $0x1000C00, s0;
	s26 =	sshll.u32 s6, $0x5;
	s24 =	ssub.s32 $0x2, s1  }
0x9: {  	v6 =	vimm.s32 $0x3;
	v7 =	vimm.s32 $0x4;
	v8 =	vimm.s32 $0x5;
	_ =	strace $0x8000004A;
	[dreg:$0x3] =	wrdreg s4;
	s25 =	sshrl.u32 s24, $0x1  }
0xa: {  	v9 =	vimm.s32 $0x6;
	v10 =	vimm.s32 $0x7;
	v11 =	vimm.s32 $0x8;
	s1 =	sshll.u32 s1, $0x4;
	s4 =	simm.s32 $0x11780;
	s0 =	ssub.s32 s24, s25  }
0xb: {  	v12 =	vimm.s32 $0x9;
	v13 =	vimm.s32 $0xA;
	v14 =	vimm.s32 $0xB;
	s8 =	sor.u32 s1, s26;
	s26 =	simm.s32 $0x11600;
	s0 =	smax.u32 s0, $0x1  }
0xc: {  	v15 =	vimm.s32 $0xC;
	v16 =	vimm.s32 $0xD;
	v17 =	vimm.s32 $0xE;
	s1 =	simm.s32 $0x11C00;
	[dreg:$0x4] =	wrdreg s0;
	s0 =	simm.s32 $0x11380  }
.LBB2_1:
0xd: {  	[dreg:$0x5] =	wrdreg s9  }
0xe: {  	s6 =	rddreg [dreg:$0x1];
	s23 =	simm.s32 $0x12000  }
0xf: {  	[tilespmem:s23], [sflag:$0x2] =	stream.linear.gather [hbm4b:s6+s2], $0x1, $0x38;
	[tilespmem:$0x12100] =	vst v63  }
0x10: {  	s24 =	rddreg [dreg:$0x3];
	s25 =	simm.s32 $0x12080  }
0x11: {  	[tilespmem:s25], [sflag:$0x2] =	stream.linear.gather [hbm4b:s24+s2], $0x1, $0x38;
	[tilespmem:$0x12100] =	vst v63  }
0x12: {  	_ =	swait.ge [sflag:s12], $0x1  }
0x13: {  	[sflag:s12] =	ssyncset.done $0x0  }
0x14: {  	[sflag:s12] =	ssyncadd.s32 $0xFFFFFFFF  }
0x15: {  	_ =	swait.ge [sflag:s12], $0x1  }
0x16: {  	[sflag:s12] =	ssyncset.done $0x0  }
0x17: {  	[sflag:s12] =	ssyncadd.s32 $0xFFFFFFFF  }
0x18: {  	v18 =	vld.msk [tilespmem:$0x12000 ss:$0x0], $0xffff  }
0x19: {  	s11 =	simm.s32 $0x0;
	v19 =	vld.msk [tilespmem:$0x12080 ss:$0x0], $0xffff  }
.LBB2_2:
.Ltmp0:
0x1a: {  	(pc) =	sbr.rel .LBB2_3-.Ltmp0, $3  }
0x1b: {  	_ =	sdelay $0x1  }
0x1c: {  	s6 =	sadd.s32 s8, s11  }
0x1d: {  	s10 =	simm.s32 $0x0;
	s17 =	simm.s32 $0x0;
	s9 =	sshll.u32 s6, $0x5  }
.LBB2_19:
0x1e: {  	s17 =	sadd.s32 $0x1, s17  }
0x1f: {  	p0 =	sne.s32 s17, $0x4  }
.Ltmp1:
0x20: {  	_ = 	snop;
	(pc) =	sbr.rel @!p0 .LBB2_20-.Ltmp1, $1  }
0x21: {  	_ =	sdelay $0x3  }
.LBB2_3:
0x22: {  	s18 =	sshll.u32 s17, $0x3  }
0x23: {  	s19 =	sadd.s32 s9, s18  }
0x24: {  	s19 =	smul.u32 $0x410, s19;
	_ =	sdelay $0x1  }
.Ltmp2:
0x25: {  	s19 =	sadd.s32 s3, s19;
	(pc) =	sbr.rel .LBB2_4-.Ltmp2, $4  }
0x26: {  	[tilespmem:s10], [sflag:$0x2] =	stream.linear.gather [hbm4b:s19+s10], $0x10400, $0x38;
	[tilespmem:$0x12100] =	vst v63  }
0x27: {  	_ =	swait.ge [sflag:s12], $0x10400  }
0x28: {  	[sflag:s12] =	ssyncset.done $0x0  }
0x29: {  	s22 =	simm.s32 $0x40;
	s20 =	simm.s32 $0x0;
	[sflag:s12] =	ssyncadd.s32 $0xFFFEFC00  }
.LBB2_18:
0x2a: {  	v24 =	vperm.xlane v23, v1;
	_ =	sdelay $0x1  }
0x2b: {  	v23 =	vsub.f32 v23, v24  }
0x2c: {  	v22 =	vsub.f32 v22, v24  }
0x2d: {  	v23 =	vmul.f32 $1.442695020e+00, v23  }
0x2e: {  	v22 =	vmul.f32 $1.442695020e+00, v22  }
0x2f: {  	(erf) = vpow2.f32 v23  }
0x30: {  	(erf) = vpow2.f32 v22;
	_ =	sdelay $0x7  }
0x31: {  	v59 =	vpop (erf)  }
0x32: {  	v60 =	vpop (erf);
	(xrf2) =	vadd.scan.msk.f32 $0xffff, v59  }
0x33: {  	(xrf2) =	vadd.scan.msk.f32 $0xffff, v60;
	_ =	sdelay $0x8  }
0x34: {  	v61, _, _ =	vpop (xrf2)  }
0x35: {  	(v2sf) =	vpush v61, $0xF;
	v62, _, _ =	vpop (xrf2)  }
0x36: {  	(v2sf) =	vpush v62, $0xF;
	_ =	sdelay $0xd  }
0x37: {  	s19 =	spop (v2sf)  }
0x38: {  	s21 =	spop (v2sf)  }
0x39: {  	s19 =	sadd.f32 s21, s19;
	_ =	sdelay $0x1  }
0x3a: {  	v63 =	vmov s19  }
0x3b: {  	v24 =	vadd.f32 $0.0e+00, v63;
	_ =	sdelay $0x1  }
0x3c: {  	v24 =	vbroadcast v24, $0x0;
	_ =	sdelay $0x1  }
0x3d: {  	(erf) = vrcp.f32 v24;
	_ =	sdelay $0x6  }
0x3e: {  	s25 =	sor.u32 s18, s20;
	s20 =	sadd.s32 $0x1, s20  }
0x3f: {  	p0 =	sne.s32 s20, $0x8  }
.Ltmp3:
0x40: {  	s19 =	sshll.u32 s25, $0x5;
	v24 =	vpop (erf);
	(pc) =	sbr.rel @!p0 .LBB2_19-.Ltmp3, $4  }
0x41: {  	[tilespmem:s19+$0x10C00] =	vst v21;
	v22 =	vmul.f32 v24, v59  }
0x42: {  	[tilespmem:s19+$0x10C10] =	vst v20;
	v23 =	vmul.f32 v24, v60  }
0x43: {  	[tilespmem:s19+$0x11800] =	vst v22  }
0x44: {  	s22 =	sadd.s32 $0x2080, s22;
	[tilespmem:s19+$0x11810] =	vst v23  }
.LBB2_4:
.Ltmp4:
0x45: {  	(pc) =	sbr.rel .LBB2_5-.Ltmp4, $3  }
0x46: {  	s19 =	smul.u32 $0x8200, s20;
	_ =	sdelay $0x1  }
0x47: {  	s19 =	sshra.s32 s19, $0x2  }
0x48: {  	v29 =	vimm.s32 $0x0;
	s21 =	simm.s32 $0x70;
	v20 =	vld [tilespmem:s19+$0x2000];
	s19 =	smov.u32 s22  }
.LBB2_7:
0x49: {  	s21 =	sadd.s32 $0x80, s21  }
0x4a: {  	p0 =	sne.s32 s21, $0x2070  }
.Ltmp5:
0x4b: {  	_ = 	snop;
	(pc) =	sbr.rel @!p0 .LBB2_8-.Ltmp5, $2  }
0x4c: {  	_ =	sdelay $0x2  }
0x4d: {  	s19 =	sadd.s32 $0x80, s19  }
.LBB2_5:
0x4e: {  	v28 =	vld [tilespmem:s19+$0xFFFFFFC0]  }
0x4f: {  	v27 =	vld [tilespmem:s19+$0xFFFFFFD0]  }
0x50: {  	v26 =	vld [tilespmem:s19+$0xFFFFFFE0]  }
0x51: {  	v25 =	vld [tilespmem:s19+$0xFFFFFFF0]  }
0x52: {  	v24 =	vld [tilespmem:s19+$0x0]  }
0x53: {  	v23 =	vld [tilespmem:s19+$0x10]  }
0x54: {  	v22 =	vld [tilespmem:s19+$0x20];
	vm7 =	vge.f32 v28, v20;
	vm6 =	vge.f32 v27, v20  }
0x55: {  	v21 =	vld [tilespmem:s19+$0x30];
	vm5 =	vge.f32 v26, v20;
	vm0 =	vmor vm7, vm6  }
0x56: {  	vm4 =	vge.f32 v25, v20;
	vm0 =	vmor vm0, vm5  }
0x57: {  	vm3 =	vge.f32 v24, v20;
	vm0 =	vmor vm0, vm4  }
0x58: {  	vm2 =	vge.f32 v23, v20;
	vm0 =	vmor vm0, vm3  }
0x59: {  	vm1 =	vge.f32 v22, v20;
	vm8 =	vmor vm0, vm2  }
0x5a: {  	vm0 =	vge.f32 v21, v20;
	vm8 =	vmor vm8, vm1  }
0x5b: {  	vm8 =	vmor vm8, vm0  }
0x5c: {  	v30 =	vsel vm8, $0x3F800000, v0  }
0x5d: {  	(xrf0) =	vmax.scan.msk.f32 $0xffff, v30;
	_ =	sdelay $0x5  }
0x5e: {  	v30, _, _ =	vpop (xrf0)  }
0x5f: {  	(v2sf) =	vpush v30, $0xF;
	_ =	sdelay $0xe  }
0x60: {  	s23 =	spop (v2sf)  }
0x61: {  	p0 =	sgt.f32 s23, $0.0e+00  }
.Ltmp6:
0x62: {  	_ = 	snop;
	(pc) =	sbr.rel @!p0 .LBB2_7-.Ltmp6, $1  }
0x63: {  	_ =	sdelay $0x3  }
0x64: {  	v30 =	vsel vm7, $0x1, v1  }
0x65: {  	(xrf0) =	vadd.scan.msk.s32 $0xffff, v30  }
0x66: {  	v30 =	vsel vm6, $0x1, v1  }
0x67: {  	(xrf0) =	vadd.scan.msk.s32 $0xffff, v30  }
0x68: {  	v30 =	vsel vm5, $0x1, v1  }
0x69: {  	(xrf0) =	vadd.scan.msk.s32 $0xffff, v30  }
0x6a: {  	v30 =	vsel vm4, $0x1, v1  }
0x6b: {  	v31, _, _ =	vpop (xrf0);
	(xrf0) =	vadd.scan.msk.s32 $0xffff, v30  }
0x6c: {  	v34 =	vsel vm2, $0x1, v1;
	v32 =	vperm.xlane v31, v3  }
0x6d: {  	v35 =	vsel vm1, $0x1, v1;
	v30 =	vsel vm3, $0x1, v1;
	v33, _, _ =	vpop (xrf0);
	v31 =	vadd.s32 v31, v29  }
0x6e: {  	(xrf0) =	vadd.scan.msk.s32 $0xffff, v30;
	v30 =	vadd.s32 $0xFFFFFFFF, v31;
	v31 =	vperm.xlane v33, v3;
	v29 =	vadd.s32 v29, v32  }
0x6f: {  	v36 =	vsel vm0, $0x1, v1;
	v52, _, _ =	vpop (xrf0);
	vm8 =	vlt.s32 v30, $0x3FF;
	v33 =	vadd.s32 v29, v33  }
0x70: {  	(xrf0) =	vadd.scan.msk.s32 $0xffff, v34;
	v29 =	vadd.s32 v29, v31;
	v31 =	vperm.xlane v52, v3;
	v33 =	vadd.s32 $0xFFFFFFFF, v33  }
0x71: {  	v30 =	vnsel vm8, $0x3FF, v30;
	v32 =	vadd.s32 v29, v52;
	v53, _, _ =	vpop (xrf0);
	vm13 =	vlt.s32 v33, $0x3FF  }
0x72: {  	(xrf0) =	vadd.scan.msk.s32 $0xffff, v35;
	v32 =	vadd.s32 $0xFFFFFFFF, v32;
	v29 =	vadd.s32 v29, v31;
	v31 =	vperm.xlane v53, v3  }
0x73: {  	v33 =	vnsel vm13, $0x3FF, v33;
	vm14 =	vlt.s32 v32, $0x3FF;
	v34 =	vadd.s32 v29, v53  }
0x74: {  	v54, _, _ =	vpop (xrf0);
	v32 =	vnsel vm14, $0x3FF, v32;
	v34 =	vadd.s32 $0xFFFFFFFF, v34;
	v29 =	vadd.s32 v29, v31  }
0x75: {  	s23 =	sadd.s32 $0xFFFFFF90, s21;
	(xrf0) =	vadd.scan.msk.s32 $0xffff, v36;
	v35 =	vperm.xlane v54, v3;
	vm15 =	vlt.s32 v34, $0x3FF;
	v31 =	vadd.s32 v29, v54  }
0x76: {  	v37 =	vor.u32 s23, v2;
	v55, _, _ =	vpop (xrf0);
	[tilespmem:v30+s13+$0x0] =	vst.idx.msk vm7, v28;
	v28 =	vnsel vm15, $0x3FF, v34;
	v31 =	vadd.s32 $0xFFFFFFFF, v31  }
0x77: {  	s24 =	sadd.s32 $0xFFFFFFA0, s21;
	[tilespmem:v30+s14+$0x0] =	vst.idx.msk vm7, v37;
	v29 =	vadd.s32 v29, v35;
	v30 =	vperm.xlane v55, v3;
	vm12 =	vlt.s32 v31, $0x3FF  }
0x78: {  	v57 =	vor.u32 s24, v2;
	v56, _, _ =	vpop (xrf0);
	[tilespmem:v33+s13+$0x0] =	vst.idx.msk vm6, v27;
	v27 =	vnsel vm12, $0x3FF, v31;
	v31 =	vadd.s32 v29, v55  }
0x79: {  	s25 =	sadd.s32 $0xFFFFFFB0, s21;
	[tilespmem:v33+s14+$0x0] =	vst.idx.msk vm6, v57;
	v29 =	vadd.s32 v29, v30;
	v30 =	vperm.xlane v56, v3;
	v31 =	vadd.s32 $0xFFFFFFFF, v31  }
0x7a: {  	v58 =	vor.u32 s25, v2;
	[tilespmem:v32+s13+$0x0] =	vst.idx.msk vm5, v26;
	v59 =	vadd.s32 v29, v56;
	vm13 =	vlt.s32 v31, $0x3FF  }
0x7b: {  	s24 =	sadd.s32 $0xFFFFFFC0, s21;
	v60, _, _ =	vpop (xrf0);
	[tilespmem:v32+s14+$0x0] =	vst.idx.msk vm5, v58;
	v26 =	vadd.s32 $0xFFFFFFFF, v59;
	v29 =	vadd.s32 v29, v30;
	v31 =	vnsel vm13, $0x3FF, v31  }
0x7c: {  	v30 =	vor.u32 s24, v2;
	[tilespmem:v28+s13+$0x0] =	vst.idx.msk vm4, v25;
	vm14 =	vlt.s32 v26, $0x3FF;
	v61 =	vadd.s32 v29, v60  }
0x7d: {  	s25 =	sadd.s32 $0xFFFFFFD0, s21;
	[tilespmem:v28+s14+$0x0] =	vst.idx.msk vm4, v30;
	v26 =	vnsel vm14, $0x3FF, v26;
	v25 =	vadd.s32 $0xFFFFFFFF, v61  }
0x7e: {  	v28 =	vor.u32 s25, v2;
	[tilespmem:v27+s13+$0x0] =	vst.idx.msk vm3, v24;
	vm15 =	vlt.s32 v25, $0x3FF  }
0x7f: {  	s24 =	sadd.s32 $0xFFFFFFE0, s21;
	[tilespmem:v27+s14+$0x0] =	vst.idx.msk vm3, v28;
	v62 =	vnsel vm15, $0x3FF, v25  }
0x80: {  	v63 =	vor.u32 s24, v2;
	[tilespmem:v31+s13+$0x0] =	vst.idx.msk vm2, v23  }
.Ltmp7:
0x81: {  	s25 =	sadd.s32 $0xFFFFFFF0, s21;
	[tilespmem:v31+s14+$0x0] =	vst.idx.msk vm2, v63;
	(pc) =	sbr.rel .LBB2_7-.Ltmp7, $4  }
0x82: {  	v23 =	vor.u32 s25, v2;
	[tilespmem:v26+s13+$0x0] =	vst.idx.msk vm1, v22  }
0x83: {  	v22 =	vperm.xlane v60, v3;
	[tilespmem:v26+s14+$0x0] =	vst.idx.msk vm1, v23  }
0x84: {  	v23 =	vor.u32 s21, v2;
	[tilespmem:v62+s13+$0x0] =	vst.idx.msk vm0, v21  }
0x85: {  	v29 =	vadd.s32 v29, v22;
	[tilespmem:v62+s14+$0x0] =	vst.idx.msk vm0, v23  }
.LBB2_8:
0x86: {  	v20 =	vxor.u32 $0x80000000, v29  }
0x87: {  	(xrf0) =	vmax.scan.msk.u32 $0xffff, v20;
	_ =	sdelay $0x5  }
0x88: {  	v20, _, _ =	vpop (xrf0)  }
0x89: {  	(v2sf) =	vpush v20, $0xF;
	_ =	sdelay $0xe  }
0x8a: {  	s19 =	spop (v2sf)  }
0x8b: {  	s19 =	sadd.s32 $0x8000000F, s19  }
0x8c: {  	s21 =	sand.u32 $0xF, s19  }
0x8d: {  	v20 =	vadd.s32 v2, v29;
	s25 =	sshra.s32 s19, $0x1F;
	p1 =	slt.s32 s19, $0x1;
	p0 =	sne.s32 s21, $0x0  }
0x8e: {  	vm0 =	vlt.s32 v20, $0x3FF;
	s21 =	sshrl.u32 s25, $0x1C;
	p0 =	por !p1, !p0  }
0x8f: {  	v20 =	vnsel vm0, $0x3FF, v20;
	s19 =	sadd.s32 s21, s19;
	s21 =	simm.s32 $0x1;
	p0 =	por !p0, !p0  }
.Ltmp8:
0x90: {  	s19 =	sshra.s32 s19, $0x4;
	s21 =	simm.s32 @!p0 $0x0;
	(pc) =	sbr.rel .LBB2_9-.Ltmp8, $4  }
0x91: {  	s19 =	ssub.s32 s19, s21  }
0x92: {  	p1 =	sgt.s32 s19, $0x1  }
0x93: {  	v22 =	vimm.f32 $0.0e+00;
	p0 =	slt.s32 s19, $0x1;
	s19 =	simm.s32 @!p1 $0x1  }
0x94: {  	v21 =	vimm.s32 $0x0;
	v23 =	vimm.f32 $0.0e+00;
	[tilespmem:v20+s13+$0x0] =	vst.idx.msk $0xffff, v18;
	v20 =	vimm.s32 $0x0;
	s21 =	simm.s32 $0x0;
	s19 =	smin.u32 s19, $0x40  }
.LBB2_16:
0x95: {  	vm0 =	veq.f32 v26, v24;
	vm1 =	veq.s32 v27, v25  }
0x96: {  	vm0 =	vmand vm0, vm1  }
0x97: {  	v26 =	vsel vm0, v18, v26  }
0x98: {  	[tilespmem:s23+$0x0] =	vst v26  }
.LBB2_17:
0x99: {  	v26 =	vmov s21;
	s23 =	sadd.s32 $0xFFFFFFF0, s21;
	s21 =	sadd.s32 $0x1, s21  }
0x9a: {  	p1 =	sne.s32 s21, $0x20  }
.Ltmp9:
0x9b: {  	_ = 	snop;
	(pc) =	sbr.rel @!p1 .LBB2_18-.Ltmp9, $4  }
0x9c: {  	_ = 	snop  }
0x9d: {  	vm0 =	veq.s32 v26, v2;
	v63 =	vmov s23  }
0x9e: {  	vm1 =	veq.s32 v63, v2;
	v23 =	vsel vm0, v24, v23  }
0x9f: {  	v21 =	vsel vm0, v25, v21;
	v22 =	vsel vm1, v24, v22;
	v20 =	vsel vm1, v25, v20  }
.LBB2_9:
.Ltmp10:
0xa0: {  	(pc) =	sbr.rel @p0 .LBB2_13-.Ltmp10, $2  }
0xa1: {  	_ =	sdelay $0x2  }
0xa2: {  	v25 =	vmov v18;
	v26 =	vmov v19  }
0xa3: {  	s24 =	simm.s32 $0x10400  }
0xa4: {  	s23 =	simm.s32 $0x10800;
	p1 =	sne.s32 s19, $0x1;
	v25 =	vld [tilespmem:s24+$0x0]  }
.Ltmp11:
0xa5: {  	v24 =	vld [tilespmem:s23+$0x0];
	(pc) =	sbr.rel @!p1 .LBB2_12-.Ltmp11, $2  }
0xa6: {  	_ =	sdelay $0x2  }
0xa7: {  	s25 =	simm.s32 $0x10410;
	v26 =	vmov v18;
	v27 =	vmov v19;
	s24 =	sadd.s32 $0xFFFFFFFF, s19  }
.LBB2_11:
0xa8: {  	v28 =	vld [tilespmem:s25+$0x0];
	vm0 =	veq.f32 v25, v26;
	vm1 =	vlt.s32 v24, v27;
	s23 =	sadd.s32 $0x10, s23;
	v29 =	vmov v24;
	p1 =	sne.s32 s24, $0x1  }
.Ltmp12:
0xa9: {  	s24 =	sadd.s32 $0xFFFFFFFF, s24;
	vm2 =	vgt.f32 v25, v26;
	v24 =	vld [tilespmem:s23+$0x0];
	vm0 =	vmand vm0, vm1;
	(pc) =	sbr.rel @p1 .LBB2_11-.Ltmp12, $3  }
0xaa: {  	vm0 =	vmor vm2, vm0  }
0xab: {  	v26 =	vsel vm0, v25, v26;
	v27 =	vsel vm0, v29, v27;
	_ =	sdelay $0x1  }
0xac: {  	s25 =	sadd.s32 $0x10, s25;
	v25 =	vmov v28  }
.LBB2_12:
0xad: {  	vm0 =	veq.f32 v25, v26;
	vm1 =	vlt.s32 v24, v27  }
0xae: {  	vm2 =	vgt.f32 v25, v26;
	vm0 =	vmand vm0, vm1  }
0xaf: {  	vm0 =	vmor vm2, vm0  }
0xb0: {  	v25 =	vsel vm0, v25, v26;
	v26 =	vsel vm0, v24, v27  }
.LBB2_13:
0xb1: {  	(xrf0) =	vmax.scan.msk.f32 $0xffff, v25;
	_ =	sdelay $0x5  }
0xb2: {  	v24, _, _ =	vpop (xrf0)  }
0xb3: {  	v24 =	vbroadcast v24, $0xF;
	_ =	sdelay $0x1  }
0xb4: {  	vm0 =	veq.f32 v25, v24  }
0xb5: {  	v25 =	vsel vm0, v26, v19  }
0xb6: {  	v25 =	vxor.u32 $0x80000000, v25  }
0xb7: {  	(xrf0) =	vmin.scan.msk.u32 $0xffff, v25;
	_ =	sdelay $0x5  }
0xb8: {  	v25, _, _ =	vpop (xrf0)  }
0xb9: {  	(v2sf) =	vpush v25, $0xF;
	_ =	sdelay $0xc  }
.Ltmp13:
0xba: {  	_ = 	snop;
	(pc) =	sbr.rel @p0 .LBB2_17-.Ltmp13, $4  }
0xbb: {  	_ = 	snop  }
0xbc: {  	s23 =	spop (v2sf)  }
0xbd: {  	s23 =	sxor.u32 $0x80000000, s23  }
0xbe: {  	v25 =	vmov s23  }
0xbf: {  	s23 =	simm.s32 $0x10400  }
0xc0: {  	s24 =	simm.s32 $0x10800;
	p1 =	sne.s32 s19, $0x1;
	v26 =	vld [tilespmem:s23+$0x0]  }
.Ltmp14:
0xc1: {  	v27 =	vld [tilespmem:s24+$0x0];
	(pc) =	sbr.rel @!p1 .LBB2_16-.Ltmp14, $2  }
0xc2: {  	_ =	sdelay $0x2  }
0xc3: {  	s25 =	sadd.s32 $0xFFFFFFFF, s19  }
.LBB2_15:
0xc4: {  	p1 =	sne.s32 s25, $0x1;
	_ =	sdelay $0x3  }
0xc5: {  	vm0 =	veq.f32 v26, v24;
	vm1 =	veq.s32 v27, v25  }
.Ltmp15:
0xc6: {  	vm0 =	vmand vm0, vm1;
	(pc) =	sbr.rel @p1 .LBB2_15-.Ltmp15, $4  }
0xc7: {  	v26 =	vsel vm0, v18, v26  }
0xc8: {  	[tilespmem:s23+$0x0] =	vst v26;
	s23 =	sadd.s32 $0x10, s23  }
0xc9: {  	s24 =	sadd.s32 $0x10, s24;
	v26 =	vld [tilespmem:s23+$0x0]  }
0xca: {  	s25 =	sadd.s32 $0xFFFFFFFF, s25;
	v27 =	vld [tilespmem:s24+$0x0]  }
.Ltmp16:
0xcb: {  	_ = 	snop;
	(pc) =	sbr.rel .LBB2_16-.Ltmp16, $1  }
0xcc: {  	_ =	sdelay $0x3  }
.LBB2_20:
0xcd: {  	v20 =	vld [tilespmem:$0x10C00]  }
0xce: {  	v22 =	vld [tilespmem:$0x10C20]  }
0xcf: {  	v21 =	vld [tilespmem:$0x10C10]  }
0xd0: {  	v23 =	vld [tilespmem:$0x10C30]  }
0xd1: {  	s9 =	sshll.u32 s6, $0x12;
	v24 =	vld [tilespmem:$0x10C40]  }
0xd2: {  	v26 =	vld [tilespmem:$0x10C50];
	v25 =	vshll.u32 v20, $0x5;
	v20 =	vor.u32 s9, v2  }
0xd3: {  	v28 =	vld [tilespmem:$0x10C60];
	s9 =	sor.u32 $0x10, s9;
	v22 =	vshll.u32 v22, $0x5;
	v25 =	vadd.s32 v20, v25  }
0xd4: {  	v51 =	vld [tilespmem:$0x10C70];
	v27 =	vshll.u32 v21, $0x5;
	v21 =	vor.u32 s9, v2;
	v22 =	vadd.s32 v20, v22;
	[tilespmem:$0x11000] =	vst v25  }
0xd5: {  	v52 =	vld [tilespmem:$0x10C80];
	v23 =	vshll.u32 v23, $0x5;
	v50 =	vadd.s32 v21, v27;
	[tilespmem:$0x11020] =	vst v22  }
0xd6: {  	v53 =	vld [tilespmem:$0x10C90];
	v22 =	vadd.s32 v21, v23;
	v23 =	vshll.u32 v24, $0x5;
	[tilespmem:$0x11010] =	vst v50  }
0xd7: {  	v54 =	vld [tilespmem:$0x10CA0];
	[tilespmem:$0x11030] =	vst v22;
	v22 =	vadd.s32 v20, v23;
	v23 =	vshll.u32 v26, $0x5  }
0xd8: {  	v55 =	vld [tilespmem:$0x10CB0];
	[tilespmem:$0x11040] =	vst v22;
	v22 =	vadd.s32 v21, v23;
	v23 =	vshll.u32 v28, $0x5  }
0xd9: {  	v56 =	vld [tilespmem:$0x10CC0];
	[tilespmem:$0x11050] =	vst v22;
	v22 =	vadd.s32 v20, v23;
	v23 =	vshll.u32 v51, $0x5  }
0xda: {  	v57 =	vld [tilespmem:$0x10CD0];
	[tilespmem:$0x11060] =	vst v22;
	v22 =	vadd.s32 v21, v23;
	v23 =	vshll.u32 v52, $0x5  }
0xdb: {  	v58 =	vld [tilespmem:$0x10CE0];
	[tilespmem:$0x11070] =	vst v22;
	v22 =	vadd.s32 v20, v23;
	v23 =	vshll.u32 v53, $0x5  }
0xdc: {  	v59 =	vld [tilespmem:$0x10CF0];
	[tilespmem:$0x11080] =	vst v22;
	v22 =	vadd.s32 v21, v23;
	v23 =	vshll.u32 v54, $0x5  }
0xdd: {  	v60 =	vld [tilespmem:$0x10D00];
	[tilespmem:$0x11090] =	vst v22;
	v22 =	vadd.s32 v20, v23;
	v23 =	vshll.u32 v55, $0x5  }
0xde: {  	v61 =	vld [tilespmem:$0x10D10];
	[tilespmem:$0x110A0] =	vst v22;
	v22 =	vadd.s32 v21, v23;
	v23 =	vshll.u32 v56, $0x5  }
0xdf: {  	v62 =	vld [tilespmem:$0x10D20];
	[tilespmem:$0x110B0] =	vst v22;
	v22 =	vadd.s32 v20, v23;
	v23 =	vshll.u32 v57, $0x5  }
0xe0: {  	v63 =	vld [tilespmem:$0x10D30];
	[tilespmem:$0x110C0] =	vst v22;
	v22 =	vadd.s32 v21, v23;
	v23 =	vshll.u32 v58, $0x5  }
0xe1: {  	v32 =	vld [tilespmem:$0x10D40];
	[tilespmem:$0x110D0] =	vst v22;
	v22 =	vadd.s32 v20, v23;
	v23 =	vshll.u32 v59, $0x5  }
0xe2: {  	v33 =	vld [tilespmem:$0x10D50];
	[tilespmem:$0x110E0] =	vst v22;
	v22 =	vadd.s32 v21, v23;
	v23 =	vshll.u32 v60, $0x5  }
0xe3: {  	v34 =	vld [tilespmem:$0x10D60];
	[tilespmem:$0x110F0] =	vst v22;
	v22 =	vadd.s32 v20, v23;
	v23 =	vshll.u32 v61, $0x5  }
0xe4: {  	v35 =	vld [tilespmem:$0x10D70];
	[tilespmem:$0x11100] =	vst v22;
	v22 =	vadd.s32 v21, v23;
	v23 =	vshll.u32 v62, $0x5  }
0xe5: {  	v36 =	vld [tilespmem:$0x10D80];
	[tilespmem:$0x11110] =	vst v22;
	v22 =	vadd.s32 v20, v23;
	v23 =	vshll.u32 v63, $0x5  }
0xe6: {  	v37 =	vld [tilespmem:$0x10D90];
	[tilespmem:$0x11120] =	vst v22;
	v22 =	vadd.s32 v21, v23;
	v23 =	vshll.u32 v32, $0x5  }
0xe7: {  	v38 =	vld [tilespmem:$0x10DA0];
	[tilespmem:$0x11130] =	vst v22;
	v22 =	vadd.s32 v20, v23;
	v23 =	vshll.u32 v33, $0x5  }
0xe8: {  	v39 =	vld [tilespmem:$0x10DB0];
	[tilespmem:$0x11140] =	vst v22;
	v22 =	vadd.s32 v21, v23;
	v23 =	vshll.u32 v34, $0x5  }
0xe9: {  	v40 =	vld [tilespmem:$0x10DC0];
	[tilespmem:$0x11150] =	vst v22;
	v22 =	vadd.s32 v20, v23;
	v23 =	vshll.u32 v35, $0x5  }
0xea: {  	v41 =	vld [tilespmem:$0x10DD0];
	[tilespmem:$0x11160] =	vst v22;
	v22 =	vadd.s32 v21, v23;
	v23 =	vshll.u32 v36, $0x5  }
0xeb: {  	v42 =	vld [tilespmem:$0x10DE0];
	[tilespmem:$0x11170] =	vst v22;
	v22 =	vadd.s32 v20, v23;
	v23 =	vshll.u32 v37, $0x5  }
0xec: {  	v43 =	vld [tilespmem:$0x10DF0];
	[tilespmem:$0x11180] =	vst v22;
	v22 =	vadd.s32 v21, v23;
	v23 =	vshll.u32 v38, $0x5  }
0xed: {  	v44 =	vld [tilespmem:$0x10E00];
	[tilespmem:$0x11190] =	vst v22;
	v22 =	vadd.s32 v20, v23;
	v23 =	vshll.u32 v39, $0x5  }
0xee: {  	v45 =	vld [tilespmem:$0x10E10];
	[tilespmem:$0x111A0] =	vst v22;
	v22 =	vadd.s32 v21, v23;
	v23 =	vshll.u32 v40, $0x5  }
0xef: {  	v46 =	vld [tilespmem:$0x10E20];
	[tilespmem:$0x111B0] =	vst v22;
	v22 =	vadd.s32 v20, v23;
	v23 =	vshll.u32 v41, $0x5  }
0xf0: {  	v47 =	vld [tilespmem:$0x10E30];
	[tilespmem:$0x111C0] =	vst v22;
	v22 =	vadd.s32 v21, v23;
	v23 =	vshll.u32 v42, $0x5  }
0xf1: {  	v48 =	vld [tilespmem:$0x10E40];
	[tilespmem:$0x111D0] =	vst v22;
	v22 =	vadd.s32 v20, v23;
	v23 =	vshll.u32 v43, $0x5  }
0xf2: {  	v49 =	vld [tilespmem:$0x10E50];
	[tilespmem:$0x111E0] =	vst v22;
	v22 =	vadd.s32 v21, v23;
	v23 =	vshll.u32 v44, $0x5  }
0xf3: {  	v50 =	vld [tilespmem:$0x10E60];
	[tilespmem:$0x111F0] =	vst v22;
	v22 =	vadd.s32 v20, v23;
	v23 =	vshll.u32 v45, $0x5  }
0xf4: {  	v51 =	vld [tilespmem:$0x10E70];
	[tilespmem:$0x11200] =	vst v22;
	v22 =	vadd.s32 v21, v23;
	v23 =	vshll.u32 v46, $0x5  }
0xf5: {  	v52 =	vld [tilespmem:$0x10E80];
	[tilespmem:$0x11210] =	vst v22;
	v22 =	vadd.s32 v20, v23;
	v23 =	vshll.u32 v47, $0x5  }
0xf6: {  	v53 =	vld [tilespmem:$0x10E90];
	[tilespmem:$0x11220] =	vst v22;
	v22 =	vadd.s32 v21, v23;
	v23 =	vshll.u32 v48, $0x5  }
0xf7: {  	v54 =	vld [tilespmem:$0x10EA0];
	[tilespmem:$0x11230] =	vst v22;
	v22 =	vadd.s32 v20, v23;
	v23 =	vshll.u32 v49, $0x5  }
0xf8: {  	v55 =	vld [tilespmem:$0x10EB0];
	[tilespmem:$0x11240] =	vst v22;
	v22 =	vadd.s32 v21, v23;
	v23 =	vshll.u32 v50, $0x5  }
0xf9: {  	v56 =	vld [tilespmem:$0x10EC0];
	[tilespmem:$0x11250] =	vst v22;
	v22 =	vadd.s32 v20, v23;
	v23 =	vshll.u32 v51, $0x5  }
0xfa: {  	v57 =	vld [tilespmem:$0x10ED0];
	[tilespmem:$0x11260] =	vst v22;
	v22 =	vadd.s32 v21, v23;
	v23 =	vshll.u32 v52, $0x5  }
0xfb: {  	v58 =	vld [tilespmem:$0x10EE0];
	[tilespmem:$0x11270] =	vst v22;
	v22 =	vadd.s32 v20, v23;
	v23 =	vshll.u32 v53, $0x5  }
0xfc: {  	v59 =	vld [tilespmem:$0x10EF0];
	[tilespmem:$0x11280] =	vst v22;
	v22 =	vadd.s32 v21, v23;
	v23 =	vshll.u32 v54, $0x5  }
0xfd: {  	v60 =	vld [tilespmem:$0x10F00];
	[tilespmem:$0x11290] =	vst v22;
	v22 =	vadd.s32 v20, v23;
	v23 =	vshll.u32 v55, $0x5  }
0xfe: {  	v61 =	vld [tilespmem:$0x10F10];
	[tilespmem:$0x112A0] =	vst v22;
	v22 =	vadd.s32 v21, v23;
	v23 =	vshll.u32 v56, $0x5  }
0xff: {  	v62 =	vld [tilespmem:$0x10F20];
	[tilespmem:$0x112B0] =	vst v22;
	v22 =	vadd.s32 v20, v23;
	v23 =	vshll.u32 v57, $0x5  }
0x100: {  	v63 =	vld [tilespmem:$0x10F30];
	[tilespmem:$0x112C0] =	vst v22;
	v22 =	vadd.s32 v21, v23;
	v23 =	vshll.u32 v58, $0x5  }
0x101: {  	v32 =	vld [tilespmem:$0x10F40];
	[tilespmem:$0x112D0] =	vst v22;
	v22 =	vadd.s32 v20, v23;
	v23 =	vshll.u32 v59, $0x5  }
0x102: {  	v33 =	vld [tilespmem:$0x10F50];
	[tilespmem:$0x112E0] =	vst v22;
	v22 =	vadd.s32 v21, v23;
	v23 =	vshll.u32 v60, $0x5  }
0x103: {  	v34 =	vld [tilespmem:$0x10F60];
	[tilespmem:$0x112F0] =	vst v22;
	v22 =	vadd.s32 v20, v23;
	v23 =	vshll.u32 v61, $0x5  }
0x104: {  	v35 =	vld [tilespmem:$0x10F70];
	[tilespmem:$0x11300] =	vst v22;
	v22 =	vadd.s32 v21, v23;
	v23 =	vshll.u32 v62, $0x5  }
0x105: {  	v36 =	vld [tilespmem:$0x10F80];
	[tilespmem:$0x11310] =	vst v22;
	v22 =	vadd.s32 v20, v23;
	v23 =	vshll.u32 v63, $0x5  }
0x106: {  	v37 =	vld [tilespmem:$0x10F90];
	[tilespmem:$0x11320] =	vst v22;
	v22 =	vadd.s32 v21, v23;
	v23 =	vshll.u32 v32, $0x5  }
0x107: {  	v38 =	vld [tilespmem:$0x10FA0];
	[tilespmem:$0x11330] =	vst v22;
	v22 =	vadd.s32 v20, v23;
	v23 =	vshll.u32 v33, $0x5  }
0x108: {  	v39 =	vld [tilespmem:$0x10FB0];
	[tilespmem:$0x11340] =	vst v22;
	v22 =	vadd.s32 v21, v23;
	v23 =	vshll.u32 v34, $0x5  }
0x109: {  	v40 =	vld [tilespmem:$0x10FC0];
	[tilespmem:$0x11350] =	vst v22;
	v22 =	vadd.s32 v20, v23;
	v23 =	vshll.u32 v35, $0x5  }
0x10a: {  	v41 =	vld [tilespmem:$0x10FD0];
	[tilespmem:$0x11360] =	vst v22;
	v22 =	vadd.s32 v21, v23;
	v23 =	vshll.u32 v36, $0x5  }
0x10b: {  	v42 =	vld [tilespmem:$0x10FE0];
	[tilespmem:$0x11370] =	vst v22;
	v22 =	vadd.s32 v20, v23;
	v23 =	vshll.u32 v37, $0x5  }
0x10c: {  	v43 =	vld [tilespmem:$0x10FF0];
	[tilespmem:$0x11380] =	vst v22;
	v22 =	vadd.s32 v21, v23;
	v23 =	vshll.u32 v38, $0x5  }
0x10d: {  	[tilespmem:$0x11390] =	vst v22;
	v22 =	vadd.s32 v20, v23;
	v23 =	vshll.u32 v39, $0x5  }
0x10e: {  	[tilespmem:$0x113A0] =	vst v22;
	v22 =	vadd.s32 v21, v23;
	v23 =	vshll.u32 v40, $0x5  }
0x10f: {  	[tilespmem:$0x113B0] =	vst v22;
	v22 =	vadd.s32 v20, v23;
	v23 =	vshll.u32 v41, $0x5  }
0x110: {  	[tilespmem:$0x113C0] =	vst v22;
	v22 =	vadd.s32 v21, v23;
	v23 =	vshll.u32 v42, $0x5  }
0x111: {  	[tilespmem:$0x113D0] =	vst v22;
	v20 =	vadd.s32 v20, v23;
	v22 =	vshll.u32 v43, $0x5  }
0x112: {  	[tilespmem:$0x113E0] =	vst v20;
	v20 =	vadd.s32 v21, v22  }
0x113: {  	s18 =	simm.s32 $0x11000;
	s10 =	simm.s32 $0x11400;
	[tilespmem:$0x113F0] =	vst v20  }
0x114: {  	[tilespmem:s10], [sflag:$0x1] =	stream.indirect.gather [hbm4b:s5+s16], $0x1, s18, s16, $0xb8;
	[tilespmem:$0x12100] =	vst v63  }
0x115: {  	s19 =	simm.s32 $0x11080;
	s20 =	simm.s32 $0x11480  }
0x116: {  	[tilespmem:s20], [sflag:$0x1] =	stream.indirect.gather [hbm4b:s5+s16], $0x1, s19, s16, $0xb8;
	[tilespmem:$0x12100] =	vst v63  }
0x117: {  	s21 =	simm.s32 $0x11100;
	s22 =	simm.s32 $0x11500  }
0x118: {  	[tilespmem:s22], [sflag:$0x1] =	stream.indirect.gather [hbm4b:s5+s16], $0x1, s21, s16, $0xb8;
	[tilespmem:$0x12100] =	vst v63  }
0x119: {  	s23 =	simm.s32 $0x11180;
	s24 =	simm.s32 $0x11580  }
0x11a: {  	[tilespmem:s24], [sflag:$0x1] =	stream.indirect.gather [hbm4b:s5+s16], $0x1, s23, s16, $0xb8;
	[tilespmem:$0x12100] =	vst v63  }
0x11b: {  	s25 =	simm.s32 $0x11200  }
0x11c: {  	[tilespmem:s26], [sflag:$0x1] =	stream.indirect.gather [hbm4b:s5+s16], $0x1, s25, s16, $0xb8;
	[tilespmem:$0x12100] =	vst v63  }
0x11d: {  	_ = 	snop  }
0x11e: {  	[tilespmem:s29], [sflag:$0x1] =	stream.indirect.gather [hbm4b:s5+s16], $0x1, s28, s16, $0xb8;
	[tilespmem:$0x12100] =	vst v63  }
0x11f: {  	_ = 	snop  }
0x120: {  	[tilespmem:s31], [sflag:$0x1] =	stream.indirect.gather [hbm4b:s5+s16], $0x1, s30, s16, $0xb8;
	[tilespmem:$0x12100] =	vst v63  }
0x121: {  	_ = 	snop  }
0x122: {  	[tilespmem:s4], [sflag:$0x1] =	stream.indirect.gather [hbm4b:s5+s16], $0x1, s0, s16, $0xb8;
	[tilespmem:$0x12100] =	vst v63  }
0x123: {  	_ =	swait.ge [sflag:s15], $0x80  }
0x124: {  	[sflag:s15] =	ssyncset.done $0x0  }
0x125: {  	[sflag:s15] =	ssyncadd.s32 $0xFFFFFF80  }
0x126: {  	_ =	swait.ge [sflag:s15], $0x80  }
0x127: {  	[sflag:s15] =	ssyncset.done $0x0  }
0x128: {  	[sflag:s15] =	ssyncadd.s32 $0xFFFFFF80  }
0x129: {  	_ =	swait.ge [sflag:s15], $0x80  }
0x12a: {  	[sflag:s15] =	ssyncset.done $0x0  }
0x12b: {  	[sflag:s15] =	ssyncadd.s32 $0xFFFFFF80  }
0x12c: {  	_ =	swait.ge [sflag:s15], $0x80  }
0x12d: {  	[sflag:s15] =	ssyncset.done $0x0  }
0x12e: {  	[sflag:s15] =	ssyncadd.s32 $0xFFFFFF80  }
0x12f: {  	_ =	swait.ge [sflag:s15], $0x80  }
0x130: {  	[sflag:s15] =	ssyncset.done $0x0  }
0x131: {  	[sflag:s15] =	ssyncadd.s32 $0xFFFFFF80  }
0x132: {  	_ =	swait.ge [sflag:s15], $0x80  }
0x133: {  	[sflag:s15] =	ssyncset.done $0x0  }
0x134: {  	[sflag:s15] =	ssyncadd.s32 $0xFFFFFF80  }
0x135: {  	_ =	swait.ge [sflag:s15], $0x80  }
0x136: {  	[sflag:s15] =	ssyncset.done $0x0  }
0x137: {  	[sflag:s15] =	ssyncadd.s32 $0xFFFFFF80  }
0x138: {  	_ =	swait.ge [sflag:s15], $0x80  }
0x139: {  	[sflag:s15] =	ssyncset.done $0x0  }
0x13a: {  	s10 =	simm.s32 $0x0;
	[sflag:s15] =	ssyncadd.s32 $0xFFFFFF80  }
0x13b: {  	v21 =	vld [tilespmem:s10+$0x11800]  }
0x13c: {  	v20 =	vld [tilespmem:s10+$0x11810]  }
0x13d: {  	v22 =	vld [tilespmem:$0x11400]  }
0x13e: {  	v23 =	vld [tilespmem:$0x11410]  }
0x13f: {  	v44 =	vld [tilespmem:$0x11420]  }
0x140: {  	v45 =	vld [tilespmem:$0x11430];
	v46 =	vperm.xlane v21, v1  }
0x141: {  	v47 =	vld [tilespmem:$0x11440]  }
0x142: {  	v48 =	vld [tilespmem:$0x11450];
	v29 =	vperm.xlane v21, v4;
	v22 =	vmul.f32 v22, v46  }
0x143: {  	v49 =	vld [tilespmem:$0x11460];
	v23 =	vmul.f32 v23, v46  }
0x144: {  	v30 =	vld [tilespmem:$0x11470];
	v31 =	vperm.xlane v21, v5;
	v24 =	vmul.f32 v44, v29;
	v22 =	vadd.f32 $0.0e+00, v22  }
0x145: {  	v50 =	vld [tilespmem:$0x11480];
	v25 =	vmul.f32 v45, v29;
	v23 =	vadd.f32 $0.0e+00, v23  }
0x146: {  	v32 =	vld [tilespmem:$0x11490];
	v33 =	vperm.xlane v21, v6;
	v51 =	vmul.f32 v47, v31;
	v22 =	vadd.f32 v24, v22  }
0x147: {  	v53 =	vld [tilespmem:$0x114A0];
	v52 =	vmul.f32 v48, v31;
	v23 =	vadd.f32 v25, v23  }
0x148: {  	v54 =	vld [tilespmem:$0x114B0];
	v55 =	vperm.xlane v21, v7;
	v56 =	vmul.f32 v49, v33;
	v22 =	vadd.f32 v51, v22  }
0x149: {  	v58 =	vld [tilespmem:$0x114C0];
	v57 =	vmul.f32 v30, v33;
	v23 =	vadd.f32 v52, v23  }
0x14a: {  	v59 =	vld [tilespmem:$0x114D0];
	v60 =	vperm.xlane v21, v8;
	v61 =	vmul.f32 v50, v55;
	v22 =	vadd.f32 v56, v22  }
0x14b: {  	v63 =	vld [tilespmem:$0x114E0];
	v62 =	vmul.f32 v32, v55;
	v23 =	vadd.f32 v57, v23  }
0x14c: {  	v36 =	vld [tilespmem:$0x114F0];
	v37 =	vperm.xlane v21, v9;
	v38 =	vmul.f32 v53, v60;
	v22 =	vadd.f32 v61, v22  }
0x14d: {  	v40 =	vld [tilespmem:$0x11500];
	v39 =	vmul.f32 v54, v60;
	v23 =	vadd.f32 v62, v23  }
0x14e: {  	v41 =	vld [tilespmem:$0x11510];
	v42 =	vperm.xlane v21, v10;
	v43 =	vmul.f32 v58, v37;
	v22 =	vadd.f32 v38, v22  }
0x14f: {  	v44 =	vmul.f32 v59, v37;
	v45 =	vld [tilespmem:$0x11520];
	v23 =	vadd.f32 v39, v23  }
0x150: {  	v46 =	vld [tilespmem:$0x11530];
	v47 =	vperm.xlane v21, v11;
	v48 =	vmul.f32 v63, v42;
	v22 =	vadd.f32 v43, v22  }
0x151: {  	v49 =	vmul.f32 v36, v42;
	v50 =	vld [tilespmem:$0x11540];
	v23 =	vadd.f32 v44, v23  }
0x152: {  	v53 =	vmul.f32 v40, v47;
	v51 =	vld [tilespmem:$0x11550];
	v52 =	vperm.xlane v21, v12;
	v22 =	vadd.f32 v48, v22  }
0x153: {  	v55 =	vld [tilespmem:$0x11560];
	v54 =	vmul.f32 v41, v47;
	v23 =	vadd.f32 v49, v23  }
0x154: {  	v56 =	vld [tilespmem:$0x11570];
	v57 =	vperm.xlane v21, v13;
	v58 =	vmul.f32 v45, v52;
	v22 =	vadd.f32 v53, v22  }
0x155: {  	v60 =	vld [tilespmem:$0x11580];
	v59 =	vmul.f32 v46, v52;
	v23 =	vadd.f32 v54, v23  }
0x156: {  	v61 =	vld [tilespmem:$0x11590];
	v62 =	vperm.xlane v21, v14;
	v63 =	vmul.f32 v50, v57;
	v22 =	vadd.f32 v58, v22  }
0x157: {  	v37 =	vld [tilespmem:$0x115A0];
	v36 =	vmul.f32 v51, v57;
	v23 =	vadd.f32 v59, v23  }
0x158: {  	v38 =	vld [tilespmem:$0x115B0];
	v39 =	vperm.xlane v21, v15;
	v40 =	vmul.f32 v55, v62;
	v22 =	vadd.f32 v63, v22  }
0x159: {  	v42 =	vld [tilespmem:$0x115C0];
	v41 =	vmul.f32 v56, v62;
	v23 =	vadd.f32 v36, v23  }
0x15a: {  	v43 =	vld [tilespmem:$0x115D0];
	v44 =	vperm.xlane v21, v16;
	v45 =	vmul.f32 v60, v39;
	v22 =	vadd.f32 v40, v22  }
0x15b: {  	v47 =	vld [tilespmem:$0x115E0];
	v46 =	vmul.f32 v61, v39;
	v23 =	vadd.f32 v41, v23  }
0x15c: {  	v48 =	vld [tilespmem:$0x115F0];
	v49 =	vperm.xlane v21, v17;
	v50 =	vmul.f32 v37, v44;
	v22 =	vadd.f32 v45, v22  }
0x15d: {  	v52 =	vld [tilespmem:$0x11600];
	v51 =	vmul.f32 v38, v44;
	v23 =	vadd.f32 v46, v23  }
0x15e: {  	v21 =	vperm.xlane v21, v3;
	v53 =	vld [tilespmem:$0x11610];
	v54 =	vmul.f32 v42, v49;
	v22 =	vadd.f32 v50, v22  }
0x15f: {  	v56 =	vld [tilespmem:$0x11620];
	v55 =	vmul.f32 v43, v49;
	v23 =	vadd.f32 v51, v23  }
0x160: {  	v57 =	vld [tilespmem:$0x11630];
	v58 =	vperm.xlane v20, v1;
	v59 =	vmul.f32 v47, v21;
	v22 =	vadd.f32 v54, v22  }
0x161: {  	v60 =	vld [tilespmem:$0x11640];
	v21 =	vmul.f32 v48, v21;
	v23 =	vadd.f32 v55, v23  }
0x162: {  	v62 =	vperm.xlane v20, v4;
	v61 =	vld [tilespmem:$0x11650];
	v63 =	vmul.f32 v52, v58;
	v22 =	vadd.f32 v59, v22  }
0x163: {  	v36 =	vmul.f32 v53, v58;
	v21 =	vadd.f32 v21, v23;
	v23 =	vld [tilespmem:$0x11660]  }
0x164: {  	v37 =	vld [tilespmem:$0x11670];
	v38 =	vperm.xlane v20, v5;
	v39 =	vmul.f32 v56, v62;
	v22 =	vadd.f32 v63, v22  }
0x165: {  	v40 =	vmul.f32 v57, v62;
	v41 =	vld [tilespmem:$0x11680];
	v21 =	vadd.f32 v36, v21  }
0x166: {  	v42 =	vld [tilespmem:$0x11690];
	v43 =	vperm.xlane v20, v6;
	v44 =	vmul.f32 v60, v38;
	v22 =	vadd.f32 v39, v22  }
0x167: {  	v45 =	vmul.f32 v61, v38;
	v46 =	vld [tilespmem:$0x116A0];
	v21 =	vadd.f32 v40, v21  }
0x168: {  	v47 =	vld [tilespmem:$0x116B0];
	v48 =	vperm.xlane v20, v7;
	v23 =	vmul.f32 v23, v43;
	v22 =	vadd.f32 v44, v22  }
0x169: {  	v49 =	vmul.f32 v37, v43;
	v50 =	vld [tilespmem:$0x116C0];
	v21 =	vadd.f32 v45, v21  }
0x16a: {  	v52 =	vperm.xlane v20, v8;
	v51 =	vld [tilespmem:$0x116D0];
	v22 =	vadd.f32 v23, v22;
	v23 =	vmul.f32 v41, v48  }
0x16b: {  	v53 =	vmul.f32 v42, v48;
	v54 =	vld [tilespmem:$0x116E0];
	v21 =	vadd.f32 v49, v21  }
0x16c: {  	v56 =	vperm.xlane v20, v9;
	v55 =	vld [tilespmem:$0x116F0];
	v22 =	vadd.f32 v23, v22;
	v23 =	vmul.f32 v46, v52  }
0x16d: {  	v58 =	vld [tilespmem:$0x11700];
	v57 =	vmul.f32 v47, v52;
	v21 =	vadd.f32 v53, v21  }
0x16e: {  	v60 =	vperm.xlane v20, v10;
	v59 =	vld [tilespmem:$0x11710];
	v22 =	vadd.f32 v23, v22;
	v23 =	vmul.f32 v50, v56  }
0x16f: {  	v62 =	vld [tilespmem:$0x11720];
	v61 =	vmul.f32 v51, v56;
	v21 =	vadd.f32 v57, v21  }
0x170: {  	v63 =	vld [tilespmem:$0x11730];
	v36 =	vperm.xlane v20, v11;
	v22 =	vadd.f32 v23, v22;
	v23 =	vmul.f32 v54, v60  }
0x171: {  	v38 =	vld [tilespmem:$0x11740];
	v37 =	vmul.f32 v55, v60;
	v21 =	vadd.f32 v61, v21  }
0x172: {  	v39 =	vld [tilespmem:$0x11750];
	v40 =	vperm.xlane v20, v12;
	v22 =	vadd.f32 v23, v22;
	v23 =	vmul.f32 v58, v36  }
0x173: {  	v42 =	vld [tilespmem:$0x11760];
	v41 =	vmul.f32 v59, v36;
	v21 =	vadd.f32 v37, v21  }
0x174: {  	v43 =	vld [tilespmem:$0x11770];
	v44 =	vperm.xlane v20, v13;
	v22 =	vadd.f32 v23, v22;
	v23 =	vmul.f32 v62, v40  }
0x175: {  	v45 =	vmul.f32 v63, v40;
	v46 =	vld [tilespmem:$0x11780];
	v21 =	vadd.f32 v41, v21  }
0x176: {  	v47 =	vld [tilespmem:$0x11790];
	v48 =	vperm.xlane v20, v14;
	v22 =	vadd.f32 v23, v22;
	v23 =	vmul.f32 v38, v44  }
0x177: {  	v49 =	vmul.f32 v39, v44;
	v50 =	vld [tilespmem:$0x117A0];
	v21 =	vadd.f32 v45, v21  }
0x178: {  	v51 =	vld [tilespmem:$0x117B0];
	v52 =	vperm.xlane v20, v15;
	v22 =	vadd.f32 v23, v22;
	v23 =	vmul.f32 v42, v48  }
0x179: {  	v53 =	vmul.f32 v43, v48;
	v54 =	vld [tilespmem:$0x117C0];
	v21 =	vadd.f32 v49, v21  }
0x17a: {  	v55 =	vld [tilespmem:$0x117D0];
	v56 =	vperm.xlane v20, v16;
	v22 =	vadd.f32 v23, v22;
	v23 =	vmul.f32 v46, v52  }
0x17b: {  	v57 =	vmul.f32 v47, v52;
	v58 =	vld [tilespmem:$0x117E0];
	v21 =	vadd.f32 v53, v21  }
0x17c: {  	v59 =	vperm.xlane v20, v17;
	v60 =	vld [tilespmem:$0x117F0];
	v22 =	vadd.f32 v23, v22;
	v23 =	vmul.f32 v50, v56  }
0x17d: {  	v29 =	vmul.f32 v51, v56;
	v21 =	vadd.f32 v57, v21  }
0x17e: {  	v20 =	vperm.xlane v20, v3;
	v22 =	vadd.f32 v23, v22;
	v23 =	vmul.f32 v54, v59  }
0x17f: {  	v61 =	vmul.f32 v55, v59;
	v27 =	vadd.f32 v29, v21  }
0x180: {  	v22 =	vadd.f32 v23, v22;
	v23 =	vmul.f32 v58, v20  }
0x181: {  	v62 =	vmul.f32 v60, v20;
	v63 =	vadd.f32 v61, v27  }
0x182: {  	s9 =	simm.s32 $0x20;
	v23 =	vadd.f32 v23, v22  }
0x183: {  	v21 =	vld [tilespmem:s9+$0x11800];
	v22 =	vadd.f32 v62, v63  }
0x184: {  	s17 =	simm.s32 $0x100;
	s18 =	simm.s32 $0x180;
	v20 =	vld [tilespmem:s9+$0x11810];
	[tilespmem:s10+$0x11C00] =	vst v23  }
.LBB2_21:
0x185: {  	p0 =	sne.s32 s18, $0xF80;
	[tilespmem:s10+$0x11C10] =	vst v22;
	s10 =	smov.u32 s9  }
0x186: {  	s9 =	sshra.s32 s17, $0x2;
	s17 =	smov.u32 s18;
	s18 =	sadd.s32 $0x80, s18  }
0x187: {  	v22 =	vld [tilespmem:$0x11430]  }
0x188: {  	v23 =	vld [tilespmem:$0x11400]  }
0x189: {  	v24 =	vld [tilespmem:$0x11410]  }
0x18a: {  	v25 =	vld [tilespmem:$0x11420]  }
0x18b: {  	v26 =	vperm.xlane v21, v1;
	v27 =	vld [tilespmem:$0x11450]  }
0x18c: {  	v28 =	vld [tilespmem:$0x11440]  }
0x18d: {  	v29 =	vperm.xlane v21, v4;
	v23 =	vmul.f32 v23, v26;
	v30 =	vld [tilespmem:$0x11470]  }
0x18e: {  	v24 =	vmul.f32 v24, v26;
	v26 =	vperm.xlane v21, v5;
	v31 =	vld [tilespmem:$0x11460]  }
0x18f: {  	v22 =	vmul.f32 v22, v29;
	v23 =	vadd.f32 $0.0e+00, v23;
	v25 =	vmul.f32 v25, v29;
	v29 =	vld [tilespmem:$0x11490]  }
0x190: {  	v32 =	vperm.xlane v21, v6;
	v24 =	vadd.f32 $0.0e+00, v24;
	v33 =	vld [tilespmem:$0x11480]  }
0x191: {  	v23 =	vadd.f32 v25, v23;
	v25 =	vmul.f32 v28, v26;
	v26 =	vmul.f32 v27, v26;
	v27 =	vld [tilespmem:$0x114B0]  }
0x192: {  	v22 =	vadd.f32 v22, v24;
	v24 =	vperm.xlane v21, v7;
	v28 =	vld [tilespmem:$0x114A0]  }
0x193: {  	v30 =	vmul.f32 v30, v32;
	v23 =	vadd.f32 v25, v23;
	v25 =	vmul.f32 v31, v32;
	v31 =	vld [tilespmem:$0x114D0]  }
0x194: {  	v22 =	vadd.f32 v26, v22;
	v26 =	vperm.xlane v21, v8;
	v32 =	vld [tilespmem:$0x114C0]  }
0x195: {  	v23 =	vadd.f32 v25, v23;
	v25 =	vmul.f32 v33, v24;
	v24 =	vmul.f32 v29, v24;
	v29 =	vld [tilespmem:$0x114F0]  }
0x196: {  	v22 =	vadd.f32 v30, v22;
	v30 =	vperm.xlane v21, v9;
	v33 =	vld [tilespmem:$0x114E0]  }
0x197: {  	v23 =	vadd.f32 v25, v23;
	v25 =	vmul.f32 v28, v26;
	v26 =	vmul.f32 v27, v26;
	v27 =	vld [tilespmem:$0x11510]  }
0x198: {  	v22 =	vadd.f32 v24, v22;
	v24 =	vperm.xlane v21, v10;
	v28 =	vld [tilespmem:$0x11500]  }
0x199: {  	v23 =	vadd.f32 v25, v23;
	v25 =	vmul.f32 v32, v30;
	v30 =	vmul.f32 v31, v30;
	v31 =	vld [tilespmem:$0x11530]  }
0x19a: {  	v22 =	vadd.f32 v26, v22;
	v26 =	vperm.xlane v21, v11;
	v32 =	vld [tilespmem:$0x11520]  }
0x19b: {  	v23 =	vadd.f32 v25, v23;
	v25 =	vmul.f32 v33, v24;
	v24 =	vmul.f32 v29, v24;
	v29 =	vld [tilespmem:$0x11550]  }
0x19c: {  	v22 =	vadd.f32 v30, v22;
	v30 =	vperm.xlane v21, v12;
	v33 =	vld [tilespmem:$0x11540]  }
0x19d: {  	v23 =	vadd.f32 v25, v23;
	v25 =	vmul.f32 v28, v26;
	v26 =	vmul.f32 v27, v26;
	v27 =	vld [tilespmem:$0x11570]  }
0x19e: {  	v22 =	vadd.f32 v24, v22;
	v24 =	vperm.xlane v21, v13;
	v28 =	vld [tilespmem:$0x11560]  }
0x19f: {  	v23 =	vadd.f32 v25, v23;
	v25 =	vmul.f32 v32, v30;
	v30 =	vmul.f32 v31, v30;
	v31 =	vld [tilespmem:$0x11590]  }
0x1a0: {  	v22 =	vadd.f32 v26, v22;
	v26 =	vperm.xlane v21, v14;
	v32 =	vld [tilespmem:$0x11580]  }
0x1a1: {  	v23 =	vadd.f32 v25, v23;
	v25 =	vmul.f32 v33, v24;
	v24 =	vmul.f32 v29, v24;
	v29 =	vld [tilespmem:$0x115B0]  }
0x1a2: {  	v22 =	vadd.f32 v30, v22;
	v30 =	vperm.xlane v21, v15;
	v33 =	vld [tilespmem:$0x115A0]  }
0x1a3: {  	v23 =	vadd.f32 v25, v23;
	v25 =	vmul.f32 v28, v26;
	v26 =	vmul.f32 v27, v26;
	v27 =	vld [tilespmem:$0x115D0]  }
0x1a4: {  	v22 =	vadd.f32 v24, v22;
	v24 =	vperm.xlane v21, v16;
	v28 =	vld [tilespmem:$0x115C0]  }
0x1a5: {  	v23 =	vadd.f32 v25, v23;
	v25 =	vmul.f32 v32, v30;
	v30 =	vmul.f32 v31, v30;
	v31 =	vld [tilespmem:$0x115F0]  }
0x1a6: {  	v22 =	vadd.f32 v26, v22;
	v26 =	vperm.xlane v21, v17;
	v32 =	vld [tilespmem:$0x115E0]  }
0x1a7: {  	v23 =	vadd.f32 v25, v23;
	v25 =	vmul.f32 v33, v24;
	v24 =	vmul.f32 v29, v24;
	v29 =	vld [tilespmem:$0x11610]  }
0x1a8: {  	v21 =	vperm.xlane v21, v3;
	v22 =	vadd.f32 v30, v22;
	v30 =	vld [tilespmem:$0x11600]  }
0x1a9: {  	v23 =	vadd.f32 v25, v23;
	v25 =	vmul.f32 v28, v26;
	v26 =	vmul.f32 v27, v26;
	v27 =	vld [tilespmem:$0x11630]  }
0x1aa: {  	v22 =	vadd.f32 v24, v22;
	v24 =	vperm.xlane v20, v1;
	v28 =	vld [tilespmem:$0x11620]  }
0x1ab: {  	v23 =	vadd.f32 v25, v23;
	v25 =	vmul.f32 v32, v21;
	v21 =	vmul.f32 v31, v21;
	v31 =	vld [tilespmem:$0x11650]  }
0x1ac: {  	v22 =	vadd.f32 v26, v22;
	v26 =	vperm.xlane v20, v4;
	v32 =	vld [tilespmem:$0x11640]  }
0x1ad: {  	v23 =	vadd.f32 v25, v23;
	v25 =	vmul.f32 v30, v24;
	v24 =	vmul.f32 v29, v24;
	v29 =	vld [tilespmem:$0x11670]  }
0x1ae: {  	v21 =	vadd.f32 v21, v22;
	v22 =	vperm.xlane v20, v5;
	v30 =	vld [tilespmem:$0x11660]  }
0x1af: {  	v23 =	vadd.f32 v25, v23;
	v25 =	vmul.f32 v28, v26;
	v26 =	vmul.f32 v27, v26;
	v27 =	vld [tilespmem:$0x11690]  }
0x1b0: {  	v21 =	vadd.f32 v24, v21;
	v24 =	vperm.xlane v20, v6;
	v28 =	vld [tilespmem:$0x11680]  }
0x1b1: {  	v23 =	vadd.f32 v25, v23;
	v25 =	vmul.f32 v32, v22;
	v22 =	vmul.f32 v31, v22;
	v31 =	vld [tilespmem:$0x116B0]  }
0x1b2: {  	v21 =	vadd.f32 v26, v21;
	v26 =	vperm.xlane v20, v7;
	v32 =	vld [tilespmem:$0x116A0]  }
0x1b3: {  	v23 =	vadd.f32 v25, v23;
	v25 =	vmul.f32 v30, v24;
	v24 =	vmul.f32 v29, v24;
	v29 =	vld [tilespmem:$0x116D0]  }
0x1b4: {  	v21 =	vadd.f32 v22, v21;
	v22 =	vperm.xlane v20, v8;
	v30 =	vld [tilespmem:$0x116C0]  }
0x1b5: {  	v23 =	vadd.f32 v25, v23;
	v25 =	vmul.f32 v28, v26;
	v26 =	vmul.f32 v27, v26;
	v27 =	vld [tilespmem:$0x116F0]  }
0x1b6: {  	v21 =	vadd.f32 v24, v21;
	v24 =	vperm.xlane v20, v9;
	v28 =	vld [tilespmem:$0x116E0]  }
0x1b7: {  	v23 =	vadd.f32 v25, v23;
	v25 =	vmul.f32 v32, v22;
	v22 =	vmul.f32 v31, v22;
	v31 =	vld [tilespmem:$0x11710]  }
0x1b8: {  	v21 =	vadd.f32 v26, v21;
	v26 =	vperm.xlane v20, v10;
	v32 =	vld [tilespmem:$0x11700]  }
0x1b9: {  	v23 =	vadd.f32 v25, v23;
	v25 =	vmul.f32 v30, v24;
	v24 =	vmul.f32 v29, v24;
	v29 =	vld [tilespmem:$0x11730]  }
0x1ba: {  	v21 =	vadd.f32 v22, v21;
	v22 =	vperm.xlane v20, v11;
	v30 =	vld [tilespmem:$0x11720]  }
0x1bb: {  	v23 =	vadd.f32 v25, v23;
	v25 =	vmul.f32 v28, v26;
	v26 =	vmul.f32 v27, v26;
	v27 =	vld [tilespmem:$0x11750]  }
0x1bc: {  	v21 =	vadd.f32 v24, v21;
	v24 =	vperm.xlane v20, v12;
	v28 =	vld [tilespmem:$0x11740]  }
0x1bd: {  	v23 =	vadd.f32 v25, v23;
	v25 =	vmul.f32 v32, v22;
	v22 =	vmul.f32 v31, v22;
	v31 =	vld [tilespmem:$0x11770]  }
0x1be: {  	v21 =	vadd.f32 v26, v21;
	v26 =	vperm.xlane v20, v13;
	v32 =	vld [tilespmem:$0x11760]  }
0x1bf: {  	v23 =	vadd.f32 v25, v23;
	v25 =	vmul.f32 v30, v24;
	v24 =	vmul.f32 v29, v24;
	v29 =	vld [tilespmem:$0x11790]  }
0x1c0: {  	v21 =	vadd.f32 v22, v21;
	v22 =	vperm.xlane v20, v14;
	v30 =	vld [tilespmem:$0x11780]  }
0x1c1: {  	v23 =	vadd.f32 v25, v23;
	v25 =	vmul.f32 v28, v26;
	v26 =	vmul.f32 v27, v26;
	v27 =	vld [tilespmem:$0x117B0]  }
0x1c2: {  	v21 =	vadd.f32 v24, v21;
	v24 =	vperm.xlane v20, v15;
	v28 =	vld [tilespmem:$0x117A0]  }
0x1c3: {  	v23 =	vadd.f32 v25, v23;
	v25 =	vmul.f32 v32, v22;
	v22 =	vmul.f32 v31, v22;
	v31 =	vld [tilespmem:$0x117D0]  }
0x1c4: {  	v21 =	vadd.f32 v26, v21;
	v26 =	vperm.xlane v20, v16;
	v32 =	vld [tilespmem:$0x117C0]  }
0x1c5: {  	v23 =	vadd.f32 v25, v23;
	v25 =	vmul.f32 v30, v24;
	v24 =	vmul.f32 v29, v24;
	v29 =	vld [tilespmem:$0x117F0]  }
0x1c6: {  	v30 =	vperm.xlane v20, v17;
	v22 =	vadd.f32 v22, v21;
	v33 =	vld [tilespmem:$0x117E0]  }
0x1c7: {  	v21 =	vld [tilespmem:s9+$0x11800];
	v23 =	vadd.f32 v25, v23;
	v25 =	vmul.f32 v28, v26;
	v26 =	vmul.f32 v27, v26  }
0x1c8: {  	v22 =	vadd.f32 v24, v22;
	v24 =	vperm.xlane v20, v3;
	v20 =	vld [tilespmem:s9+$0x11810]  }
0x1c9: {  	v27 =	vmul.f32 v31, v30;
	v23 =	vadd.f32 v25, v23;
	v25 =	vmul.f32 v32, v30  }
0x1ca: {  	v22 =	vadd.f32 v26, v22  }
.Ltmp17:
0x1cb: {  	v23 =	vadd.f32 v25, v23;
	v25 =	vmul.f32 v33, v24;
	v24 =	vmul.f32 v29, v24;
	(pc) =	sbr.rel @p0 .LBB2_21-.Ltmp17, $4  }
0x1cc: {  	v22 =	vadd.f32 v27, v22  }
0x1cd: {  	v23 =	vadd.f32 v25, v23  }
0x1ce: {  	v22 =	vadd.f32 v24, v22  }
0x1cf: {  	[tilespmem:s10+$0x11C00] =	vst v23  }
0x1d0: {  	[tilespmem:s10+$0x11C10] =	vst v22  }
0x1d1: {  	v22 =	vld [tilespmem:$0x11400]  }
0x1d2: {  	v23 =	vld [tilespmem:$0x11410]  }
0x1d3: {  	v24 =	vld [tilespmem:$0x11420]  }
0x1d4: {  	v26 =	vperm.xlane v21, v1;
	v25 =	vld [tilespmem:$0x11430]  }
0x1d5: {  	v27 =	vld [tilespmem:$0x11440]  }
0x1d6: {  	v29 =	vperm.xlane v21, v4;
	v28 =	vld [tilespmem:$0x11450];
	v22 =	vmul.f32 v22, v26  }
0x1d7: {  	v53 =	vld [tilespmem:$0x11460];
	v23 =	vmul.f32 v23, v26  }
0x1d8: {  	v31 =	vperm.xlane v21, v5;
	v30 =	vld [tilespmem:$0x11470];
	v24 =	vmul.f32 v24, v29;
	v22 =	vadd.f32 $0.0e+00, v22  }
0x1d9: {  	v54 =	vld [tilespmem:$0x11480];
	v25 =	vmul.f32 v25, v29;
	v23 =	vadd.f32 $0.0e+00, v23  }
0x1da: {  	v33 =	vperm.xlane v21, v6;
	v32 =	vld [tilespmem:$0x11490];
	v55 =	vmul.f32 v27, v31;
	v22 =	vadd.f32 v24, v22  }
0x1db: {  	v57 =	vld [tilespmem:$0x114A0];
	v56 =	vmul.f32 v28, v31;
	v23 =	vadd.f32 v25, v23  }
0x1dc: {  	v59 =	vperm.xlane v21, v7;
	v58 =	vld [tilespmem:$0x114B0];
	v60 =	vmul.f32 v53, v33;
	v22 =	vadd.f32 v55, v22  }
0x1dd: {  	v62 =	vld [tilespmem:$0x114C0];
	v61 =	vmul.f32 v30, v33;
	v23 =	vadd.f32 v56, v23  }
0x1de: {  	v36 =	vperm.xlane v21, v8;
	v63 =	vld [tilespmem:$0x114D0];
	v37 =	vmul.f32 v54, v59;
	v22 =	vadd.f32 v60, v22  }
0x1df: {  	v39 =	vld [tilespmem:$0x114E0];
	v38 =	vmul.f32 v32, v59;
	v23 =	vadd.f32 v61, v23  }
0x1e0: {  	v41 =	vperm.xlane v21, v9;
	v40 =	vld [tilespmem:$0x114F0];
	v42 =	vmul.f32 v57, v36;
	v22 =	vadd.f32 v37, v22  }
0x1e1: {  	v44 =	vld [tilespmem:$0x11500];
	v43 =	vmul.f32 v58, v36;
	v23 =	vadd.f32 v38, v23  }
0x1e2: {  	v46 =	vperm.xlane v21, v10;
	v45 =	vld [tilespmem:$0x11510];
	v47 =	vmul.f32 v62, v41;
	v22 =	vadd.f32 v42, v22  }
0x1e3: {  	v49 =	vld [tilespmem:$0x11520];
	v48 =	vmul.f32 v63, v41;
	v23 =	vadd.f32 v43, v23  }
0x1e4: {  	v51 =	vperm.xlane v21, v11;
	v50 =	vld [tilespmem:$0x11530];
	v52 =	vmul.f32 v39, v46;
	v22 =	vadd.f32 v47, v22  }
0x1e5: {  	v53 =	vmul.f32 v40, v46;
	v54 =	vld [tilespmem:$0x11540];
	v23 =	vadd.f32 v48, v23  }
0x1e6: {  	v57 =	vmul.f32 v44, v51;
	v55 =	vld [tilespmem:$0x11550];
	v56 =	vperm.xlane v21, v12;
	v22 =	vadd.f32 v52, v22  }
0x1e7: {  	v58 =	vmul.f32 v45, v51;
	v59 =	vld [tilespmem:$0x11560];
	v23 =	vadd.f32 v53, v23  }
0x1e8: {  	v60 =	vld [tilespmem:$0x11570];
	v61 =	vperm.xlane v21, v13;
	v62 =	vmul.f32 v49, v56;
	v22 =	vadd.f32 v57, v22  }
0x1e9: {  	v36 =	vld [tilespmem:$0x11580];
	v63 =	vmul.f32 v50, v56;
	v23 =	vadd.f32 v58, v23  }
0x1ea: {  	v37 =	vld [tilespmem:$0x11590];
	v38 =	vperm.xlane v21, v14;
	v39 =	vmul.f32 v54, v61;
	v22 =	vadd.f32 v62, v22  }
0x1eb: {  	v41 =	vld [tilespmem:$0x115A0];
	v40 =	vmul.f32 v55, v61;
	v23 =	vadd.f32 v63, v23  }
0x1ec: {  	v42 =	vld [tilespmem:$0x115B0];
	v43 =	vperm.xlane v21, v15;
	v44 =	vmul.f32 v59, v38;
	v22 =	vadd.f32 v39, v22  }
0x1ed: {  	v46 =	vld [tilespmem:$0x115C0];
	v45 =	vmul.f32 v60, v38;
	v23 =	vadd.f32 v40, v23  }
0x1ee: {  	v47 =	vld [tilespmem:$0x115D0];
	v48 =	vperm.xlane v21, v16;
	v49 =	vmul.f32 v36, v43;
	v22 =	vadd.f32 v44, v22  }
0x1ef: {  	v51 =	vld [tilespmem:$0x115E0];
	v50 =	vmul.f32 v37, v43;
	v23 =	vadd.f32 v45, v23  }
0x1f0: {  	v52 =	vld [tilespmem:$0x115F0];
	v53 =	vperm.xlane v21, v17;
	v54 =	vmul.f32 v41, v48;
	v22 =	vadd.f32 v49, v22  }
0x1f1: {  	v56 =	vld [tilespmem:$0x11600];
	v55 =	vmul.f32 v42, v48;
	v23 =	vadd.f32 v50, v23  }
0x1f2: {  	v57 =	vld [tilespmem:$0x11610];
	v58 =	vperm.xlane v21, v3;
	v59 =	vmul.f32 v46, v53;
	v22 =	vadd.f32 v54, v22  }
0x1f3: {  	v61 =	vld [tilespmem:$0x11620];
	v60 =	vmul.f32 v47, v53;
	v23 =	vadd.f32 v55, v23  }
0x1f4: {  	v62 =	vld [tilespmem:$0x11630];
	v63 =	vperm.xlane v20, v1;
	v36 =	vmul.f32 v51, v58;
	v22 =	vadd.f32 v59, v22  }
0x1f5: {  	v37 =	vld [tilespmem:$0x11640];
	v21 =	vmul.f32 v52, v58;
	v23 =	vadd.f32 v60, v23  }
0x1f6: {  	v38 =	vld [tilespmem:$0x11650];
	v39 =	vperm.xlane v20, v4;
	v40 =	vmul.f32 v56, v63;
	v22 =	vadd.f32 v36, v22  }
0x1f7: {  	v42 =	vld [tilespmem:$0x11660];
	v41 =	vmul.f32 v57, v63;
	v21 =	vadd.f32 v21, v23  }
0x1f8: {  	v43 =	vld [tilespmem:$0x11670];
	v44 =	vperm.xlane v20, v5;
	v45 =	vmul.f32 v61, v39;
	v22 =	vadd.f32 v40, v22  }
0x1f9: {  	v47 =	vld [tilespmem:$0x11680];
	v46 =	vmul.f32 v62, v39;
	v21 =	vadd.f32 v41, v21  }
0x1fa: {  	v48 =	vld [tilespmem:$0x11690];
	v49 =	vperm.xlane v20, v6;
	v50 =	vmul.f32 v37, v44;
	v22 =	vadd.f32 v45, v22  }
0x1fb: {  	v52 =	vld [tilespmem:$0x116A0];
	v51 =	vmul.f32 v38, v44;
	v21 =	vadd.f32 v46, v21  }
0x1fc: {  	v53 =	vld [tilespmem:$0x116B0];
	v54 =	vperm.xlane v20, v7;
	v23 =	vmul.f32 v42, v49;
	v22 =	vadd.f32 v50, v22  }
0x1fd: {  	v56 =	vld [tilespmem:$0x116C0];
	v55 =	vmul.f32 v43, v49;
	v21 =	vadd.f32 v51, v21  }
0x1fe: {  	v58 =	vperm.xlane v20, v8;
	v57 =	vld [tilespmem:$0x116D0];
	v59 =	vmul.f32 v47, v54;
	v22 =	vadd.f32 v23, v22  }
0x1ff: {  	v61 =	vld [tilespmem:$0x116E0];
	v60 =	vmul.f32 v48, v54;
	v21 =	vadd.f32 v55, v21  }
0x200: {  	v63 =	vperm.xlane v20, v9;
	v62 =	vld [tilespmem:$0x116F0];
	v36 =	vmul.f32 v52, v58;
	v22 =	vadd.f32 v59, v22  }
0x201: {  	v37 =	vmul.f32 v53, v58;
	v38 =	vld [tilespmem:$0x11700];
	v21 =	vadd.f32 v60, v21  }
0x202: {  	v39 =	vld [tilespmem:$0x11710];
	v40 =	vperm.xlane v20, v10;
	v41 =	vmul.f32 v56, v63;
	v22 =	vadd.f32 v36, v22  }
0x203: {  	v43 =	vld [tilespmem:$0x11720];
	v42 =	vmul.f32 v57, v63;
	v21 =	vadd.f32 v37, v21  }
0x204: {  	v44 =	vld [tilespmem:$0x11730];
	v45 =	vperm.xlane v20, v11;
	v46 =	vmul.f32 v61, v40;
	v22 =	vadd.f32 v41, v22  }
0x205: {  	v48 =	vld [tilespmem:$0x11740];
	v47 =	vmul.f32 v62, v40;
	v21 =	vadd.f32 v42, v21  }
0x206: {  	v49 =	vld [tilespmem:$0x11750];
	v50 =	vperm.xlane v20, v12;
	v51 =	vmul.f32 v38, v45;
	v22 =	vadd.f32 v46, v22  }
0x207: {  	v53 =	vld [tilespmem:$0x11760];
	v52 =	vmul.f32 v39, v45;
	v21 =	vadd.f32 v47, v21  }
0x208: {  	v54 =	vld [tilespmem:$0x11770];
	v55 =	vperm.xlane v20, v13;
	v56 =	vmul.f32 v43, v50;
	v22 =	vadd.f32 v51, v22  }
0x209: {  	v58 =	vld [tilespmem:$0x11780];
	v57 =	vmul.f32 v44, v50;
	v21 =	vadd.f32 v52, v21  }
0x20a: {  	v59 =	vld [tilespmem:$0x11790];
	v60 =	vperm.xlane v20, v14;
	v61 =	vmul.f32 v48, v55;
	v22 =	vadd.f32 v56, v22  }
0x20b: {  	v63 =	vld [tilespmem:$0x117A0];
	v62 =	vmul.f32 v49, v55;
	v21 =	vadd.f32 v57, v21  }
0x20c: {  	v36 =	vld [tilespmem:$0x117B0];
	v37 =	vperm.xlane v20, v15;
	v38 =	vmul.f32 v53, v60;
	v22 =	vadd.f32 v61, v22  }
0x20d: {  	v40 =	vld [tilespmem:$0x117C0];
	v39 =	vmul.f32 v54, v60;
	v21 =	vadd.f32 v62, v21  }
0x20e: {  	v41 =	vld [tilespmem:$0x117D0];
	v42 =	vperm.xlane v20, v16;
	v43 =	vmul.f32 v58, v37;
	v22 =	vadd.f32 v38, v22  }
0x20f: {  	v45 =	vld [tilespmem:$0x117E0];
	v44 =	vmul.f32 v59, v37;
	v21 =	vadd.f32 v39, v21  }
0x210: {  	v46 =	vld [tilespmem:$0x117F0];
	v47 =	vperm.xlane v20, v17;
	v48 =	vmul.f32 v63, v42;
	v22 =	vadd.f32 v43, v22  }
0x211: {  	v49 =	vmul.f32 v36, v42;
	v21 =	vadd.f32 v44, v21  }
0x212: {  	v20 =	vperm.xlane v20, v3;
	v50 =	vmul.f32 v40, v47;
	v22 =	vadd.f32 v48, v22  }
0x213: {  	v51 =	vmul.f32 v41, v47;
	v21 =	vadd.f32 v49, v21  }
0x214: {  	v52 =	vmul.f32 v45, v20;
	v22 =	vadd.f32 v50, v22  }
0x215: {  	v53 =	vmul.f32 v46, v20;
	v21 =	vadd.f32 v51, v21  }
0x216: {  	s25 =	sshra.s32 s17, $0x2;
	v22 =	vadd.f32 v52, v22  }
0x217: {  	v25 =	vld [tilespmem:s25+$0x11800];
	v21 =	vadd.f32 v53, v21  }
0x218: {  	v20 =	vld [tilespmem:s25+$0x11810];
	[tilespmem:s9+$0x11C00] =	vst v22  }
0x219: {  	[tilespmem:s9+$0x11C10] =	vst v21  }
0x21a: {  	v21 =	vld [tilespmem:$0x11400]  }
0x21b: {  	v22 =	vld [tilespmem:$0x11410]  }
0x21c: {  	v54 =	vld [tilespmem:$0x11420]  }
0x21d: {  	v56 =	vperm.xlane v25, v1;
	v55 =	vld [tilespmem:$0x11430]  }
0x21e: {  	v57 =	vld [tilespmem:$0x11440]  }
0x21f: {  	v59 =	vperm.xlane v25, v4;
	v58 =	vld [tilespmem:$0x11450];
	v21 =	vmul.f32 v21, v56  }
0x220: {  	v60 =	vld [tilespmem:$0x11460];
	v22 =	vmul.f32 v22, v56  }
0x221: {  	v62 =	vperm.xlane v25, v5;
	v61 =	vld [tilespmem:$0x11470];
	v23 =	vmul.f32 v54, v59;
	v21 =	vadd.f32 $0.0e+00, v21  }
0x222: {  	v63 =	vld [tilespmem:$0x11480];
	v24 =	vmul.f32 v55, v59;
	v22 =	vadd.f32 $0.0e+00, v22  }
0x223: {  	v37 =	vperm.xlane v25, v6;
	v36 =	vld [tilespmem:$0x11490];
	v38 =	vmul.f32 v57, v62;
	v21 =	vadd.f32 v23, v21  }
0x224: {  	v40 =	vld [tilespmem:$0x114A0];
	v39 =	vmul.f32 v58, v62;
	v22 =	vadd.f32 v24, v22  }
0x225: {  	v42 =	vperm.xlane v25, v7;
	v41 =	vld [tilespmem:$0x114B0];
	v43 =	vmul.f32 v60, v37;
	v21 =	vadd.f32 v38, v21  }
0x226: {  	v45 =	vld [tilespmem:$0x114C0];
	v44 =	vmul.f32 v61, v37;
	v22 =	vadd.f32 v39, v22  }
0x227: {  	v47 =	vperm.xlane v25, v8;
	v46 =	vld [tilespmem:$0x114D0];
	v48 =	vmul.f32 v63, v42;
	v21 =	vadd.f32 v43, v21  }
0x228: {  	v50 =	vld [tilespmem:$0x114E0];
	v49 =	vmul.f32 v36, v42;
	v22 =	vadd.f32 v44, v22  }
0x229: {  	v52 =	vperm.xlane v25, v9;
	v51 =	vld [tilespmem:$0x114F0];
	v53 =	vmul.f32 v40, v47;
	v21 =	vadd.f32 v48, v21  }
0x22a: {  	v54 =	vmul.f32 v41, v47;
	v55 =	vld [tilespmem:$0x11500];
	v22 =	vadd.f32 v49, v22  }
0x22b: {  	v56 =	vld [tilespmem:$0x11510];
	v57 =	vperm.xlane v25, v10;
	v58 =	vmul.f32 v45, v52;
	v21 =	vadd.f32 v53, v21  }
0x22c: {  	v59 =	vmul.f32 v46, v52;
	v60 =	vld [tilespmem:$0x11520];
	v22 =	vadd.f32 v54, v22  }
0x22d: {  	v61 =	vld [tilespmem:$0x11530];
	v62 =	vperm.xlane v25, v11;
	v63 =	vmul.f32 v50, v57;
	v21 =	vadd.f32 v58, v21  }
0x22e: {  	v37 =	vld [tilespmem:$0x11540];
	v36 =	vmul.f32 v51, v57;
	v22 =	vadd.f32 v59, v22  }
0x22f: {  	v40 =	vmul.f32 v55, v62;
	v38 =	vld [tilespmem:$0x11550];
	v39 =	vperm.xlane v25, v12;
	v21 =	vadd.f32 v63, v21  }
0x230: {  	v42 =	vld [tilespmem:$0x11560];
	v41 =	vmul.f32 v56, v62;
	v22 =	vadd.f32 v36, v22  }
0x231: {  	v43 =	vld [tilespmem:$0x11570];
	v44 =	vperm.xlane v25, v13;
	v45 =	vmul.f32 v60, v39;
	v21 =	vadd.f32 v40, v21  }
0x232: {  	v47 =	vld [tilespmem:$0x11580];
	v46 =	vmul.f32 v61, v39;
	v22 =	vadd.f32 v41, v22  }
0x233: {  	v48 =	vld [tilespmem:$0x11590];
	v49 =	vperm.xlane v25, v14;
	v50 =	vmul.f32 v37, v44;
	v21 =	vadd.f32 v45, v21  }
0x234: {  	v52 =	vld [tilespmem:$0x115A0];
	v51 =	vmul.f32 v38, v44;
	v22 =	vadd.f32 v46, v22  }
0x235: {  	v53 =	vld [tilespmem:$0x115B0];
	v54 =	vperm.xlane v25, v15;
	v55 =	vmul.f32 v42, v49;
	v21 =	vadd.f32 v50, v21  }
0x236: {  	v57 =	vld [tilespmem:$0x115C0];
	v56 =	vmul.f32 v43, v49;
	v22 =	vadd.f32 v51, v22  }
0x237: {  	v58 =	vld [tilespmem:$0x115D0];
	v59 =	vperm.xlane v25, v16;
	v60 =	vmul.f32 v47, v54;
	v21 =	vadd.f32 v55, v21  }
0x238: {  	v62 =	vld [tilespmem:$0x115E0];
	v61 =	vmul.f32 v48, v54;
	v22 =	vadd.f32 v56, v22  }
0x239: {  	v63 =	vld [tilespmem:$0x115F0];
	v36 =	vperm.xlane v25, v17;
	v37 =	vmul.f32 v52, v59;
	v21 =	vadd.f32 v60, v21  }
0x23a: {  	v39 =	vld [tilespmem:$0x11600];
	v38 =	vmul.f32 v53, v59;
	v22 =	vadd.f32 v61, v22  }
0x23b: {  	v25 =	vperm.xlane v25, v3;
	v40 =	vld [tilespmem:$0x11610];
	v41 =	vmul.f32 v57, v36;
	v21 =	vadd.f32 v37, v21  }
0x23c: {  	v43 =	vld [tilespmem:$0x11620];
	v42 =	vmul.f32 v58, v36;
	v22 =	vadd.f32 v38, v22  }
0x23d: {  	v44 =	vld [tilespmem:$0x11630];
	v45 =	vperm.xlane v20, v1;
	v46 =	vmul.f32 v62, v25;
	v21 =	vadd.f32 v41, v21  }
0x23e: {  	v47 =	vld [tilespmem:$0x11640];
	v25 =	vmul.f32 v63, v25;
	v22 =	vadd.f32 v42, v22  }
0x23f: {  	v49 =	vperm.xlane v20, v4;
	v48 =	vld [tilespmem:$0x11650];
	v50 =	vmul.f32 v39, v45;
	v21 =	vadd.f32 v46, v21  }
0x240: {  	v52 =	vld [tilespmem:$0x11660];
	v51 =	vmul.f32 v40, v45;
	v22 =	vadd.f32 v25, v22  }
0x241: {  	v54 =	vperm.xlane v20, v5;
	v53 =	vld [tilespmem:$0x11670];
	v55 =	vmul.f32 v43, v49;
	v21 =	vadd.f32 v50, v21  }
0x242: {  	v57 =	vld [tilespmem:$0x11680];
	v56 =	vmul.f32 v44, v49;
	v22 =	vadd.f32 v51, v22  }
0x243: {  	v59 =	vperm.xlane v20, v6;
	v58 =	vld [tilespmem:$0x11690];
	v60 =	vmul.f32 v47, v54;
	v21 =	vadd.f32 v55, v21  }
0x244: {  	v62 =	vld [tilespmem:$0x116A0];
	v61 =	vmul.f32 v48, v54;
	v22 =	vadd.f32 v56, v22  }
0x245: {  	v36 =	vperm.xlane v20, v7;
	v63 =	vld [tilespmem:$0x116B0];
	v37 =	vmul.f32 v52, v59;
	v21 =	vadd.f32 v60, v21  }
0x246: {  	v39 =	vld [tilespmem:$0x116C0];
	v38 =	vmul.f32 v53, v59;
	v22 =	vadd.f32 v61, v22  }
0x247: {  	v40 =	vld [tilespmem:$0x116D0];
	v41 =	vperm.xlane v20, v8;
	v42 =	vmul.f32 v57, v36;
	v21 =	vadd.f32 v37, v21  }
0x248: {  	v43 =	vmul.f32 v58, v36;
	v44 =	vld [tilespmem:$0x116E0];
	v22 =	vadd.f32 v38, v22  }
0x249: {  	v45 =	vld [tilespmem:$0x116F0];
	v46 =	vperm.xlane v20, v9;
	v47 =	vmul.f32 v62, v41;
	v21 =	vadd.f32 v42, v21  }
0x24a: {  	v49 =	vld [tilespmem:$0x11700];
	v48 =	vmul.f32 v63, v41;
	v22 =	vadd.f32 v43, v22  }
0x24b: {  	v50 =	vld [tilespmem:$0x11710];
	v51 =	vperm.xlane v20, v10;
	v52 =	vmul.f32 v39, v46;
	v21 =	vadd.f32 v47, v21  }
0x24c: {  	v54 =	vld [tilespmem:$0x11720];
	v53 =	vmul.f32 v40, v46;
	v22 =	vadd.f32 v48, v22  }
0x24d: {  	v55 =	vld [tilespmem:$0x11730];
	v56 =	vperm.xlane v20, v11;
	v57 =	vmul.f32 v44, v51;
	v21 =	vadd.f32 v52, v21  }
0x24e: {  	v59 =	vld [tilespmem:$0x11740];
	v58 =	vmul.f32 v45, v51;
	v22 =	vadd.f32 v53, v22  }
0x24f: {  	v60 =	vld [tilespmem:$0x11750];
	v61 =	vperm.xlane v20, v12;
	v62 =	vmul.f32 v49, v56;
	v21 =	vadd.f32 v57, v21  }
0x250: {  	v36 =	vld [tilespmem:$0x11760];
	v63 =	vmul.f32 v50, v56;
	v22 =	vadd.f32 v58, v22  }
0x251: {  	v37 =	vld [tilespmem:$0x11770];
	v38 =	vperm.xlane v20, v13;
	v39 =	vmul.f32 v54, v61;
	v21 =	vadd.f32 v62, v21  }
0x252: {  	v41 =	vld [tilespmem:$0x11780];
	v40 =	vmul.f32 v55, v61;
	v22 =	vadd.f32 v63, v22  }
0x253: {  	v42 =	vld [tilespmem:$0x11790];
	v43 =	vperm.xlane v20, v14;
	v44 =	vmul.f32 v59, v38;
	v21 =	vadd.f32 v39, v21  }
0x254: {  	v46 =	vld [tilespmem:$0x117A0];
	v45 =	vmul.f32 v60, v38;
	v22 =	vadd.f32 v40, v22  }
0x255: {  	v47 =	vld [tilespmem:$0x117B0];
	v48 =	vperm.xlane v20, v15;
	v49 =	vmul.f32 v36, v43;
	v21 =	vadd.f32 v44, v21  }
0x256: {  	v51 =	vld [tilespmem:$0x117C0];
	v50 =	vmul.f32 v37, v43;
	v22 =	vadd.f32 v45, v22  }
0x257: {  	v52 =	vld [tilespmem:$0x117D0];
	v53 =	vperm.xlane v20, v16;
	v54 =	vmul.f32 v41, v48;
	v21 =	vadd.f32 v49, v21  }
0x258: {  	v56 =	vld [tilespmem:$0x117E0];
	v55 =	vmul.f32 v42, v48;
	v22 =	vadd.f32 v50, v22  }
0x259: {  	v57 =	vld [tilespmem:$0x117F0];
	v58 =	vperm.xlane v20, v17;
	v59 =	vmul.f32 v46, v53;
	v21 =	vadd.f32 v54, v21  }
0x25a: {  	v60 =	vmul.f32 v47, v53;
	v22 =	vadd.f32 v55, v22  }
0x25b: {  	v20 =	vperm.xlane v20, v3;
	v61 =	vmul.f32 v51, v58;
	v21 =	vadd.f32 v59, v21  }
0x25c: {  	v62 =	vmul.f32 v52, v58;
	v22 =	vadd.f32 v60, v22  }
0x25d: {  	v63 =	vmul.f32 v56, v20;
	v21 =	vadd.f32 v61, v21  }
0x25e: {  	v20 =	vmul.f32 v57, v20;
	v22 =	vadd.f32 v62, v22  }
0x25f: {  	v21 =	vadd.f32 v63, v21  }
0x260: {  	s11 =	sadd.s32 $0x1, s11;
	v20 =	vadd.f32 v20, v22  }
0x261: {  	s6 =	sshll.u32 s6, $0x7;
	p0 =	sne.s32 s11, $0x10;
	[tilespmem:s25+$0x11C00] =	vst v21  }
.Ltmp18:
0x262: {  	s6 =	sadd.s32 s7, s6;
	[tilespmem:s25+$0x11C10] =	vst v20;
	(pc) =	sbr.rel @p0 .LBB2_2-.Ltmp18, $4  }
0x263: {  	[hbm4b:s6+s2] =	stream.linear.scatter [tilespmem:s1], [sflag:$0x2], $0x400, $0x38;
	[tilespmem:$0x12100] =	vst v63  }
0x264: {  	_ =	swait.ge [sflag:s12], $0x400  }
0x265: {  	[sflag:s12] =	ssyncset.done $0x0  }
0x266: {  	[sflag:s12] =	ssyncadd.s32 $0xFFFFFC00  }
0x267: {  	s9 =	rddreg [dreg:$0x5]  }
0x268: {  	s6 =	rddreg [dreg:$0x4];
	s9 =	sadd.s32 $0x1, s9  }
0x269: {  	p0 =	sne.s32 s9, s6  }
.Ltmp19:
0x26a: {  	_ = 	snop;
	(pc) =	sbr.rel @p0 .LBB2_1-.Ltmp19, $1  }
0x26b: {  	_ =	sdelay $0x3  }
0x26c: {  	_ =	sfence.sel $0x180000  }
0x26d: {  	[bflag:$0x0] =	sbarrier.arrive $0xFFFF  }
0x26e: {  	_ =	strace $0x9000004A  }
0x26f: {  	s0 =	stileid.u32;
	[bflag:$0x2] =	sbarrier.arrive $0xFFFF  }
0x270: {  	p0 =	sne.s32 s0, $0x0;
	s0 =	rddreg [dreg:$0x2]  }
0x271: {  	s0 =	sadd.s32 @!p0 $0x100000, s0  }
0x272: {  	[sflag:s0] =	ssyncadd.tile.s32 @!p0 $0x1;
	_ =	shalt  }
.Lfunc_end2:
_tile_overlayer_lowered:
.L_overlay_start_2:
0x273: {  	(tag) =	ssettag $0x2  }
0x274: {  	s0 =	rddreg [dreg:$0x0];
	s2 =	stileid.u32  }
0x275: {  	s1 =	rddreg [dreg:$0x1];
	p0 =	sne.s32 s2, $0x0  }
0x276: {  	s3 =	rddreg [dreg:$0x2];
	[bflag:$0x3] =	sbarrier.arrive $0xFFFF;
	s2 =	simm.s32 @!p0 $0x1C02  }
0x277: {  	[timem:s3], [sflag:s2] =	dma.local @!p0 [hbm:s0], s1  }
0x278: {  	s0 =	simm.s32 @!p0 $0x2  }
0x279: {  	_ =	swait.ge @!p0 [sflag:s0], s1  }
0x27a: {  	s1 =	ssub.s32 @!p0 $0x0, s1;
	[sflag:s0] =	ssyncset.done @!p0 $0x0  }
0x27b: {  	[sflag:s0] =	ssyncadd.s32 @!p0 s1  }
0x27c: {  	[bflag:$0x3] =	sbarrier.arrive $0xFFFF  }
0x27d: {  	_ =	shalt  }

// kernel: sparse-core-data-format-call.cloned.1.call-start
scs
called_computation_lowered:
.L_overlay_start_0:
0x0: {  	s1 =	sld [smem:$0x3FD9]  }
0x1: {  	s2 =	sld [smem:$0x3FFE];
	_ =	sdelay $0x1  }
0x2: {  	s3 =	srdreg.scid  }
0x3: {  	s0 =	sand.u32 $0x1, s3  }
0x4: {  	s17 =	sshll.u32 s0, $0xA;
	s1 =	sadd.s32 s2, s1  }
0x5: {  	s1 =	sadd.s32 s1, s17  }
0x6: {  	[smem:$0x3FC5] =	sst s1  }
0x7: {  	_ = 	snop  }
0x8: {  	(tm) =	ssettm $0x1  }
0x9: {  	s18 =	sld [smem:$0x3FFB];
	_ =	sdelay $0x3  }
0xa: {  	_ =	strace s18  }
0xb: {  	s1 =	sld [smem:$0x3FFC];
	_ =	sdelay $0x3  }
0xc: {  	_ =	strace s1  }
0xd: {  	s1 =	sld [smem:$0x3FFD];
	_ =	sdelay $0x3  }
0xe: {  	_ =	strace s1  }
0xf: {  	_ =	strace $0x8FFFFFFF  }
0x10: {  	s19 =	sld [smem:$0x3FDB];
	_ =	sdelay $0x1  }
0x11: {  	s20 =	simm.s32 $_scs_section_size  }
0x12: {  	s4 =	simm.s32 $_size__tile_overlayer_lowered;
	s5 =	simm.s32 $_tile_overlayer_lowered  }
0x13: {  	s23 =	simm.s32 $0x1BFF;
	s22 =	sshll.u32 s5, $0x1;
	s1 =	sadd.s32 s20, s19  }
0x14: {  	s6 =	simm.s32 $0x0;
	s21 =	sshll.u32 s4, $0x1;
	s4 =	sadd.s32 s22, s1  }
0x15: {  	[timem:s6], [sflag:s23] =	dma.local [hbm:s4], s21  }
0x16: {  	_ =	swait.ge [sflag:s23], s21  }
0x17: {  	s2 =	ssub.s32 $0x0, s21;
	[sflag:s23] =	ssyncset.done $0x0  }
0x18: {  	[sflag:s23] =	ssyncadd.s32 s2;
	_ =	sdelay $0x1  }
0x19: {  	s24 =	simm.s32 $0x1B8B  }
0x1a: {  	_ =	swait.ge [sflag:s24], $0x1  }
0x1b: {  	[sflag:s24] =	ssyncset.done $0x0  }
0x1c: {  	s26 =	simm.s32 $0x1B8E;
	s25 =	sld [smem:$0x3FFE];
	[sflag:s24] =	ssyncadd.s32 $0xFFFFFFFF  }
0x1d: {  	s27 =	simm.s32 $execute0_lowered;
	[smem:$0x3FD2] =	sst s26  }
0x1e: {  	s4 =	sshll.u32 s27, $0x1;
	_ =	strace $0x80000046;
	[dreg:$0x1] =	wrdreg $0xFFFFFFFF  }
0x1f: {  	s28 =	simm.s32 $_size_execute0_lowered;
	s1 =	sadd.s32 s1, s4;
	[dreg:$0x0] =	wrdreg $0x0  }
0x20: {  	s4 =	sshll.u32 s28, $0x1;
	[dreg:$0x2] =	wrdreg s1  }
0x21: {  	[dreg:$0x3] =	wrdreg s4  }
0x22: {  	[dreg:$0x4] =	wrdreg $0xC0  }
0x23: {  	_ =	task [dreg:s6], $0x5FFFF  }
0x24: {  	[dreg:$0x1] =	wrdreg $0xFFFFFFFF  }
0x25: {  	[dreg:$0x0] =	wrdreg $0x60  }
0x26: {  	[dreg:$0x2] =	wrdreg s25  }
0x27: {  	[dreg:$0x3] =	wrdreg $0x9  }
0x28: {  	_ =	task.clear_ibuf [dreg:s6], $0x4FFFF;
	_ =	strace $0x90000046  }
0x29: {  	s29 =	simm.s32 $0x9;
	_ =	strace $0x80000048  }
0x2a: {  	_ =	swait.ge [sflag:s29], $0x1  }
0x2b: {  	[sflag:s29] =	ssyncadd.s32 $0xFFFFFFFF  }
0x2c: {  	_ =	strace $0x90000048  }
0x2d: {  	_ =	sfence  }
0x2e: {  	s30 =	sld [smem:$0x0];
	_ =	sdelay $0x2  }
0x2f: {  	s31 =	sshll.u32 s3, $0xD;
	s3 =	sshrl.u32 s3, $0x2  }
0x30: {  	s2 =	sand.u32 $0x4000, s31;
	s1 =	sadd.s32 s3, s30  }
0x31: {  	s0 =	sor.u32 s2, s0;
	s1 =	sshll.u32 s1, $0x11  }
0x32: {  	s0 =	sor.u32 s1, s0  }
0x33: {  	s0 =	sadd.s32 $0x8F2B, s0  }
0x34: {  	[sflag:s0] =	ssyncadd.remote.s32 $0x1  }
0x35: {  	_ =	sfence.sel $0xFFFF  }
0x36: {  	[dreg:$0x0] =	wrdreg $0xFFFFFFFF;
	(pc) =	sbr.abs _section_cstart, $3  }
0x37: {  	[dreg:$0x1] =	wrdreg $0xFFFFFFFF  }
0x38: {  	_ =	task.clear_ibuf [dreg:s6], $0x2FFFF;
	_ =	strace $0x9FFFFFFF  }
0x39: {  	(tm) =	ssettm $0x7FFFFFFF  }
tec
execute0_lowered:
.L_overlay_start_1:
0x0: {  	(tag) =	ssettag $0x1  }
0x1: {  	s1 =	rddreg [dreg:$0x0]  }
0x2: {  	s0 =	rddreg [dreg:$0x1]  }
0x3: {  	_ =	strace $0x80000047;
	s4 =	srdreg.scid;
	s6 =	simm.s32 $0x2  }
0x4: {  	s15 =	simm.s32 $0x0;
	p0 =	por $0x0, $0x0;
	s12 =	simm.s32 $0x0  }
0x5: {  	s13 =	simm.s32 $0x0;
	s14 =	simm.s32 $0x0;
	s8 =	simm.s32 $0x0  }
.Ltmp0:
0x6: {  	s9 =	simm.s32 $0x0;
	s10 =	simm.s32 $0x0;
	(pc) =	sbr.rel .LBB1_1-.Ltmp0, $4  }
0x7: {  	s2 =	sadd.s32 $0xA00, s1;
	s3 =	sadd.s32 $0x1000A00, s1;
	s5 =	sshll.u32 s4, $0x4  }
0x8: {  	s1 =	stileid.u32;
	s4 =	simm.s32 $0x1;
	s5 =	sand.u32 $0x10, s5  }
0x9: {  	s7 =	simm.s32 $0x0;
	[sflag:s4] =	ssyncpa.u1 $0x0;
	s5 =	sor.u32 s1, s5  }
0xa: {  	[sflag:s6] =	ssyncpa.u1 $0x0;
	s6 =	simm.s32 $0x80;
	s11 =	smov.u32 s5  }
.LBB1_5:
0xb: {  	s16 =	sadd.s32 $0x200, s8  }
0xc: {  	s12 =	sadd.s32 $0x20, s9;
	s17 =	smov.u32 s9;
	p2 =	sgt.s32 s16, $0x1FFF  }
0xd: {  	s17 =	smov.u32 @p2 s12  }
0xe: {  	s12 =	simm.s32 $0x1;
	p3 =	sgt.s32 s17, $0x1F  }
0xf: {  	s12 =	simm.s32 @!p3 $0x0  }
0x10: {  	s18 =	sadd.s32 s12, s10  }
0x11: {  	s19 =	smov.u32 s11;
	s12 =	sadd.s32 $0x20, s11;
	p4 =	sgt.s32 s18, $0xF  }
0x12: {  	p1 =	slt.u32 s7, $0x2;
	s19 =	smov.u32 @p4 s12  }
0x13: {  	s7 =	sadd.s32 $0x1, s7;
	s16 =	simm.s32 @p2 $0x0;
	p2 =	sgt.s32 s19, $0x1F  }
0x14: {  	s15 =	smov.u32 s8;
	s19 =	smov.u32 @p2 s5;
	p2 =	sne.s32 s7, $0x102  }
.Ltmp1:
0x15: {  	s13 =	smov.u32 s10;
	s20 =	simm.s32 @!p1 $0x2;
	(pc) =	sbr.rel @!p2 .LBB1_6-.Ltmp1, $4  }
0x16: {  	s14 =	smov.u32 s11;
	p0 =	por !p0, !p0;
	_ =	swait.ge @!p1 [sflag:s20], $0x4000  }
0x17: {  	[sflag:s20] =	ssyncset.done @!p1 $0x0;
	s8 =	smov.u32 s16;
	s17 =	simm.s32 @p3 $0x0  }
0x18: {  	[sflag:s20] =	ssyncadd.s32 @!p1 $0xFFFFC000;
	s18 =	simm.s32 @p4 $0x0;
	s12 =	smov.u32 s9  }
0x19: {  	s9 =	smov.u32 s17;
	s10 =	smov.u32 s18;
	s11 =	smov.u32 s19  }
.LBB1_1:
0x1a: {  	p1 =	sgt.u32 s7, $0xFF  }
0x1b: {  	s16 =	sxor.u32 @!p1 $0xFFFFFFFF, s7;
	s17 =	sand.u32 @!p1 $0x78, s8  }
0x1c: {  	s18 =	sshll.u32 @!p1 s9, $0x7;
	s19 =	sshll.u32 @!p1 s9, $0xD;
	s20 =	sshll.u32 @!p1 s8, $0x3  }
0x1d: {  	s16 =	sshll.u32 @!p1 s16, $0xE;
	s18 =	sand.u32 @!p1 $0x380, s18;
	s19 =	sand.u32 @!p1 $0x30000, s19  }
0x1e: {  	s16 =	sand.u32 @!p1 $0x4000, s16;
	s17 =	sor.u32 @!p1 s18, s17;
	s18 =	sand.u32 @!p1 $0x1C00, s20  }
0x1f: {  	s19 =	sadd.s32 @!p1 s19, s20;
	s17 =	sor.u32 @!p1 s18, s17;
	s18 =	sshll.u32 @!p1 s11, $0x13  }
0x20: {  	s20 =	sshll.u32 @!p1 s10, $0xF;
	s19 =	sshrl.u32 @!p1 s19, $0x3;
	s18 =	sadd.s32 @!p1 s2, s18  }
0x21: {  	s19 =	sand.u32 @!p1 $0x7C00, s19;
	s18 =	sadd.s32 @!p1 s20, s18;
	s20 =	sand.u32 @!p1 $0x7, s8  }
0x22: {  	s17 =	sshrl.u32 @!p1 s17, $0x3;
	s18 =	sadd.s32 @!p1 s19, s18;
	s19 =	sshll.u32 @!p1 s20, $0x12  }
0x23: {  	s17 =	sadd.s32 @!p1 s17, s18;
	s18 =	sor.u32 @!p1 $0x1000, s19;
	s19 =	simm.s32 @!p1 $0x10000  }
0x24: {  	[tilespmem:s16], [sflag:$0x1] =	stream.strided.gather @!p1 [hbm4b:s17+s18], $0x4000, s19, s18, $0x38;
	[tilespmem:$0x10400] =	vst v63  }
0x25: {  	p1 =	seq.s32 s7, $0x0  }
0x26: {  	p2 =	seq.s32 @!p1 s7, $0x101  }
0x27: {  	p1 =	por p1, p2  }
.Ltmp2:
0x28: {  	_ = 	snop;
	(pc) =	sbr.rel @p1 .LBB1_5-.Ltmp2, $1  }
0x29: {  	_ =	sdelay $0x3  }
0x2a: {  	s19 =	simm.s32 $0x0  }
0x2b: {  	s18 =	sand.u32 $0x3000, s19;
	s20 =	sand.u32 $0x380, s19  }
0x2c: {  	s16 =	sand.u32 $0x1, s7;
	s18 =	sor.u32 s20, s18  }
0x2d: {  	_ =	swait.ge [sflag:s4], $0x4000;
	s17 =	sshll.u32 s16, $0xE;
	s20 =	sand.u32 $0x3200, s18  }
0x2e: {  	[sflag:s4] =	ssyncset.done $0x0;
	s19 =	sand.u32 $0x180, s19;
	s20 =	sadd.s32 s20, s17  }
0x2f: {  	[sflag:s4] =	ssyncadd.s32 $0xFFFFC000;
	s22 =	sadd.s32 s19, s20  }
0x30: {  	v4 =	vld [tilespmem:s22+$0xC00]  }
0x31: {  	s21 =	simm.s32 $0x1;
	v0 =	vmov s17;
	v5 =	vld [tilespmem:s22+$0x0]  }
0x32: {  	s21 =	simm.s32 @!p0 $0x0;
	v6 =	vld [tilespmem:s22+$0x10]  }
0x33: {  	s31 =	smul.u32 $0x10800, s21;
	v7 =	vld [tilespmem:s22+$0x20]  }
0x34: {  	v8 =	vld [tilespmem:s22+$0x30]  }
0x35: {  	s19 =	sshrl.u32 s31, $0x2;
	v9 =	vld [tilespmem:s22+$0x40]  }
0x36: {  	s19 =	sor.u32 $0x8000, s19;
	v1 =	vld.idx.msk [tilespmem:v0+s18+$0x410 ss:$0x1], $0xffff  }
0x37: {  	v2 =	vld.idx.msk [tilespmem:v0+s18+$0x420 ss:$0x1], $0xffff;
	s20 =	sadd.s32 $0x0, s19  }
0x38: {  	v3 =	vld.idx.msk [tilespmem:v0+s18+$0x430 ss:$0x1], $0xffff;
	[tilespmem:s20+$0x3180 ss:$0x21] =	vst.msk $0xffff, v4  }
0x39: {  	v10 =	vld.idx.msk [tilespmem:v0+s18+$0x820 ss:$0x1], $0xffff;
	[tilespmem:s20+$0x0 ss:$0x21] =	vst.msk $0xffff, v5  }
0x3a: {  	v11 =	vld.idx.msk [tilespmem:v0+s18+$0x830 ss:$0x1], $0xffff;
	[tilespmem:s20+$0x210 ss:$0x21] =	vst.msk $0xffff, v6  }
0x3b: {  	v12 =	vld.idx.msk [tilespmem:v0+s18+$0x840 ss:$0x1], $0xffff;
	[tilespmem:s20+$0x420 ss:$0x21] =	vst.msk $0xffff, v7  }
0x3c: {  	v13 =	vld.idx.msk [tilespmem:v0+s18+$0x850 ss:$0x1], $0xffff;
	[tilespmem:s20+$0x630 ss:$0x21] =	vst.msk $0xffff, v8  }
0x3d: {  	v4 =	vld [tilespmem:s22+$0x50];
	[tilespmem:s20+$0x840 ss:$0x21] =	vst.msk $0xffff, v9  }
0x3e: {  	v5 =	vld [tilespmem:s22+$0x60];
	[tilespmem:s20+$0x1290 ss:$0x21] =	vst.msk $0xffff, v1  }
0x3f: {  	v6 =	vld [tilespmem:s22+$0x70];
	[tilespmem:s20+$0x14A0 ss:$0x21] =	vst.msk $0xffff, v2  }
0x40: {  	v7 =	vld [tilespmem:s22+$0x400];
	[tilespmem:s20+$0x16B0 ss:$0x21] =	vst.msk $0xffff, v3  }
0x41: {  	v8 =	vld [tilespmem:s22+$0x800];
	[tilespmem:s20+$0x2520 ss:$0x21] =	vst.msk $0xffff, v10  }
0x42: {  	v9 =	vld.idx.msk [tilespmem:v0+s18+$0x470 ss:$0x1], $0xffff;
	[tilespmem:s20+$0x2730 ss:$0x21] =	vst.msk $0xffff, v11  }
0x43: {  	v3 =	vld.idx.msk [tilespmem:v0+s18+$0xC10 ss:$0x1], $0xffff;
	[tilespmem:s20+$0x2940 ss:$0x21] =	vst.msk $0xffff, v12  }
0x44: {  	v1 =	vld.idx.msk [tilespmem:v0+s18+$0xC20 ss:$0x1], $0xffff;
	[tilespmem:s20+$0x2B50 ss:$0x21] =	vst.msk $0xffff, v13  }
0x45: {  	v2 =	vld.idx.msk [tilespmem:v0+s18+$0xC30 ss:$0x1], $0xffff;
	[tilespmem:s20+$0xA50 ss:$0x21] =	vst.msk $0xffff, v4  }
0x46: {  	[tilespmem:s20+$0xE70 ss:$0x21] =	vst.msk $0xffff, v6;
	v6 =	vld.idx.msk [tilespmem:v0+s18+$0x460 ss:$0x1], $0xffff  }
0x47: {  	v4 =	vld.idx.msk [tilespmem:v0+s18+$0x440 ss:$0x1], $0xffff;
	[tilespmem:s20+$0xC60 ss:$0x21] =	vst.msk $0xffff, v5  }
0x48: {  	v5 =	vld.idx.msk [tilespmem:v0+s18+$0x450 ss:$0x1], $0xffff;
	[tilespmem:s20+$0x1080 ss:$0x21] =	vst.msk $0xffff, v7  }
0x49: {  	[tilespmem:s20+$0x2100 ss:$0x21] =	vst.msk $0xffff, v8;
	v8 =	vld.idx.msk [tilespmem:v0+s18+$0x810 ss:$0x1], $0xffff  }
0x4a: {  	v7 =	vld.idx.msk [tilespmem:v0+s18+$0x860 ss:$0x1], $0xffff;
	[tilespmem:s20+$0x1EF0 ss:$0x21] =	vst.msk $0xffff, v9  }
0x4b: {  	s16 =	smul.u32 $0x10800, s16;
	[tilespmem:s20+$0x1CE0 ss:$0x21] =	vst.msk $0xffff, v6;
	v6 =	vld.idx.msk [tilespmem:v0+s18+$0x870 ss:$0x1], $0xffff  }
0x4c: {  	s23 =	simm.s32 $0x200;
	s24 =	simm.s32 $0x8;
	[tilespmem:s20+$0x18C0 ss:$0x21] =	vst.msk $0xffff, v4;
	v4 =	vld.idx.msk [tilespmem:v0+s18+$0xC40 ss:$0x1], $0xffff  }
0x4d: {  	s25 =	sand.u32 $0x3000, s23;
	s16 =	sshrl.u32 s16, $0x2;
	s22 =	simm.s32 $0x80;
	[tilespmem:s20+$0x1AD0 ss:$0x21] =	vst.msk $0xffff, v5;
	v5 =	vld.idx.msk [tilespmem:v0+s18+$0xC50 ss:$0x1], $0xffff  }
0x4e: {  	s21 =	simm.s32 $0x4;
	s16 =	sor.u32 $0x8000, s16;
	s26 =	sand.u32 $0x380, s22;
	[tilespmem:s20+$0x2310 ss:$0x21] =	vst.msk $0xffff, v8;
	v8 =	vld.idx.msk [tilespmem:v0+s18+$0xC60 ss:$0x1], $0xffff  }
.LBB1_3:
0x4f: {  	p1 =	sne.s32 s24, $0x7C;
	[tilespmem:s20+$0x2D60 ss:$0x21] =	vst.msk $0xffff, v7;
	v7 =	vld.idx.msk [tilespmem:v0+s18+$0xC70 ss:$0x1], $0xffff;
	s18 =	sor.u32 s26, s25  }
0x50: {  	s25 =	sand.u32 $0x3200, s18;
	v9 =	vld.idx.msk [tilespmem:v0+s18+$0x410 ss:$0x1], $0xffff;
	[tilespmem:s20+$0x2F70 ss:$0x21] =	vst.msk $0xffff, v6  }
0x51: {  	s26 =	sand.u32 $0x180, s22;
	s25 =	sadd.s32 s25, s17;
	v6 =	vld.idx.msk [tilespmem:v0+s18+$0x420 ss:$0x1], $0xffff;
	[tilespmem:s20+$0x3390 ss:$0x21] =	vst.msk $0xffff, v3  }
0x52: {  	s25 =	sadd.s32 s26, s25;
	v3 =	vld.idx.msk [tilespmem:v0+s18+$0x430 ss:$0x1], $0xffff;
	[tilespmem:s20+$0x35A0 ss:$0x21] =	vst.msk $0xffff, v1  }
0x53: {  	v1 =	vld [tilespmem:s25+$0xC00];
	[tilespmem:s20+$0x37B0 ss:$0x21] =	vst.msk $0xffff, v2  }
0x54: {  	v2 =	vld [tilespmem:s25+$0x0];
	[tilespmem:s20+$0x39C0 ss:$0x21] =	vst.msk $0xffff, v4  }
0x55: {  	v4 =	vld [tilespmem:s25+$0x10];
	[tilespmem:s20+$0x3BD0 ss:$0x21] =	vst.msk $0xffff, v5  }
0x56: {  	s26 =	sshra.s32 s21, $0x2;
	s21 =	smov.u32 s24;
	v5 =	vld [tilespmem:s25+$0x20];
	[tilespmem:s20+$0x3DE0 ss:$0x21] =	vst.msk $0xffff, v8  }
0x57: {  	v8 =	vld [tilespmem:s25+$0x30];
	[tilespmem:s20+$0x3FF0 ss:$0x21] =	vst.msk $0xffff, v7;
	s20 =	sadd.s32 s26, s19  }
0x58: {  	v7 =	vld [tilespmem:s25+$0x40];
	[tilespmem:s20+$0x3180 ss:$0x21] =	vst.msk $0xffff, v1  }
0x59: {  	[tilespmem:s20+$0x0 ss:$0x21] =	vst.msk $0xffff, v2;
	v1 =	vld [tilespmem:s25+$0x50]  }
0x5a: {  	[tilespmem:s20+$0x210 ss:$0x21] =	vst.msk $0xffff, v4;
	v2 =	vld [tilespmem:s25+$0x60]  }
0x5b: {  	[tilespmem:s20+$0x420 ss:$0x21] =	vst.msk $0xffff, v5;
	v4 =	vld [tilespmem:s25+$0x70]  }
0x5c: {  	[tilespmem:s20+$0x630 ss:$0x21] =	vst.msk $0xffff, v8;
	v5 =	vld [tilespmem:s25+$0x400]  }
0x5d: {  	[tilespmem:s20+$0x840 ss:$0x21] =	vst.msk $0xffff, v7;
	v7 =	vld [tilespmem:s25+$0x800]  }
0x5e: {  	[tilespmem:s20+$0xA50 ss:$0x21] =	vst.msk $0xffff, v1;
	v1 =	vld.idx.msk [tilespmem:v0+s18+$0x440 ss:$0x1], $0xffff  }
0x5f: {  	[tilespmem:s20+$0xC60 ss:$0x21] =	vst.msk $0xffff, v2;
	v2 =	vld.idx.msk [tilespmem:v0+s18+$0x450 ss:$0x1], $0xffff  }
0x60: {  	[tilespmem:s20+$0xE70 ss:$0x21] =	vst.msk $0xffff, v4;
	v4 =	vld.idx.msk [tilespmem:v0+s18+$0x460 ss:$0x1], $0xffff  }
0x61: {  	[tilespmem:s20+$0x1080 ss:$0x21] =	vst.msk $0xffff, v5;
	v5 =	vld.idx.msk [tilespmem:v0+s18+$0x470 ss:$0x1], $0xffff  }
0x62: {  	[tilespmem:s20+$0x2100 ss:$0x21] =	vst.msk $0xffff, v7;
	v8 =	vld.idx.msk [tilespmem:v0+s18+$0x810 ss:$0x1], $0xffff  }
0x63: {  	[tilespmem:s20+$0x1290 ss:$0x21] =	vst.msk $0xffff, v9;
	v9 =	vld.idx.msk [tilespmem:v0+s18+$0x820 ss:$0x1], $0xffff  }
0x64: {  	[tilespmem:s20+$0x14A0 ss:$0x21] =	vst.msk $0xffff, v6;
	v10 =	vld.idx.msk [tilespmem:v0+s18+$0x830 ss:$0x1], $0xffff  }
0x65: {  	[tilespmem:s20+$0x16B0 ss:$0x21] =	vst.msk $0xffff, v3;
	v11 =	vld.idx.msk [tilespmem:v0+s18+$0x840 ss:$0x1], $0xffff  }
0x66: {  	[tilespmem:s20+$0x18C0 ss:$0x21] =	vst.msk $0xffff, v1;
	v12 =	vld.idx.msk [tilespmem:v0+s18+$0x850 ss:$0x1], $0xffff  }
0x67: {  	[tilespmem:s20+$0x1AD0 ss:$0x21] =	vst.msk $0xffff, v2;
	v7 =	vld.idx.msk [tilespmem:v0+s18+$0x860 ss:$0x1], $0xffff  }
0x68: {  	[tilespmem:s20+$0x1CE0 ss:$0x21] =	vst.msk $0xffff, v4;
	v6 =	vld.idx.msk [tilespmem:v0+s18+$0x870 ss:$0x1], $0xffff  }
0x69: {  	[tilespmem:s20+$0x1EF0 ss:$0x21] =	vst.msk $0xffff, v5;
	v3 =	vld.idx.msk [tilespmem:v0+s18+$0xC10 ss:$0x1], $0xffff  }
.Ltmp3:
0x6a: {  	[tilespmem:s20+$0x2310 ss:$0x21] =	vst.msk $0xffff, v8;
	v1 =	vld.idx.msk [tilespmem:v0+s18+$0xC20 ss:$0x1], $0xffff;
	(pc) =	sbr.rel @p1 .LBB1_3-.Ltmp3, $4  }
0x6b: {  	[tilespmem:s20+$0x2520 ss:$0x21] =	vst.msk $0xffff, v9;
	v2 =	vld.idx.msk [tilespmem:v0+s18+$0xC30 ss:$0x1], $0xffff  }
0x6c: {  	[tilespmem:s20+$0x2730 ss:$0x21] =	vst.msk $0xffff, v10;
	v4 =	vld.idx.msk [tilespmem:v0+s18+$0xC40 ss:$0x1], $0xffff  }
0x6d: {  	s22 =	sadd.s32 $0x80, s22;
	s23 =	sadd.s32 $0x200, s23;
	[tilespmem:s20+$0x2940 ss:$0x21] =	vst.msk $0xffff, v11;
	v5 =	vld.idx.msk [tilespmem:v0+s18+$0xC50 ss:$0x1], $0xffff  }
0x6e: {  	s24 =	sadd.s32 $0x4, s24;
	s26 =	sand.u32 $0x380, s22;
	s25 =	sand.u32 $0x3000, s23;
	[tilespmem:s20+$0x2B50 ss:$0x21] =	vst.msk $0xffff, v12;
	v8 =	vld.idx.msk [tilespmem:v0+s18+$0xC60 ss:$0x1], $0xffff  }
0x6f: {  	_ = 	snop  }
0x70: {  	[tilespmem:s20+$0x2D60 ss:$0x21] =	vst.msk $0xffff, v7  }
0x71: {  	[tilespmem:s20+$0x2F70 ss:$0x21] =	vst.msk $0xffff, v6  }
0x72: {  	[tilespmem:s20+$0x3390 ss:$0x21] =	vst.msk $0xffff, v3  }
0x73: {  	s23 =	sor.u32 s26, s25;
	v31 =	vld.idx.msk [tilespmem:v0+s18+$0xC70 ss:$0x1], $0xffff;
	[tilespmem:s20+$0x35A0 ss:$0x21] =	vst.msk $0xffff, v1  }
0x74: {  	[tilespmem:s20+$0x37B0 ss:$0x21] =	vst.msk $0xffff, v2;
	v43 =	vld.idx.msk [tilespmem:v0+s23+$0x410 ss:$0x1], $0xffff  }
0x75: {  	v44 =	vld.idx.msk [tilespmem:v0+s23+$0x420 ss:$0x1], $0xffff;
	[tilespmem:s20+$0x39C0 ss:$0x21] =	vst.msk $0xffff, v4  }
0x76: {  	s24 =	sand.u32 $0x3200, s23;
	v45 =	vld.idx.msk [tilespmem:v0+s23+$0x430 ss:$0x1], $0xffff;
	[tilespmem:s20+$0x3BD0 ss:$0x21] =	vst.msk $0xffff, v5  }
0x77: {  	s22 =	sand.u32 $0x180, s22;
	s26 =	sshra.s32 s21, $0x2;
	v46 =	vld.idx.msk [tilespmem:v0+s23+$0x440 ss:$0x1], $0xffff;
	s17 =	sadd.s32 s24, s17;
	[tilespmem:s20+$0x3DE0 ss:$0x21] =	vst.msk $0xffff, v8  }
0x78: {  	v47 =	vld.idx.msk [tilespmem:v0+s23+$0x450 ss:$0x1], $0xffff;
	s25 =	sadd.s32 s22, s17;
	s17 =	sadd.s32 s26, s19;
	[tilespmem:s20+$0x3FF0 ss:$0x21] =	vst.msk $0xffff, v31  }
0x79: {  	v48 =	vld.idx.msk [tilespmem:v0+s23+$0x460 ss:$0x1], $0xffff;
	[tilespmem:s17+$0x1290 ss:$0x21] =	vst.msk $0xffff, v43  }
0x7a: {  	v49 =	vld.idx.msk [tilespmem:v0+s23+$0x470 ss:$0x1], $0xffff;
	[tilespmem:s17+$0x14A0 ss:$0x21] =	vst.msk $0xffff, v44  }
0x7b: {  	v50 =	vld.idx.msk [tilespmem:v0+s23+$0x810 ss:$0x1], $0xffff;
	[tilespmem:s17+$0x16B0 ss:$0x21] =	vst.msk $0xffff, v45  }
0x7c: {  	v51 =	vld.idx.msk [tilespmem:v0+s23+$0x820 ss:$0x1], $0xffff;
	[tilespmem:s17+$0x18C0 ss:$0x21] =	vst.msk $0xffff, v46  }
0x7d: {  	v52 =	vld.idx.msk [tilespmem:v0+s23+$0x830 ss:$0x1], $0xffff;
	[tilespmem:s17+$0x1AD0 ss:$0x21] =	vst.msk $0xffff, v47  }
0x7e: {  	v53 =	vld.idx.msk [tilespmem:v0+s23+$0x840 ss:$0x1], $0xffff;
	[tilespmem:s17+$0x1CE0 ss:$0x21] =	vst.msk $0xffff, v48  }
0x7f: {  	v54 =	vld.idx.msk [tilespmem:v0+s23+$0x850 ss:$0x1], $0xffff;
	[tilespmem:s17+$0x1EF0 ss:$0x21] =	vst.msk $0xffff, v49  }
0x80: {  	v55 =	vld.idx.msk [tilespmem:v0+s23+$0x860 ss:$0x1], $0xffff;
	[tilespmem:s17+$0x2310 ss:$0x21] =	vst.msk $0xffff, v50  }
0x81: {  	v56 =	vld.idx.msk [tilespmem:v0+s23+$0x870 ss:$0x1], $0xffff;
	[tilespmem:s17+$0x2520 ss:$0x21] =	vst.msk $0xffff, v51  }
0x82: {  	v57 =	vld.idx.msk [tilespmem:v0+s23+$0xC10 ss:$0x1], $0xffff;
	[tilespmem:s17+$0x2730 ss:$0x21] =	vst.msk $0xffff, v52  }
0x83: {  	v58 =	vld.idx.msk [tilespmem:v0+s23+$0xC20 ss:$0x1], $0xffff;
	[tilespmem:s17+$0x2940 ss:$0x21] =	vst.msk $0xffff, v53  }
0x84: {  	v59 =	vld.idx.msk [tilespmem:v0+s23+$0xC30 ss:$0x1], $0xffff;
	[tilespmem:s17+$0x2B50 ss:$0x21] =	vst.msk $0xffff, v54  }
0x85: {  	v60 =	vld.idx.msk [tilespmem:v0+s23+$0xC40 ss:$0x1], $0xffff;
	[tilespmem:s17+$0x2D60 ss:$0x21] =	vst.msk $0xffff, v55  }
0x86: {  	v61 =	vld.idx.msk [tilespmem:v0+s23+$0xC50 ss:$0x1], $0xffff;
	[tilespmem:s17+$0x2F70 ss:$0x21] =	vst.msk $0xffff, v56  }
0x87: {  	v62 =	vld.idx.msk [tilespmem:v0+s23+$0xC60 ss:$0x1], $0xffff;
	[tilespmem:s17+$0x3390 ss:$0x21] =	vst.msk $0xffff, v57  }
0x88: {  	v63 =	vld.idx.msk [tilespmem:v0+s23+$0xC70 ss:$0x1], $0xffff;
	[tilespmem:s17+$0x35A0 ss:$0x21] =	vst.msk $0xffff, v58  }
0x89: {  	v32 =	vld [tilespmem:s25+$0xC00];
	[tilespmem:s17+$0x37B0 ss:$0x21] =	vst.msk $0xffff, v59  }
0x8a: {  	v33 =	vld [tilespmem:s25+$0x0];
	[tilespmem:s17+$0x39C0 ss:$0x21] =	vst.msk $0xffff, v60  }
0x8b: {  	v34 =	vld [tilespmem:s25+$0x10];
	[tilespmem:s17+$0x3BD0 ss:$0x21] =	vst.msk $0xffff, v61  }
0x8c: {  	v35 =	vld [tilespmem:s25+$0x20];
	[tilespmem:s17+$0x3DE0 ss:$0x21] =	vst.msk $0xffff, v62  }
0x8d: {  	v36 =	vld [tilespmem:s25+$0x30];
	[tilespmem:s17+$0x3FF0 ss:$0x21] =	vst.msk $0xffff, v63  }
0x8e: {  	v37 =	vld [tilespmem:s25+$0x40];
	[tilespmem:s17+$0x3180 ss:$0x21] =	vst.msk $0xffff, v32  }
0x8f: {  	v38 =	vld [tilespmem:s25+$0x50];
	[tilespmem:s17+$0x0 ss:$0x21] =	vst.msk $0xffff, v33  }
0x90: {  	v39 =	vld [tilespmem:s25+$0x60];
	[tilespmem:s17+$0x210 ss:$0x21] =	vst.msk $0xffff, v34  }
0x91: {  	s15 =	sshll.u32 s15, $0x7;
	v40 =	vld [tilespmem:s25+$0x70];
	[tilespmem:s17+$0x420 ss:$0x21] =	vst.msk $0xffff, v35  }
0x92: {  	s27 =	sshll.u32 s12, $0x3;
	s14 =	sshll.u32 s14, $0x15;
	s13 =	sshll.u32 s13, $0x11;
	v41 =	vld [tilespmem:s25+$0x400];
	[tilespmem:s17+$0x630 ss:$0x21] =	vst.msk $0xffff, v36  }
0x93: {  	s29 =	sshrl.u32 s12, $0x3;
	s28 =	sand.u32 $0xFFC00, s15;
	s18 =	sand.u32 $0xFFC00, s27;
	v42 =	vld [tilespmem:s25+$0x800];
	[tilespmem:s17+$0x840 ss:$0x21] =	vst.msk $0xffff, v37  }
0x94: {  	s30 =	sand.u32 $0x7, s12;
	s15 =	sand.u32 $0x380, s15;
	s18 =	sadd.s32 s18, s28;
	[tilespmem:s17+$0xA50 ss:$0x21] =	vst.msk $0xffff, v38  }
.Ltmp4:
0x95: {  	s14 =	sadd.s32 s3, s14;
	s15 =	sor.u32 s15, s18;
	[tilespmem:s17+$0xC60 ss:$0x21] =	vst.msk $0xffff, v39;
	(pc) =	sbr.rel .LBB1_5-.Ltmp4, $4  }
0x96: {  	s13 =	sadd.s32 s13, s14;
	s18 =	sand.u32 $0xF, s29;
	s15 =	sshrl.u32 s15, $0x3;
	[tilespmem:s17+$0xE70 ss:$0x21] =	vst.msk $0xffff, v40  }
0x97: {  	s12 =	sshll.u32 s30, $0x12;
	s13 =	sadd.s32 s18, s13;
	s31 =	sand.u32 $0x1FFF0, s15;
	[tilespmem:s17+$0x1080 ss:$0x21] =	vst.msk $0xffff, v41  }
0x98: {  	s12 =	sor.u32 $0x20, s12;
	s13 =	sadd.s32 s31, s13;
	[tilespmem:s17+$0x2100 ss:$0x21] =	vst.msk $0xffff, v42  }
0x99: {  	[hbm4b:s13+s12] =	stream.strided.scatter [tilespmem:s16], [sflag:$0x2], $0x4000, s6, s12, $0x10;
	[tilespmem:$0x10400] =	vst v63  }
.LBB1_6:
0x9a: {  	_ =	sfence.sel $0x180000  }
0x9b: {  	s2 =	simm.s32 $0x1;
	[bflag:$0x0] =	sbarrier.arrive $0xFFFF  }
0x9c: {  	s31 =	simm.s32 $0x2;
	[sflag:s2] =	ssyncpa.u1 $0x1  }
0x9d: {  	[sflag:s31] =	ssyncpa.u1 $0x1  }
0x9e: {  	p0 =	sne.s32 s1, $0x0;
	_ =	strace $0x90000047  }
0x9f: {  	s0 =	sadd.s32 @!p0 $0x100000, s0;
	[bflag:$0x2] =	sbarrier.arrive $0xFFFF  }
0xa0: {  	[sflag:s0] =	ssyncadd.tile.s32 @!p0 $0x1;
	_ =	shalt  }
.Lfunc_end1:
_tile_overlayer_lowered:
.L_overlay_start_2:
0xa1: {  	(tag) =	ssettag $0x2  }
0xa2: {  	s0 =	rddreg [dreg:$0x0];
	s2 =	stileid.u32  }
0xa3: {  	s1 =	rddreg [dreg:$0x1];
	p0 =	sne.s32 s2, $0x0  }
0xa4: {  	s3 =	rddreg [dreg:$0x2];
	[bflag:$0x3] =	sbarrier.arrive $0xFFFF;
	s2 =	simm.s32 @!p0 $0x1C01  }
0xa5: {  	[timem:s3], [sflag:s2] =	dma.local @!p0 [hbm:s0], s1  }
0xa6: {  	s0 =	simm.s32 @!p0 $0x1  }
0xa7: {  	_ =	swait.ge @!p0 [sflag:s0], s1  }
0xa8: {  	s1 =	ssub.s32 @!p0 $0x0, s1;
	[sflag:s0] =	ssyncset.done @!p0 $0x0  }
0xa9: {  	[sflag:s0] =	ssyncadd.s32 @!p0 s1  }
0xaa: {  	[bflag:$0x3] =	sbarrier.arrive $0xFFFF  }
0xab: {  	_ =	shalt  }

</sc_bundles>
